<compile_context>
chip_gen: v7x
topology: tpu7x:2x2x1
jax: 0.10.2.dev20260603
libtpu: 0.0.44.dev20260713+nightly
codegen_flags: <defaults>
</compile_context>

<pallas_src>
import functools
import math

import jax
import jax.numpy as jnp
from jax import lax
from jax.experimental import pallas as pl
from jax.experimental.pallas import tpu as pltpu
from jax.experimental.pallas import tpu_sc as plsc

EMBED_DIM = 64
SCALE = math.sqrt(EMBED_DIM)

B, T = 4096, 200
N = B * T
NUM_CORES = 2
NUM_SUBCORES = 16
NW = NUM_CORES * NUM_SUBCORES
ROWS_PER_W = N // NW
CHUNK = 128
NCHUNK = ROWS_PER_W // CHUNK
NBUF = 8
NGROUP = NCHUNK // NBUF


def _sc_embedding_lookup(x_flat, table):
    mesh = plsc.VectorSubcoreMesh(core_axis_name="c", subcore_axis_name="s")

    scratch = (
        [pltpu.VMEM((ROWS_PER_W,), jnp.int32)]
        + [pltpu.VMEM((CHUNK, EMBED_DIM), jnp.float32)] * NBUF
        + [pltpu.SemaphoreType.DMA] * NBUF
    )

    @functools.partial(
        pl.kernel,
        mesh=mesh,
        compiler_params=pltpu.CompilerParams(use_tc_tiling_on_sc=False),
        out_type=jax.ShapeDtypeStruct((N, EMBED_DIM), jnp.float32),
        scratch_types=scratch,
    )
    def k(idx_hbm, table_hbm, out_hbm, idx_v, *bufs_and_sems):
        rows = bufs_and_sems[:NBUF]
        sems = bufs_and_sems[NBUF:]
        wid = lax.axis_index("s") * NUM_CORES + lax.axis_index("c")
        base = wid * ROWS_PER_W

        pltpu.sync_copy(idx_hbm.at[pl.ds(base, ROWS_PER_W)], idx_v)

        def fire(ci, b):
            src = table_hbm.at[idx_v.at[pl.ds(ci * CHUNK, CHUNK)]]
            pltpu.async_copy(src, rows[b], sems[b])

        def drain(ci, b):
            src = table_hbm.at[idx_v.at[pl.ds(ci * CHUNK, CHUNK)]]
            pltpu.make_async_copy(src, rows[b], sems[b]).wait()

        def scale_and_store(ci, b):
            @plsc.parallel_loop(0, CHUNK, step=1, unroll=4)
            def _(r):
                for j in range(EMBED_DIM // 16):
                    sl = pl.ds(j * 16, 16)
                    rows[b][r, sl] = rows[b][r, sl] * SCALE

            pltpu.sync_copy(rows[b], out_hbm.at[pl.ds(base + ci * CHUNK, CHUNK)])

        for b in range(NBUF):
            fire(b, b)

        def group_body(g, _):
            for b in range(NBUF):
                ci = g * NBUF + b
                drain(ci, b)
                scale_and_store(ci, b)
                fire(ci + NBUF, b)
            return 0

        lax.fori_loop(0, NGROUP - 1, group_body, 0)

        for b in range(NBUF):
            ci = (NGROUP - 1) * NBUF + b
            drain(ci, b)
            scale_and_store(ci, b)

    return k(x_flat, table)


def kernel(x, table):
    x_flat = x.reshape(N)
    out = _sc_embedding_lookup(x_flat, table)
    return out.reshape(B, T, EMBED_DIM)

# --- scband reference (transcript-rebuilt; emitter-appended) ---
"""Pipeline reference for scband-token-embedding-5497558139124 (READ-ONLY COPY).

The authoritative reference and input builder live on the scoring server;
editing this copy changes nothing except your own understanding.
"""

import jax, jax.numpy as jnp
import numpy as np
import math

VOCAB = 1000000
EMBED_DIM = 64

def setup_inputs(seed: int = 0) -> dict:
    key = jax.random.key(seed)
    k1, k2 = jax.random.split(key)
    x = jax.random.randint(k1, (4096, 200), 0, VOCAB, dtype=jnp.int64 if jax.config.read('jax_enable_x64') else jnp.int32)
    table = jax.random.normal(k2, (VOCAB, EMBED_DIM), dtype=jnp.float32) * 0.02
    return {"x": x, "table": table}

def reference(x, table):
    # embedding lookup scaled by sqrt(embed_dim)
    out = jnp.take(table, x, axis=0) * math.sqrt(EMBED_DIM)
    return out

if __name__ == "__main__":
    import jax
    _d = setup_inputs()
    print(jax.jit(kernel)(*tuple(_d.values())))

</pallas_src>

<mosaic_0001>
#map = affine_map<(d0, d1) -> (0)>
#map1 = affine_map<(d0, d1) -> (0, 0)>
module attributes {stable_mosaic.version = 14 : i64} {
  func.func @k(%arg0: i32, %arg1: i32, %arg2: memref<819200xi32, #tpu.memory_space<hbm>>, %arg3: memref<1000000x64xf32, #tpu.memory_space<hbm>>, %arg4: memref<819200x64xf32, #tpu.memory_space<hbm>>, %arg5: memref<25600xi32, #tpu.memory_space<vmem>>, %arg6: memref<128x64xf32, #tpu.memory_space<vmem>>, %arg7: memref<128x64xf32, #tpu.memory_space<vmem>>, %arg8: memref<128x64xf32, #tpu.memory_space<vmem>>, %arg9: memref<128x64xf32, #tpu.memory_space<vmem>>, %arg10: memref<128x64xf32, #tpu.memory_space<vmem>>, %arg11: memref<128x64xf32, #tpu.memory_space<vmem>>, %arg12: memref<128x64xf32, #tpu.memory_space<vmem>>, %arg13: memref<128x64xf32, #tpu.memory_space<vmem>>, %arg14: memref<!tpu.dma_semaphore, #tpu.memory_space<semaphore_mem>>, %arg15: memref<!tpu.dma_semaphore, #tpu.memory_space<semaphore_mem>>, %arg16: memref<!tpu.dma_semaphore, #tpu.memory_space<semaphore_mem>>, %arg17: memref<!tpu.dma_semaphore, #tpu.memory_space<semaphore_mem>>, %arg18: memref<!tpu.dma_semaphore, #tpu.memory_space<semaphore_mem>>, %arg19: memref<!tpu.dma_semaphore, #tpu.memory_space<semaphore_mem>>, %arg20: memref<!tpu.dma_semaphore, #tpu.memory_space<semaphore_mem>>, %arg21: memref<!tpu.dma_semaphore, #tpu.memory_space<semaphore_mem>>) attributes {dimension_semantics = [#tpu.dimension_semantics<core_parallel>, #tpu.dimension_semantics<subcore_parallel>], iteration_bounds = array<i64: 2, 16>, scalar_prefetch = 0 : i64, scratch_operands = 17 : i64, tpu.core_type = #tpu.core_type<sc_vector_subcore>, window_params = [{transform_indices = #map}, {transform_indices = #map1}, {transform_indices = #map1}]} {
    %mul3A = arith.constant 2 : i32
    %mul3A_0 = arith.muli %arg1, %mul3A : i32
    %add3A = arith.addi %mul3A_0, %arg0 : i32
    %mul3A_1 = arith.constant 25600 : i32
    %mul3A_2 = arith.muli %add3A, %mul3A_1 : i32
    "tpu.region"() ({
      %run_scoped3A = tpu.sem_alloc : memref<!tpu.dma_semaphore, #tpu.memory_space<semaphore_mem>>
      %dma_start3A_126 = tpu.memref_slice %arg2[%mul3A_2] : memref<819200xi32, #tpu.memory_space<hbm>> -> memref<25600xi32, #tpu.memory_space<hbm>>
      %dma_start3A_127 = tpu.memref_slice %arg2[%mul3A_2] : memref<819200xi32, #tpu.memory_space<hbm>> -> memref<25600xi32, #tpu.memory_space<hbm>>
      tpu.enqueue_dma source(%dma_start3A_127 : memref<25600xi32, #tpu.memory_space<hbm>>) target(%arg5 : memref<25600xi32, #tpu.memory_space<vmem>>) target_semaphore(%run_scoped3A : memref<!tpu.dma_semaphore, #tpu.memory_space<semaphore_mem>>)
      %dma_wait3A_128 = tpu.memref_slice %arg2[%mul3A_2] : memref<819200xi32, #tpu.memory_space<hbm>> -> memref<25600xi32, #tpu.memory_space<hbm>>
      %dma_wait3A_129 = tpu.memref_slice %arg2[%mul3A_2] : memref<819200xi32, #tpu.memory_space<hbm>> -> memref<25600xi32, #tpu.memory_space<hbm>>
      tpu.wait_dma2 semaphore(%run_scoped3A : memref<!tpu.dma_semaphore, #tpu.memory_space<semaphore_mem>>) src(%dma_wait3A_129 : memref<25600xi32, #tpu.memory_space<hbm>>) dst(%arg5 : memref<25600xi32, #tpu.memory_space<vmem>>)
      tpu.yield
    }) : () -> ()
    %dma_start3A = arith.constant 0 : i32
    %dma_start3A_3 = tpu.memref_slice %arg5[%dma_start3A] : memref<25600xi32, #tpu.memory_space<vmem>> -> memref<128xi32, #tpu.memory_space<vmem>>
    %dma_start3A_4 = arith.constant 0 : i32
    %dma_start3A_5 = arith.constant 0 : i32
    %dma_start3A_6 = tpu.memref_slice %arg3[%dma_start3A_4, %dma_start3A_5] : memref<1000000x64xf32, #tpu.memory_space<hbm>> -> memref<1000000x64xf32, #tpu.memory_space<hbm>>
    tpu.enqueue_indirect_dma source(%dma_start3A_6 : memref<1000000x64xf32, #tpu.memory_space<hbm>>) target(%arg6 : memref<128x64xf32, #tpu.memory_space<vmem>>) offsets(%dma_start3A_3 : memref<128xi32, #tpu.memory_space<vmem>>) semaphore(%arg14 : memref<!tpu.dma_semaphore, #tpu.memory_space<semaphore_mem>>)
    %dma_start3A_7 = arith.constant 128 : i32
    %dma_start3A_8 = tpu.memref_slice %arg5[%dma_start3A_7] : memref<25600xi32, #tpu.memory_space<vmem>> -> memref<128xi32, #tpu.memory_space<vmem>>
    %dma_start3A_9 = arith.constant 0 : i32
    %dma_start3A_10 = arith.constant 0 : i32
    %dma_start3A_11 = tpu.memref_slice %arg3[%dma_start3A_9, %dma_start3A_10] : memref<1000000x64xf32, #tpu.memory_space<hbm>> -> memref<1000000x64xf32, #tpu.memory_space<hbm>>
    tpu.enqueue_indirect_dma source(%dma_start3A_11 : memref<1000000x64xf32, #tpu.memory_space<hbm>>) target(%arg7 : memref<128x64xf32, #tpu.memory_space<vmem>>) offsets(%dma_start3A_8 : memref<128xi32, #tpu.memory_space<vmem>>) semaphore(%arg15 : memref<!tpu.dma_semaphore, #tpu.memory_space<semaphore_mem>>)
    %dma_start3A_12 = arith.constant 256 : i32
    %dma_start3A_13 = tpu.memref_slice %arg5[%dma_start3A_12] : memref<25600xi32, #tpu.memory_space<vmem>> -> memref<128xi32, #tpu.memory_space<vmem>>
    %dma_start3A_14 = arith.constant 0 : i32
    %dma_start3A_15 = arith.constant 0 : i32
    %dma_start3A_16 = tpu.memref_slice %arg3[%dma_start3A_14, %dma_start3A_15] : memref<1000000x64xf32, #tpu.memory_space<hbm>> -> memref<1000000x64xf32, #tpu.memory_space<hbm>>
    tpu.enqueue_indirect_dma source(%dma_start3A_16 : memref<1000000x64xf32, #tpu.memory_space<hbm>>) target(%arg8 : memref<128x64xf32, #tpu.memory_space<vmem>>) offsets(%dma_start3A_13 : memref<128xi32, #tpu.memory_space<vmem>>) semaphore(%arg16 : memref<!tpu.dma_semaphore, #tpu.memory_space<semaphore_mem>>)
    %dma_start3A_17 = arith.constant 384 : i32
    %dma_start3A_18 = tpu.memref_slice %arg5[%dma_start3A_17] : memref<25600xi32, #tpu.memory_space<vmem>> -> memref<128xi32, #tpu.memory_space<vmem>>
    %dma_start3A_19 = arith.constant 0 : i32
    %dma_start3A_20 = arith.constant 0 : i32
    %dma_start3A_21 = tpu.memref_slice %arg3[%dma_start3A_19, %dma_start3A_20] : memref<1000000x64xf32, #tpu.memory_space<hbm>> -> memref<1000000x64xf32, #tpu.memory_space<hbm>>
    tpu.enqueue_indirect_dma source(%dma_start3A_21 : memref<1000000x64xf32, #tpu.memory_space<hbm>>) target(%arg9 : memref<128x64xf32, #tpu.memory_space<vmem>>) offsets(%dma_start3A_18 : memref<128xi32, #tpu.memory_space<vmem>>) semaphore(%arg17 : memref<!tpu.dma_semaphore, #tpu.memory_space<semaphore_mem>>)
    %dma_start3A_22 = arith.constant 512 : i32
    %dma_start3A_23 = tpu.memref_slice %arg5[%dma_start3A_22] : memref<25600xi32, #tpu.memory_space<vmem>> -> memref<128xi32, #tpu.memory_space<vmem>>
    %dma_start3A_24 = arith.constant 0 : i32
    %dma_start3A_25 = arith.constant 0 : i32
    %dma_start3A_26 = tpu.memref_slice %arg3[%dma_start3A_24, %dma_start3A_25] : memref<1000000x64xf32, #tpu.memory_space<hbm>> -> memref<1000000x64xf32, #tpu.memory_space<hbm>>
    tpu.enqueue_indirect_dma source(%dma_start3A_26 : memref<1000000x64xf32, #tpu.memory_space<hbm>>) target(%arg10 : memref<128x64xf32, #tpu.memory_space<vmem>>) offsets(%dma_start3A_23 : memref<128xi32, #tpu.memory_space<vmem>>) semaphore(%arg18 : memref<!tpu.dma_semaphore, #tpu.memory_space<semaphore_mem>>)
    %dma_start3A_27 = arith.constant 640 : i32
    %dma_start3A_28 = tpu.memref_slice %arg5[%dma_start3A_27] : memref<25600xi32, #tpu.memory_space<vmem>> -> memref<128xi32, #tpu.memory_space<vmem>>
    %dma_start3A_29 = arith.constant 0 : i32
    %dma_start3A_30 = arith.constant 0 : i32
    %dma_start3A_31 = tpu.memref_slice %arg3[%dma_start3A_29, %dma_start3A_30] : memref<1000000x64xf32, #tpu.memory_space<hbm>> -> memref<1000000x64xf32, #tpu.memory_space<hbm>>
    tpu.enqueue_indirect_dma source(%dma_start3A_31 : memref<1000000x64xf32, #tpu.memory_space<hbm>>) target(%arg11 : memref<128x64xf32, #tpu.memory_space<vmem>>) offsets(%dma_start3A_28 : memref<128xi32, #tpu.memory_space<vmem>>) semaphore(%arg19 : memref<!tpu.dma_semaphore, #tpu.memory_space<semaphore_mem>>)
    %dma_start3A_32 = arith.constant 768 : i32
    %dma_start3A_33 = tpu.memref_slice %arg5[%dma_start3A_32] : memref<25600xi32, #tpu.memory_space<vmem>> -> memref<128xi32, #tpu.memory_space<vmem>>
    %dma_start3A_34 = arith.constant 0 : i32
    %dma_start3A_35 = arith.constant 0 : i32
    %dma_start3A_36 = tpu.memref_slice %arg3[%dma_start3A_34, %dma_start3A_35] : memref<1000000x64xf32, #tpu.memory_space<hbm>> -> memref<1000000x64xf32, #tpu.memory_space<hbm>>
    tpu.enqueue_indirect_dma source(%dma_start3A_36 : memref<1000000x64xf32, #tpu.memory_space<hbm>>) target(%arg12 : memref<128x64xf32, #tpu.memory_space<vmem>>) offsets(%dma_start3A_33 : memref<128xi32, #tpu.memory_space<vmem>>) semaphore(%arg20 : memref<!tpu.dma_semaphore, #tpu.memory_space<semaphore_mem>>)
    %dma_start3A_37 = arith.constant 896 : i32
    %dma_start3A_38 = tpu.memref_slice %arg5[%dma_start3A_37] : memref<25600xi32, #tpu.memory_space<vmem>> -> memref<128xi32, #tpu.memory_space<vmem>>
    %dma_start3A_39 = arith.constant 0 : i32
    %dma_start3A_40 = arith.constant 0 : i32
    %dma_start3A_41 = tpu.memref_slice %arg3[%dma_start3A_39, %dma_start3A_40] : memref<1000000x64xf32, #tpu.memory_space<hbm>> -> memref<1000000x64xf32, #tpu.memory_space<hbm>>
    tpu.enqueue_indirect_dma source(%dma_start3A_41 : memref<1000000x64xf32, #tpu.memory_space<hbm>>) target(%arg13 : memref<128x64xf32, #tpu.memory_space<vmem>>) offsets(%dma_start3A_38 : memref<128xi32, #tpu.memory_space<vmem>>) semaphore(%arg21 : memref<!tpu.dma_semaphore, #tpu.memory_space<semaphore_mem>>)
    %scan3A = arith.constant 0 : i32
    %scan3A_42 = arith.constant 0 : i32
    %scan3A_43 = arith.constant 24 : i32
    %scan3A_44 = arith.addi %scan3A_42, %scan3A_43 : i32
    %scan3A_45 = arith.constant 1 : i32
    %scan3A_46 = scf.for %scan3A_126 = %scan3A_42 to %scan3A_44 step %scan3A_45 iter_args(%scan3A_127 = %scan3A) -> (i32)  : i32 {
      %mul3A_128 = arith.constant 8 : i32
      %mul3A_129 = arith.muli %scan3A_126, %mul3A_128 : i32
      %add3A_130 = arith.constant 0 : i32
      %add3A_131 = arith.addi %mul3A_129, %add3A_130 : i32
      %mul3A_132 = arith.constant 128 : i32
      %mul3A_133 = arith.muli %add3A_131, %mul3A_132 : i32
      %dma_wait3A_134 = tpu.memref_slice %arg5[%mul3A_133] : memref<25600xi32, #tpu.memory_space<vmem>> -> memref<128xi32, #tpu.memory_space<vmem>>
      %dma_wait3A_135 = arith.constant 0 : i32
      %dma_wait3A_136 = arith.constant 0 : i32
      %dma_wait3A_137 = tpu.memref_slice %arg3[%dma_wait3A_135, %dma_wait3A_136] : memref<1000000x64xf32, #tpu.memory_space<hbm>> -> memref<1000000x64xf32, #tpu.memory_space<hbm>>
      tpu.wait_indirect_dma semaphore(%arg14 : memref<!tpu.dma_semaphore, #tpu.memory_space<semaphore_mem>>) src(%dma_wait3A_137 : memref<1000000x64xf32, #tpu.memory_space<hbm>>) dst(%arg6 : memref<128x64xf32, #tpu.memory_space<vmem>>)
      %parallel_loop3A_138 = arith.constant 0 : i32
      %parallel_loop3A_139 = arith.constant 128 : i32
      %parallel_loop3A_140 = arith.constant 1 : i32
      scf.for %parallel_loop3A_321 = %parallel_loop3A_138 to %parallel_loop3A_139 step %parallel_loop3A_140  : i32 {
        %parallel_loop3A_322 = arith.index_cast %parallel_loop3A_321 : i32 to index
        %parallel_loop3A_323 = arith.constant 0 : index
        %parallel_loop3A_324 = tpu.vector_load %arg6[%parallel_loop3A_322, %parallel_loop3A_323] {strides = array<i32>} : memref<128x64xf32, #tpu.memory_space<vmem>>, vector<1x16xf32>,
        %parallel_loop3A_325 = vector.shape_cast %parallel_loop3A_324 : vector<1x16xf32> to vector<16xf32>
        %parallel_loop3A_326 = arith.constant 8.000000e+00 : f32
        %parallel_loop3A_327 = vector.broadcast %parallel_loop3A_326 : f32 to vector<16xf32>
        %parallel_loop3A_328 = arith.mulf %parallel_loop3A_325, %parallel_loop3A_327 : vector<16xf32>
        %parallel_loop3A_329 = arith.index_cast %parallel_loop3A_321 : i32 to index
        %parallel_loop3A_330 = arith.constant 0 : index
        %parallel_loop3A_331 = tpu.vector_load %arg6[%parallel_loop3A_329, %parallel_loop3A_330] {strides = array<i32>} : memref<128x64xf32, #tpu.memory_space<vmem>>, vector<1x16xf32>,
        %parallel_loop3A_332 = vector.shape_cast %parallel_loop3A_331 : vector<1x16xf32> to vector<16xf32>
        %parallel_loop3A_333 = vector.shape_cast %parallel_loop3A_328 : vector<16xf32> to vector<1x16xf32>
        tpu.vector_store %arg6[%parallel_loop3A_329, %parallel_loop3A_330], %parallel_loop3A_333 {strides = array<i32>} : memref<128x64xf32, #tpu.memory_space<vmem>>, vector<1x16xf32>,
        %parallel_loop3A_334 = arith.index_cast %parallel_loop3A_321 : i32 to index
        %parallel_loop3A_335 = arith.constant 16 : index
        %parallel_loop3A_336 = tpu.vector_load %arg6[%parallel_loop3A_334, %parallel_loop3A_335] {strides = array<i32>} : memref<128x64xf32, #tpu.memory_space<vmem>>, vector<1x16xf32>,
        %parallel_loop3A_337 = vector.shape_cast %parallel_loop3A_336 : vector<1x16xf32> to vector<16xf32>
        %parallel_loop3A_338 = arith.constant 8.000000e+00 : f32
        %parallel_loop3A_339 = vector.broadcast %parallel_loop3A_338 : f32 to vector<16xf32>
        %parallel_loop3A_340 = arith.mulf %parallel_loop3A_337, %parallel_loop3A_339 : vector<16xf32>
        %parallel_loop3A_341 = arith.index_cast %parallel_loop3A_321 : i32 to index
        %parallel_loop3A_342 = arith.constant 16 : index
        %parallel_loop3A_343 = tpu.vector_load %arg6[%parallel_loop3A_341, %parallel_loop3A_342] {strides = array<i32>} : memref<128x64xf32, #tpu.memory_space<vmem>>, vector<1x16xf32>,
        %parallel_loop3A_344 = vector.shape_cast %parallel_loop3A_343 : vector<1x16xf32> to vector<16xf32>
        %parallel_loop3A_345 = vector.shape_cast %parallel_loop3A_340 : vector<16xf32> to vector<1x16xf32>
        tpu.vector_store %arg6[%parallel_loop3A_341, %parallel_loop3A_342], %parallel_loop3A_345 {strides = array<i32>} : memref<128x64xf32, #tpu.memory_space<vmem>>, vector<1x16xf32>,
        %parallel_loop3A_346 = arith.index_cast %parallel_loop3A_321 : i32 to index
        %parallel_loop3A_347 = arith.constant 32 : index
        %parallel_loop3A_348 = tpu.vector_load %arg6[%parallel_loop3A_346, %parallel_loop3A_347] {strides = array<i32>} : memref<128x64xf32, #tpu.memory_space<vmem>>, vector<1x16xf32>,
        %parallel_loop3A_349 = vector.shape_cast %parallel_loop3A_348 : vector<1x16xf32> to vector<16xf32>
        %parallel_loop3A_350 = arith.constant 8.000000e+00 : f32
        %parallel_loop3A_351 = vector.broadcast %parallel_loop3A_350 : f32 to vector<16xf32>
        %parallel_loop3A_352 = arith.mulf %parallel_loop3A_349, %parallel_loop3A_351 : vector<16xf32>
        %parallel_loop3A_353 = arith.index_cast %parallel_loop3A_321 : i32 to index
        %parallel_loop3A_354 = arith.constant 32 : index
        %parallel_loop3A_355 = tpu.vector_load %arg6[%parallel_loop3A_353, %parallel_loop3A_354] {strides = array<i32>} : memref<128x64xf32, #tpu.memory_space<vmem>>, vector<1x16xf32>,
        %parallel_loop3A_356 = vector.shape_cast %parallel_loop3A_355 : vector<1x16xf32> to vector<16xf32>
        %parallel_loop3A_357 = vector.shape_cast %parallel_loop3A_352 : vector<16xf32> to vector<1x16xf32>
        tpu.vector_store %arg6[%parallel_loop3A_353, %parallel_loop3A_354], %parallel_loop3A_357 {strides = array<i32>} : memref<128x64xf32, #tpu.memory_space<vmem>>, vector<1x16xf32>,
        %parallel_loop3A_358 = arith.index_cast %parallel_loop3A_321 : i32 to index
        %parallel_loop3A_359 = arith.constant 48 : index
        %parallel_loop3A_360 = tpu.vector_load %arg6[%parallel_loop3A_358, %parallel_loop3A_359] {strides = array<i32>} : memref<128x64xf32, #tpu.memory_space<vmem>>, vector<1x16xf32>,
        %parallel_loop3A_361 = vector.shape_cast %parallel_loop3A_360 : vector<1x16xf32> to vector<16xf32>
        %parallel_loop3A_362 = arith.constant 8.000000e+00 : f32
        %parallel_loop3A_363 = vector.broadcast %parallel_loop3A_362 : f32 to vector<16xf32>
        %parallel_loop3A_364 = arith.mulf %parallel_loop3A_361, %parallel_loop3A_363 : vector<16xf32>
        %parallel_loop3A_365 = arith.index_cast %parallel_loop3A_321 : i32 to index
        %parallel_loop3A_366 = arith.constant 48 : index
        %parallel_loop3A_367 = tpu.vector_load %arg6[%parallel_loop3A_365, %parallel_loop3A_366] {strides = array<i32>} : memref<128x64xf32, #tpu.memory_space<vmem>>, vector<1x16xf32>,
        %parallel_loop3A_368 = vector.shape_cast %parallel_loop3A_367 : vector<1x16xf32> to vector<16xf32>
        %parallel_loop3A_369 = vector.shape_cast %parallel_loop3A_364 : vector<16xf32> to vector<1x16xf32>
        tpu.vector_store %arg6[%parallel_loop3A_365, %parallel_loop3A_366], %parallel_loop3A_369 {strides = array<i32>} : memref<128x64xf32, #tpu.memory_space<vmem>>, vector<1x16xf32>,
      } {sc.loop_unroll_factor = 4 : i64, sc.parallel_access}
      %mul3A_141 = arith.constant 128 : i32
      %mul3A_142 = arith.muli %add3A_131, %mul3A_141 : i32
      %add3A_143 = arith.addi %mul3A_2, %mul3A_142 : i32
      "tpu.region"() ({
        %run_scoped3A = tpu.sem_alloc : memref<!tpu.dma_semaphore, #tpu.memory_space<semaphore_mem>>
        %dma_start3A_321 = arith.constant 0 : i32
        %dma_start3A_322 = tpu.memref_slice %arg4[%add3A_143, %dma_start3A_321] : memref<819200x64xf32, #tpu.memory_space<hbm>> -> memref<128x64xf32, #tpu.memory_space<hbm>>
        %dma_start3A_323 = arith.constant 0 : i32
        %dma_start3A_324 = tpu.memref_slice %arg4[%add3A_143, %dma_start3A_323] : memref<819200x64xf32, #tpu.memory_space<hbm>> -> memref<128x64xf32, #tpu.memory_space<hbm>>
        tpu.enqueue_dma source(%arg6 : memref<128x64xf32, #tpu.memory_space<vmem>>) target(%dma_start3A_324 : memref<128x64xf32, #tpu.memory_space<hbm>>) target_semaphore(%run_scoped3A : memref<!tpu.dma_semaphore, #tpu.memory_space<semaphore_mem>>)
        %dma_wait3A_325 = arith.constant 0 : i32
        %dma_wait3A_326 = tpu.memref_slice %arg4[%add3A_143, %dma_wait3A_325] : memref<819200x64xf32, #tpu.memory_space<hbm>> -> memref<128x64xf32, #tpu.memory_space<hbm>>
        %dma_wait3A_327 = arith.constant 0 : i32
        %dma_wait3A_328 = tpu.memref_slice %arg4[%add3A_143, %dma_wait3A_327] : memref<819200x64xf32, #tpu.memory_space<hbm>> -> memref<128x64xf32, #tpu.memory_space<hbm>>
        tpu.wait_dma2 semaphore(%run_scoped3A : memref<!tpu.dma_semaphore, #tpu.memory_space<semaphore_mem>>) src(%arg6 : memref<128x64xf32, #tpu.memory_space<vmem>>) dst(%dma_wait3A_328 : memref<128x64xf32, #tpu.memory_space<hbm>>)
        tpu.yield
      }) : () -> ()
      %add3A_144 = arith.constant 8 : i32
      %add3A_145 = arith.addi %add3A_131, %add3A_144 : i32
      %mul3A_146 = arith.constant 128 : i32
      %mul3A_147 = arith.muli %add3A_145, %mul3A_146 : i32
      %dma_start3A_148 = tpu.memref_slice %arg5[%mul3A_147] : memref<25600xi32, #tpu.memory_space<vmem>> -> memref<128xi32, #tpu.memory_space<vmem>>
      %dma_start3A_149 = arith.constant 0 : i32
      %dma_start3A_150 = arith.constant 0 : i32
      %dma_start3A_151 = tpu.memref_slice %arg3[%dma_start3A_149, %dma_start3A_150] : memref<1000000x64xf32, #tpu.memory_space<hbm>> -> memref<1000000x64xf32, #tpu.memory_space<hbm>>
      tpu.enqueue_indirect_dma source(%dma_start3A_151 : memref<1000000x64xf32, #tpu.memory_space<hbm>>) target(%arg6 : memref<128x64xf32, #tpu.memory_space<vmem>>) offsets(%dma_start3A_148 : memref<128xi32, #tpu.memory_space<vmem>>) semaphore(%arg14 : memref<!tpu.dma_semaphore, #tpu.memory_space<semaphore_mem>>)
      %mul3A_152 = arith.constant 8 : i32
      %mul3A_153 = arith.muli %scan3A_126, %mul3A_152 : i32
      %add3A_154 = arith.constant 1 : i32
      %add3A_155 = arith.addi %mul3A_153, %add3A_154 : i32
      %mul3A_156 = arith.constant 128 : i32
      %mul3A_157 = arith.muli %add3A_155, %mul3A_156 : i32
      %dma_wait3A_158 = tpu.memref_slice %arg5[%mul3A_157] : memref<25600xi32, #tpu.memory_space<vmem>> -> memref<128xi32, #tpu.memory_space<vmem>>
      %dma_wait3A_159 = arith.constant 0 : i32
      %dma_wait3A_160 = arith.constant 0 : i32
      %dma_wait3A_161 = tpu.memref_slice %arg3[%dma_wait3A_159, %dma_wait3A_160] : memref<1000000x64xf32, #tpu.memory_space<hbm>> -> memref<1000000x64xf32, #tpu.memory_space<hbm>>
      tpu.wait_indirect_dma semaphore(%arg15 : memref<!tpu.dma_semaphore, #tpu.memory_space<semaphore_mem>>) src(%dma_wait3A_161 : memref<1000000x64xf32, #tpu.memory_space<hbm>>) dst(%arg7 : memref<128x64xf32, #tpu.memory_space<vmem>>)
      %parallel_loop3A_162 = arith.constant 0 : i32
      %parallel_loop3A_163 = arith.constant 128 : i32
      %parallel_loop3A_164 = arith.constant 1 : i32
      scf.for %parallel_loop3A_321 = %parallel_loop3A_162 to %parallel_loop3A_163 step %parallel_loop3A_164  : i32 {
        %parallel_loop3A_322 = arith.index_cast %parallel_loop3A_321 : i32 to index
        %parallel_loop3A_323 = arith.constant 0 : index
        %parallel_loop3A_324 = tpu.vector_load %arg7[%parallel_loop3A_322, %parallel_loop3A_323] {strides = array<i32>} : memref<128x64xf32, #tpu.memory_space<vmem>>, vector<1x16xf32>,
        %parallel_loop3A_325 = vector.shape_cast %parallel_loop3A_324 : vector<1x16xf32> to vector<16xf32>
        %parallel_loop3A_326 = arith.constant 8.000000e+00 : f32
        %parallel_loop3A_327 = vector.broadcast %parallel_loop3A_326 : f32 to vector<16xf32>
        %parallel_loop3A_328 = arith.mulf %parallel_loop3A_325, %parallel_loop3A_327 : vector<16xf32>
        %parallel_loop3A_329 = arith.index_cast %parallel_loop3A_321 : i32 to index
        %parallel_loop3A_330 = arith.constant 0 : index
        %parallel_loop3A_331 = tpu.vector_load %arg7[%parallel_loop3A_329, %parallel_loop3A_330] {strides = array<i32>} : memref<128x64xf32, #tpu.memory_space<vmem>>, vector<1x16xf32>,
        %parallel_loop3A_332 = vector.shape_cast %parallel_loop3A_331 : vector<1x16xf32> to vector<16xf32>
        %parallel_loop3A_333 = vector.shape_cast %parallel_loop3A_328 : vector<16xf32> to vector<1x16xf32>
        tpu.vector_store %arg7[%parallel_loop3A_329, %parallel_loop3A_330], %parallel_loop3A_333 {strides = array<i32>} : memref<128x64xf32, #tpu.memory_space<vmem>>, vector<1x16xf32>,
        %parallel_loop3A_334 = arith.index_cast %parallel_loop3A_321 : i32 to index
        %parallel_loop3A_335 = arith.constant 16 : index
        %parallel_loop3A_336 = tpu.vector_load %arg7[%parallel_loop3A_334, %parallel_loop3A_335] {strides = array<i32>} : memref<128x64xf32, #tpu.memory_space<vmem>>, vector<1x16xf32>,
        %parallel_loop3A_337 = vector.shape_cast %parallel_loop3A_336 : vector<1x16xf32> to vector<16xf32>
        %parallel_loop3A_338 = arith.constant 8.000000e+00 : f32
        %parallel_loop3A_339 = vector.broadcast %parallel_loop3A_338 : f32 to vector<16xf32>
        %parallel_loop3A_340 = arith.mulf %parallel_loop3A_337, %parallel_loop3A_339 : vector<16xf32>
        %parallel_loop3A_341 = arith.index_cast %parallel_loop3A_321 : i32 to index
        %parallel_loop3A_342 = arith.constant 16 : index
        %parallel_loop3A_343 = tpu.vector_load %arg7[%parallel_loop3A_341, %parallel_loop3A_342] {strides = array<i32>} : memref<128x64xf32, #tpu.memory_space<vmem>>, vector<1x16xf32>,
        %parallel_loop3A_344 = vector.shape_cast %parallel_loop3A_343 : vector<1x16xf32> to vector<16xf32>
        %parallel_loop3A_345 = vector.shape_cast %parallel_loop3A_340 : vector<16xf32> to vector<1x16xf32>
        tpu.vector_store %arg7[%parallel_loop3A_341, %parallel_loop3A_342], %parallel_loop3A_345 {strides = array<i32>} : memref<128x64xf32, #tpu.memory_space<vmem>>, vector<1x16xf32>,
        %parallel_loop3A_346 = arith.index_cast %parallel_loop3A_321 : i32 to index
        %parallel_loop3A_347 = arith.constant 32 : index
        %parallel_loop3A_348 = tpu.vector_load %arg7[%parallel_loop3A_346, %parallel_loop3A_347] {strides = array<i32>} : memref<128x64xf32, #tpu.memory_space<vmem>>, vector<1x16xf32>,
        %parallel_loop3A_349 = vector.shape_cast %parallel_loop3A_348 : vector<1x16xf32> to vector<16xf32>
        %parallel_loop3A_350 = arith.constant 8.000000e+00 : f32
        %parallel_loop3A_351 = vector.broadcast %parallel_loop3A_350 : f32 to vector<16xf32>
        %parallel_loop3A_352 = arith.mulf %parallel_loop3A_349, %parallel_loop3A_351 : vector<16xf32>
        %parallel_loop3A_353 = arith.index_cast %parallel_loop3A_321 : i32 to index
        %parallel_loop3A_354 = arith.constant 32 : index
        %parallel_loop3A_355 = tpu.vector_load %arg7[%parallel_loop3A_353, %parallel_loop3A_354] {strides = array<i32>} : memref<128x64xf32, #tpu.memory_space<vmem>>, vector<1x16xf32>,
        %parallel_loop3A_356 = vector.shape_cast %parallel_loop3A_355 : vector<1x16xf32> to vector<16xf32>
        %parallel_loop3A_357 = vector.shape_cast %parallel_loop3A_352 : vector<16xf32> to vector<1x16xf32>
        tpu.vector_store %arg7[%parallel_loop3A_353, %parallel_loop3A_354], %parallel_loop3A_357 {strides = array<i32>} : memref<128x64xf32, #tpu.memory_space<vmem>>, vector<1x16xf32>,
        %parallel_loop3A_358 = arith.index_cast %parallel_loop3A_321 : i32 to index
        %parallel_loop3A_359 = arith.constant 48 : index
        %parallel_loop3A_360 = tpu.vector_load %arg7[%parallel_loop3A_358, %parallel_loop3A_359] {strides = array<i32>} : memref<128x64xf32, #tpu.memory_space<vmem>>, vector<1x16xf32>,
        %parallel_loop3A_361 = vector.shape_cast %parallel_loop3A_360 : vector<1x16xf32> to vector<16xf32>
        %parallel_loop3A_362 = arith.constant 8.000000e+00 : f32
        %parallel_loop3A_363 = vector.broadcast %parallel_loop3A_362 : f32 to vector<16xf32>
        %parallel_loop3A_364 = arith.mulf %parallel_loop3A_361, %parallel_loop3A_363 : vector<16xf32>
        %parallel_loop3A_365 = arith.index_cast %parallel_loop3A_321 : i32 to index
        %parallel_loop3A_366 = arith.constant 48 : index
        %parallel_loop3A_367 = tpu.vector_load %arg7[%parallel_loop3A_365, %parallel_loop3A_366] {strides = array<i32>} : memref<128x64xf32, #tpu.memory_space<vmem>>, vector<1x16xf32>,
        %parallel_loop3A_368 = vector.shape_cast %parallel_loop3A_367 : vector<1x16xf32> to vector<16xf32>
        %parallel_loop3A_369 = vector.shape_cast %parallel_loop3A_364 : vector<16xf32> to vector<1x16xf32>
        tpu.vector_store %arg7[%parallel_loop3A_365, %parallel_loop3A_366], %parallel_loop3A_369 {strides = array<i32>} : memref<128x64xf32, #tpu.memory_space<vmem>>, vector<1x16xf32>,
      } {sc.loop_unroll_factor = 4 : i64, sc.parallel_access}
      %mul3A_165 = arith.constant 128 : i32
      %mul3A_166 = arith.muli %add3A_155, %mul3A_165 : i32
      %add3A_167 = arith.addi %mul3A_2, %mul3A_166 : i32
      "tpu.region"() ({
        %run_scoped3A = tpu.sem_alloc : memref<!tpu.dma_semaphore, #tpu.memory_space<semaphore_mem>>
        %dma_start3A_321 = arith.constant 0 : i32
        %dma_start3A_322 = tpu.memref_slice %arg4[%add3A_167, %dma_start3A_321] : memref<819200x64xf32, #tpu.memory_space<hbm>> -> memref<128x64xf32, #tpu.memory_space<hbm>>
        %dma_start3A_323 = arith.constant 0 : i32
        %dma_start3A_324 = tpu.memref_slice %arg4[%add3A_167, %dma_start3A_323] : memref<819200x64xf32, #tpu.memory_space<hbm>> -> memref<128x64xf32, #tpu.memory_space<hbm>>
        tpu.enqueue_dma source(%arg7 : memref<128x64xf32, #tpu.memory_space<vmem>>) target(%dma_start3A_324 : memref<128x64xf32, #tpu.memory_space<hbm>>) target_semaphore(%run_scoped3A : memref<!tpu.dma_semaphore, #tpu.memory_space<semaphore_mem>>)
        %dma_wait3A_325 = arith.constant 0 : i32
        %dma_wait3A_326 = tpu.memref_slice %arg4[%add3A_167, %dma_wait3A_325] : memref<819200x64xf32, #tpu.memory_space<hbm>> -> memref<128x64xf32, #tpu.memory_space<hbm>>
        %dma_wait3A_327 = arith.constant 0 : i32
        %dma_wait3A_328 = tpu.memref_slice %arg4[%add3A_167, %dma_wait3A_327] : memref<819200x64xf32, #tpu.memory_space<hbm>> -> memref<128x64xf32, #tpu.memory_space<hbm>>
        tpu.wait_dma2 semaphore(%run_scoped3A : memref<!tpu.dma_semaphore, #tpu.memory_space<semaphore_mem>>) src(%arg7 : memref<128x64xf32, #tpu.memory_space<vmem>>) dst(%dma_wait3A_328 : memref<128x64xf32, #tpu.memory_space<hbm>>)
        tpu.yield
      }) : () -> ()
      %add3A_168 = arith.constant 8 : i32
      %add3A_169 = arith.addi %add3A_155, %add3A_168 : i32
      %mul3A_170 = arith.constant 128 : i32
      %mul3A_171 = arith.muli %add3A_169, %mul3A_170 : i32
      %dma_start3A_172 = tpu.memref_slice %arg5[%mul3A_171] : memref<25600xi32, #tpu.memory_space<vmem>> -> memref<128xi32, #tpu.memory_space<vmem>>
      %dma_start3A_173 = arith.constant 0 : i32
      %dma_start3A_174 = arith.constant 0 : i32
      %dma_start3A_175 = tpu.memref_slice %arg3[%dma_start3A_173, %dma_start3A_174] : memref<1000000x64xf32, #tpu.memory_space<hbm>> -> memref<1000000x64xf32, #tpu.memory_space<hbm>>
      tpu.enqueue_indirect_dma source(%dma_start3A_175 : memref<1000000x64xf32, #tpu.memory_space<hbm>>) target(%arg7 : memref<128x64xf32, #tpu.memory_space<vmem>>) offsets(%dma_start3A_172 : memref<128xi32, #tpu.memory_space<vmem>>) semaphore(%arg15 : memref<!tpu.dma_semaphore, #tpu.memory_space<semaphore_mem>>)
      %mul3A_176 = arith.constant 8 : i32
      %mul3A_177 = arith.muli %scan3A_126, %mul3A_176 : i32
      %add3A_178 = arith.constant 2 : i32
      %add3A_179 = arith.addi %mul3A_177, %add3A_178 : i32
      %mul3A_180 = arith.constant 128 : i32
      %mul3A_181 = arith.muli %add3A_179, %mul3A_180 : i32
      %dma_wait3A_182 = tpu.memref_slice %arg5[%mul3A_181] : memref<25600xi32, #tpu.memory_space<vmem>> -> memref<128xi32, #tpu.memory_space<vmem>>
      %dma_wait3A_183 = arith.constant 0 : i32
      %dma_wait3A_184 = arith.constant 0 : i32
      %dma_wait3A_185 = tpu.memref_slice %arg3[%dma_wait3A_183, %dma_wait3A_184] : memref<1000000x64xf32, #tpu.memory_space<hbm>> -> memref<1000000x64xf32, #tpu.memory_space<hbm>>
      tpu.wait_indirect_dma semaphore(%arg16 : memref<!tpu.dma_semaphore, #tpu.memory_space<semaphore_mem>>) src(%dma_wait3A_185 : memref<1000000x64xf32, #tpu.memory_space<hbm>>) dst(%arg8 : memref<128x64xf32, #tpu.memory_space<vmem>>)
      %parallel_loop3A_186 = arith.constant 0 : i32
      %parallel_loop3A_187 = arith.constant 128 : i32
      %parallel_loop3A_188 = arith.constant 1 : i32
      scf.for %parallel_loop3A_321 = %parallel_loop3A_186 to %parallel_loop3A_187 step %parallel_loop3A_188  : i32 {
        %parallel_loop3A_322 = arith.index_cast %parallel_loop3A_321 : i32 to index
        %parallel_loop3A_323 = arith.constant 0 : index
        %parallel_loop3A_324 = tpu.vector_load %arg8[%parallel_loop3A_322, %parallel_loop3A_323] {strides = array<i32>} : memref<128x64xf32, #tpu.memory_space<vmem>>, vector<1x16xf32>,
        %parallel_loop3A_325 = vector.shape_cast %parallel_loop3A_324 : vector<1x16xf32> to vector<16xf32>
        %parallel_loop3A_326 = arith.constant 8.000000e+00 : f32
        %parallel_loop3A_327 = vector.broadcast %parallel_loop3A_326 : f32 to vector<16xf32>
        %parallel_loop3A_328 = arith.mulf %parallel_loop3A_325, %parallel_loop3A_327 : vector<16xf32>
        %parallel_loop3A_329 = arith.index_cast %parallel_loop3A_321 : i32 to index
        %parallel_loop3A_330 = arith.constant 0 : index
        %parallel_loop3A_331 = tpu.vector_load %arg8[%parallel_loop3A_329, %parallel_loop3A_330] {strides = array<i32>} : memref<128x64xf32, #tpu.memory_space<vmem>>, vector<1x16xf32>,
        %parallel_loop3A_332 = vector.shape_cast %parallel_loop3A_331 : vector<1x16xf32> to vector<16xf32>
        %parallel_loop3A_333 = vector.shape_cast %parallel_loop3A_328 : vector<16xf32> to vector<1x16xf32>
        tpu.vector_store %arg8[%parallel_loop3A_329, %parallel_loop3A_330], %parallel_loop3A_333 {strides = array<i32>} : memref<128x64xf32, #tpu.memory_space<vmem>>, vector<1x16xf32>,
        %parallel_loop3A_334 = arith.index_cast %parallel_loop3A_321 : i32 to index
        %parallel_loop3A_335 = arith.constant 16 : index
        %parallel_loop3A_336 = tpu.vector_load %arg8[%parallel_loop3A_334, %parallel_loop3A_335] {strides = array<i32>} : memref<128x64xf32, #tpu.memory_space<vmem>>, vector<1x16xf32>,
        %parallel_loop3A_337 = vector.shape_cast %parallel_loop3A_336 : vector<1x16xf32> to vector<16xf32>
        %parallel_loop3A_338 = arith.constant 8.000000e+00 : f32
        %parallel_loop3A_339 = vector.broadcast %parallel_loop3A_338 : f32 to vector<16xf32>
        %parallel_loop3A_340 = arith.mulf %parallel_loop3A_337, %parallel_loop3A_339 : vector<16xf32>
        %parallel_loop3A_341 = arith.index_cast %parallel_loop3A_321 : i32 to index
        %parallel_loop3A_342 = arith.constant 16 : index
        %parallel_loop3A_343 = tpu.vector_load %arg8[%parallel_loop3A_341, %parallel_loop3A_342] {strides = array<i32>} : memref<128x64xf32, #tpu.memory_space<vmem>>, vector<1x16xf32>,
        %parallel_loop3A_344 = vector.shape_cast %parallel_loop3A_343 : vector<1x16xf32> to vector<16xf32>
        %parallel_loop3A_345 = vector.shape_cast %parallel_loop3A_340 : vector<16xf32> to vector<1x16xf32>
        tpu.vector_store %arg8[%parallel_loop3A_341, %parallel_loop3A_342], %parallel_loop3A_345 {strides = array<i32>} : memref<128x64xf32, #tpu.memory_space<vmem>>, vector<1x16xf32>,
        %parallel_loop3A_346 = arith.index_cast %parallel_loop3A_321 : i32 to index
        %parallel_loop3A_347 = arith.constant 32 : index
        %parallel_loop3A_348 = tpu.vector_load %arg8[%parallel_loop3A_346, %parallel_loop3A_347] {strides = array<i32>} : memref<128x64xf32, #tpu.memory_space<vmem>>, vector<1x16xf32>,
        %parallel_loop3A_349 = vector.shape_cast %parallel_loop3A_348 : vector<1x16xf32> to vector<16xf32>
        %parallel_loop3A_350 = arith.constant 8.000000e+00 : f32
        %parallel_loop3A_351 = vector.broadcast %parallel_loop3A_350 : f32 to vector<16xf32>
        %parallel_loop3A_352 = arith.mulf %parallel_loop3A_349, %parallel_loop3A_351 : vector<16xf32>
        %parallel_loop3A_353 = arith.index_cast %parallel_loop3A_321 : i32 to index
        %parallel_loop3A_354 = arith.constant 32 : index
        %parallel_loop3A_355 = tpu.vector_load %arg8[%parallel_loop3A_353, %parallel_loop3A_354] {strides = array<i32>} : memref<128x64xf32, #tpu.memory_space<vmem>>, vector<1x16xf32>,
        %parallel_loop3A_356 = vector.shape_cast %parallel_loop3A_355 : vector<1x16xf32> to vector<16xf32>
        %parallel_loop3A_357 = vector.shape_cast %parallel_loop3A_352 : vector<16xf32> to vector<1x16xf32>
        tpu.vector_store %arg8[%parallel_loop3A_353, %parallel_loop3A_354], %parallel_loop3A_357 {strides = array<i32>} : memref<128x64xf32, #tpu.memory_space<vmem>>, vector<1x16xf32>,
        %parallel_loop3A_358 = arith.index_cast %parallel_loop3A_321 : i32 to index
        %parallel_loop3A_359 = arith.constant 48 : index
        %parallel_loop3A_360 = tpu.vector_load %arg8[%parallel_loop3A_358, %parallel_loop3A_359] {strides = array<i32>} : memref<128x64xf32, #tpu.memory_space<vmem>>, vector<1x16xf32>,
        %parallel_loop3A_361 = vector.shape_cast %parallel_loop3A_360 : vector<1x16xf32> to vector<16xf32>
        %parallel_loop3A_362 = arith.constant 8.000000e+00 : f32
        %parallel_loop3A_363 = vector.broadcast %parallel_loop3A_362 : f32 to vector<16xf32>
        %parallel_loop3A_364 = arith.mulf %parallel_loop3A_361, %parallel_loop3A_363 : vector<16xf32>
        %parallel_loop3A_365 = arith.index_cast %parallel_loop3A_321 : i32 to index
        %parallel_loop3A_366 = arith.constant 48 : index
        %parallel_loop3A_367 = tpu.vector_load %arg8[%parallel_loop3A_365, %parallel_loop3A_366] {strides = array<i32>} : memref<128x64xf32, #tpu.memory_space<vmem>>, vector<1x16xf32>,
        %parallel_loop3A_368 = vector.shape_cast %parallel_loop3A_367 : vector<1x16xf32> to vector<16xf32>
        %parallel_loop3A_369 = vector.shape_cast %parallel_loop3A_364 : vector<16xf32> to vector<1x16xf32>
        tpu.vector_store %arg8[%parallel_loop3A_365, %parallel_loop3A_366], %parallel_loop3A_369 {strides = array<i32>} : memref<128x64xf32, #tpu.memory_space<vmem>>, vector<1x16xf32>,
      } {sc.loop_unroll_factor = 4 : i64, sc.parallel_access}
      %mul3A_189 = arith.constant 128 : i32
      %mul3A_190 = arith.muli %add3A_179, %mul3A_189 : i32
      %add3A_191 = arith.addi %mul3A_2, %mul3A_190 : i32
      "tpu.region"() ({
        %run_scoped3A = tpu.sem_alloc : memref<!tpu.dma_semaphore, #tpu.memory_space<semaphore_mem>>
        %dma_start3A_321 = arith.constant 0 : i32
        %dma_start3A_322 = tpu.memref_slice %arg4[%add3A_191, %dma_start3A_321] : memref<819200x64xf32, #tpu.memory_space<hbm>> -> memref<128x64xf32, #tpu.memory_space<hbm>>
        %dma_start3A_323 = arith.constant 0 : i32
        %dma_start3A_324 = tpu.memref_slice %arg4[%add3A_191, %dma_start3A_323] : memref<819200x64xf32, #tpu.memory_space<hbm>> -> memref<128x64xf32, #tpu.memory_space<hbm>>
        tpu.enqueue_dma source(%arg8 : memref<128x64xf32, #tpu.memory_space<vmem>>) target(%dma_start3A_324 : memref<128x64xf32, #tpu.memory_space<hbm>>) target_semaphore(%run_scoped3A : memref<!tpu.dma_semaphore, #tpu.memory_space<semaphore_mem>>)
        %dma_wait3A_325 = arith.constant 0 : i32
        %dma_wait3A_326 = tpu.memref_slice %arg4[%add3A_191, %dma_wait3A_325] : memref<819200x64xf32, #tpu.memory_space<hbm>> -> memref<128x64xf32, #tpu.memory_space<hbm>>
        %dma_wait3A_327 = arith.constant 0 : i32
        %dma_wait3A_328 = tpu.memref_slice %arg4[%add3A_191, %dma_wait3A_327] : memref<819200x64xf32, #tpu.memory_space<hbm>> -> memref<128x64xf32, #tpu.memory_space<hbm>>
        tpu.wait_dma2 semaphore(%run_scoped3A : memref<!tpu.dma_semaphore, #tpu.memory_space<semaphore_mem>>) src(%arg8 : memref<128x64xf32, #tpu.memory_space<vmem>>) dst(%dma_wait3A_328 : memref<128x64xf32, #tpu.memory_space<hbm>>)
        tpu.yield
      }) : () -> ()
      %add3A_192 = arith.constant 8 : i32
      %add3A_193 = arith.addi %add3A_179, %add3A_192 : i32
      %mul3A_194 = arith.constant 128 : i32
      %mul3A_195 = arith.muli %add3A_193, %mul3A_194 : i32
      %dma_start3A_196 = tpu.memref_slice %arg5[%mul3A_195] : memref<25600xi32, #tpu.memory_space<vmem>> -> memref<128xi32, #tpu.memory_space<vmem>>
      %dma_start3A_197 = arith.constant 0 : i32
      %dma_start3A_198 = arith.constant 0 : i32
      %dma_start3A_199 = tpu.memref_slice %arg3[%dma_start3A_197, %dma_start3A_198] : memref<1000000x64xf32, #tpu.memory_space<hbm>> -> memref<1000000x64xf32, #tpu.memory_space<hbm>>
      tpu.enqueue_indirect_dma source(%dma_start3A_199 : memref<1000000x64xf32, #tpu.memory_space<hbm>>) target(%arg8 : memref<128x64xf32, #tpu.memory_space<vmem>>) offsets(%dma_start3A_196 : memref<128xi32, #tpu.memory_space<vmem>>) semaphore(%arg16 : memref<!tpu.dma_semaphore, #tpu.memory_space<semaphore_mem>>)
      %mul3A_200 = arith.constant 8 : i32
      %mul3A_201 = arith.muli %scan3A_126, %mul3A_200 : i32
      %add3A_202 = arith.constant 3 : i32
      %add3A_203 = arith.addi %mul3A_201, %add3A_202 : i32
      %mul3A_204 = arith.constant 128 : i32
      %mul3A_205 = arith.muli %add3A_203, %mul3A_204 : i32
      %dma_wait3A_206 = tpu.memref_slice %arg5[%mul3A_205] : memref<25600xi32, #tpu.memory_space<vmem>> -> memref<128xi32, #tpu.memory_space<vmem>>
      %dma_wait3A_207 = arith.constant 0 : i32
      %dma_wait3A_208 = arith.constant 0 : i32
      %dma_wait3A_209 = tpu.memref_slice %arg3[%dma_wait3A_207, %dma_wait3A_208] : memref<1000000x64xf32, #tpu.memory_space<hbm>> -> memref<1000000x64xf32, #tpu.memory_space<hbm>>
      tpu.wait_indirect_dma semaphore(%arg17 : memref<!tpu.dma_semaphore, #tpu.memory_space<semaphore_mem>>) src(%dma_wait3A_209 : memref<1000000x64xf32, #tpu.memory_space<hbm>>) dst(%arg9 : memref<128x64xf32, #tpu.memory_space<vmem>>)
      %parallel_loop3A_210 = arith.constant 0 : i32
      %parallel_loop3A_211 = arith.constant 128 : i32
      %parallel_loop3A_212 = arith.constant 1 : i32
      scf.for %parallel_loop3A_321 = %parallel_loop3A_210 to %parallel_loop3A_211 step %parallel_loop3A_212  : i32 {
        %parallel_loop3A_322 = arith.index_cast %parallel_loop3A_321 : i32 to index
        %parallel_loop3A_323 = arith.constant 0 : index
        %parallel_loop3A_324 = tpu.vector_load %arg9[%parallel_loop3A_322, %parallel_loop3A_323] {strides = array<i32>} : memref<128x64xf32, #tpu.memory_space<vmem>>, vector<1x16xf32>,
        %parallel_loop3A_325 = vector.shape_cast %parallel_loop3A_324 : vector<1x16xf32> to vector<16xf32>
        %parallel_loop3A_326 = arith.constant 8.000000e+00 : f32
        %parallel_loop3A_327 = vector.broadcast %parallel_loop3A_326 : f32 to vector<16xf32>
        %parallel_loop3A_328 = arith.mulf %parallel_loop3A_325, %parallel_loop3A_327 : vector<16xf32>
        %parallel_loop3A_329 = arith.index_cast %parallel_loop3A_321 : i32 to index
        %parallel_loop3A_330 = arith.constant 0 : index
        %parallel_loop3A_331 = tpu.vector_load %arg9[%parallel_loop3A_329, %parallel_loop3A_330] {strides = array<i32>} : memref<128x64xf32, #tpu.memory_space<vmem>>, vector<1x16xf32>,
        %parallel_loop3A_332 = vector.shape_cast %parallel_loop3A_331 : vector<1x16xf32> to vector<16xf32>
        %parallel_loop3A_333 = vector.shape_cast %parallel_loop3A_328 : vector<16xf32> to vector<1x16xf32>
        tpu.vector_store %arg9[%parallel_loop3A_329, %parallel_loop3A_330], %parallel_loop3A_333 {strides = array<i32>} : memref<128x64xf32, #tpu.memory_space<vmem>>, vector<1x16xf32>,
        %parallel_loop3A_334 = arith.index_cast %parallel_loop3A_321 : i32 to index
        %parallel_loop3A_335 = arith.constant 16 : index
        %parallel_loop3A_336 = tpu.vector_load %arg9[%parallel_loop3A_334, %parallel_loop3A_335] {strides = array<i32>} : memref<128x64xf32, #tpu.memory_space<vmem>>, vector<1x16xf32>,
        %parallel_loop3A_337 = vector.shape_cast %parallel_loop3A_336 : vector<1x16xf32> to vector<16xf32>
        %parallel_loop3A_338 = arith.constant 8.000000e+00 : f32
        %parallel_loop3A_339 = vector.broadcast %parallel_loop3A_338 : f32 to vector<16xf32>
        %parallel_loop3A_340 = arith.mulf %parallel_loop3A_337, %parallel_loop3A_339 : vector<16xf32>
        %parallel_loop3A_341 = arith.index_cast %parallel_loop3A_321 : i32 to index
        %parallel_loop3A_342 = arith.constant 16 : index
        %parallel_loop3A_343 = tpu.vector_load %arg9[%parallel_loop3A_341, %parallel_loop3A_342] {strides = array<i32>} : memref<128x64xf32, #tpu.memory_space<vmem>>, vector<1x16xf32>,
        %parallel_loop3A_344 = vector.shape_cast %parallel_loop3A_343 : vector<1x16xf32> to vector<16xf32>
        %parallel_loop3A_345 = vector.shape_cast %parallel_loop3A_340 : vector<16xf32> to vector<1x16xf32>
        tpu.vector_store %arg9[%parallel_loop3A_341, %parallel_loop3A_342], %parallel_loop3A_345 {strides = array<i32>} : memref<128x64xf32, #tpu.memory_space<vmem>>, vector<1x16xf32>,
        %parallel_loop3A_346 = arith.index_cast %parallel_loop3A_321 : i32 to index
        %parallel_loop3A_347 = arith.constant 32 : index
        %parallel_loop3A_348 = tpu.vector_load %arg9[%parallel_loop3A_346, %parallel_loop3A_347] {strides = array<i32>} : memref<128x64xf32, #tpu.memory_space<vmem>>, vector<1x16xf32>,
        %parallel_loop3A_349 = vector.shape_cast %parallel_loop3A_348 : vector<1x16xf32> to vector<16xf32>
        %parallel_loop3A_350 = arith.constant 8.000000e+00 : f32
        %parallel_loop3A_351 = vector.broadcast %parallel_loop3A_350 : f32 to vector<16xf32>
        %parallel_loop3A_352 = arith.mulf %parallel_loop3A_349, %parallel_loop3A_351 : vector<16xf32>
        %parallel_loop3A_353 = arith.index_cast %parallel_loop3A_321 : i32 to index
        %parallel_loop3A_354 = arith.constant 32 : index
        %parallel_loop3A_355 = tpu.vector_load %arg9[%parallel_loop3A_353, %parallel_loop3A_354] {strides = array<i32>} : memref<128x64xf32, #tpu.memory_space<vmem>>, vector<1x16xf32>,
        %parallel_loop3A_356 = vector.shape_cast %parallel_loop3A_355 : vector<1x16xf32> to vector<16xf32>
        %parallel_loop3A_357 = vector.shape_cast %parallel_loop3A_352 : vector<16xf32> to vector<1x16xf32>
        tpu.vector_store %arg9[%parallel_loop3A_353, %parallel_loop3A_354], %parallel_loop3A_357 {strides = array<i32>} : memref<128x64xf32, #tpu.memory_space<vmem>>, vector<1x16xf32>,
        %parallel_loop3A_358 = arith.index_cast %parallel_loop3A_321 : i32 to index
        %parallel_loop3A_359 = arith.constant 48 : index
        %parallel_loop3A_360 = tpu.vector_load %arg9[%parallel_loop3A_358, %parallel_loop3A_359] {strides = array<i32>} : memref<128x64xf32, #tpu.memory_space<vmem>>, vector<1x16xf32>,
        %parallel_loop3A_361 = vector.shape_cast %parallel_loop3A_360 : vector<1x16xf32> to vector<16xf32>
        %parallel_loop3A_362 = arith.constant 8.000000e+00 : f32
        %parallel_loop3A_363 = vector.broadcast %parallel_loop3A_362 : f32 to vector<16xf32>
        %parallel_loop3A_364 = arith.mulf %parallel_loop3A_361, %parallel_loop3A_363 : vector<16xf32>
        %parallel_loop3A_365 = arith.index_cast %parallel_loop3A_321 : i32 to index
        %parallel_loop3A_366 = arith.constant 48 : index
        %parallel_loop3A_367 = tpu.vector_load %arg9[%parallel_loop3A_365, %parallel_loop3A_366] {strides = array<i32>} : memref<128x64xf32, #tpu.memory_space<vmem>>, vector<1x16xf32>,
        %parallel_loop3A_368 = vector.shape_cast %parallel_loop3A_367 : vector<1x16xf32> to vector<16xf32>
        %parallel_loop3A_369 = vector.shape_cast %parallel_loop3A_364 : vector<16xf32> to vector<1x16xf32>
        tpu.vector_store %arg9[%parallel_loop3A_365, %parallel_loop3A_366], %parallel_loop3A_369 {strides = array<i32>} : memref<128x64xf32, #tpu.memory_space<vmem>>, vector<1x16xf32>,
      } {sc.loop_unroll_factor = 4 : i64, sc.parallel_access}
      %mul3A_213 = arith.constant 128 : i32
      %mul3A_214 = arith.muli %add3A_203, %mul3A_213 : i32
      %add3A_215 = arith.addi %mul3A_2, %mul3A_214 : i32
      "tpu.region"() ({
        %run_scoped3A = tpu.sem_alloc : memref<!tpu.dma_semaphore, #tpu.memory_space<semaphore_mem>>
        %dma_start3A_321 = arith.constant 0 : i32
        %dma_start3A_322 = tpu.memref_slice %arg4[%add3A_215, %dma_start3A_321] : memref<819200x64xf32, #tpu.memory_space<hbm>> -> memref<128x64xf32, #tpu.memory_space<hbm>>
        %dma_start3A_323 = arith.constant 0 : i32
        %dma_start3A_324 = tpu.memref_slice %arg4[%add3A_215, %dma_start3A_323] : memref<819200x64xf32, #tpu.memory_space<hbm>> -> memref<128x64xf32, #tpu.memory_space<hbm>>
        tpu.enqueue_dma source(%arg9 : memref<128x64xf32, #tpu.memory_space<vmem>>) target(%dma_start3A_324 : memref<128x64xf32, #tpu.memory_space<hbm>>) target_semaphore(%run_scoped3A : memref<!tpu.dma_semaphore, #tpu.memory_space<semaphore_mem>>)
        %dma_wait3A_325 = arith.constant 0 : i32
        %dma_wait3A_326 = tpu.memref_slice %arg4[%add3A_215, %dma_wait3A_325] : memref<819200x64xf32, #tpu.memory_space<hbm>> -> memref<128x64xf32, #tpu.memory_space<hbm>>
        %dma_wait3A_327 = arith.constant 0 : i32
        %dma_wait3A_328 = tpu.memref_slice %arg4[%add3A_215, %dma_wait3A_327] : memref<819200x64xf32, #tpu.memory_space<hbm>> -> memref<128x64xf32, #tpu.memory_space<hbm>>
        tpu.wait_dma2 semaphore(%run_scoped3A : memref<!tpu.dma_semaphore, #tpu.memory_space<semaphore_mem>>) src(%arg9 : memref<128x64xf32, #tpu.memory_space<vmem>>) dst(%dma_wait3A_328 : memref<128x64xf32, #tpu.memory_space<hbm>>)
        tpu.yield
      }) : () -> ()
      %add3A_216 = arith.constant 8 : i32
      %add3A_217 = arith.addi %add3A_203, %add3A_216 : i32
      %mul3A_218 = arith.constant 128 : i32
      %mul3A_219 = arith.muli %add3A_217, %mul3A_218 : i32
      %dma_start3A_220 = tpu.memref_slice %arg5[%mul3A_219] : memref<25600xi32, #tpu.memory_space<vmem>> -> memref<128xi32, #tpu.memory_space<vmem>>
      %dma_start3A_221 = arith.constant 0 : i32
      %dma_start3A_222 = arith.constant 0 : i32
      %dma_start3A_223 = tpu.memref_slice %arg3[%dma_start3A_221, %dma_start3A_222] : memref<1000000x64xf32, #tpu.memory_space<hbm>> -> memref<1000000x64xf32, #tpu.memory_space<hbm>>
      tpu.enqueue_indirect_dma source(%dma_start3A_223 : memref<1000000x64xf32, #tpu.memory_space<hbm>>) target(%arg9 : memref<128x64xf32, #tpu.memory_space<vmem>>) offsets(%dma_start3A_220 : memref<128xi32, #tpu.memory_space<vmem>>) semaphore(%arg17 : memref<!tpu.dma_semaphore, #tpu.memory_space<semaphore_mem>>)
      %mul3A_224 = arith.constant 8 : i32
      %mul3A_225 = arith.muli %scan3A_126, %mul3A_224 : i32
      %add3A_226 = arith.constant 4 : i32
      %add3A_227 = arith.addi %mul3A_225, %add3A_226 : i32
      %mul3A_228 = arith.constant 128 : i32
      %mul3A_229 = arith.muli %add3A_227, %mul3A_228 : i32
      %dma_wait3A_230 = tpu.memref_slice %arg5[%mul3A_229] : memref<25600xi32, #tpu.memory_space<vmem>> -> memref<128xi32, #tpu.memory_space<vmem>>
      %dma_wait3A_231 = arith.constant 0 : i32
      %dma_wait3A_232 = arith.constant 0 : i32
      %dma_wait3A_233 = tpu.memref_slice %arg3[%dma_wait3A_231, %dma_wait3A_232] : memref<1000000x64xf32, #tpu.memory_space<hbm>> -> memref<1000000x64xf32, #tpu.memory_space<hbm>>
      tpu.wait_indirect_dma semaphore(%arg18 : memref<!tpu.dma_semaphore, #tpu.memory_space<semaphore_mem>>) src(%dma_wait3A_233 : memref<1000000x64xf32, #tpu.memory_space<hbm>>) dst(%arg10 : memref<128x64xf32, #tpu.memory_space<vmem>>)
      %parallel_loop3A_234 = arith.constant 0 : i32
      %parallel_loop3A_235 = arith.constant 128 : i32
      %parallel_loop3A_236 = arith.constant 1 : i32
      scf.for %parallel_loop3A_321 = %parallel_loop3A_234 to %parallel_loop3A_235 step %parallel_loop3A_236  : i32 {
        %parallel_loop3A_322 = arith.index_cast %parallel_loop3A_321 : i32 to index
        %parallel_loop3A_323 = arith.constant 0 : index
        %parallel_loop3A_324 = tpu.vector_load %arg10[%parallel_loop3A_322, %parallel_loop3A_323] {strides = array<i32>} : memref<128x64xf32, #tpu.memory_space<vmem>>, vector<1x16xf32>,
        %parallel_loop3A_325 = vector.shape_cast %parallel_loop3A_324 : vector<1x16xf32> to vector<16xf32>
        %parallel_loop3A_326 = arith.constant 8.000000e+00 : f32
        %parallel_loop3A_327 = vector.broadcast %parallel_loop3A_326 : f32 to vector<16xf32>
        %parallel_loop3A_328 = arith.mulf %parallel_loop3A_325, %parallel_loop3A_327 : vector<16xf32>
        %parallel_loop3A_329 = arith.index_cast %parallel_loop3A_321 : i32 to index
        %parallel_loop3A_330 = arith.constant 0 : index
        %parallel_loop3A_331 = tpu.vector_load %arg10[%parallel_loop3A_329, %parallel_loop3A_330] {strides = array<i32>} : memref<128x64xf32, #tpu.memory_space<vmem>>, vector<1x16xf32>,
        %parallel_loop3A_332 = vector.shape_cast %parallel_loop3A_331 : vector<1x16xf32> to vector<16xf32>
        %parallel_loop3A_333 = vector.shape_cast %parallel_loop3A_328 : vector<16xf32> to vector<1x16xf32>
        tpu.vector_store %arg10[%parallel_loop3A_329, %parallel_loop3A_330], %parallel_loop3A_333 {strides = array<i32>} : memref<128x64xf32, #tpu.memory_space<vmem>>, vector<1x16xf32>,
        %parallel_loop3A_334 = arith.index_cast %parallel_loop3A_321 : i32 to index
        %parallel_loop3A_335 = arith.constant 16 : index
        %parallel_loop3A_336 = tpu.vector_load %arg10[%parallel_loop3A_334, %parallel_loop3A_335] {strides = array<i32>} : memref<128x64xf32, #tpu.memory_space<vmem>>, vector<1x16xf32>,
        %parallel_loop3A_337 = vector.shape_cast %parallel_loop3A_336 : vector<1x16xf32> to vector<16xf32>
        %parallel_loop3A_338 = arith.constant 8.000000e+00 : f32
        %parallel_loop3A_339 = vector.broadcast %parallel_loop3A_338 : f32 to vector<16xf32>
        %parallel_loop3A_340 = arith.mulf %parallel_loop3A_337, %parallel_loop3A_339 : vector<16xf32>
        %parallel_loop3A_341 = arith.index_cast %parallel_loop3A_321 : i32 to index
        %parallel_loop3A_342 = arith.constant 16 : index
        %parallel_loop3A_343 = tpu.vector_load %arg10[%parallel_loop3A_341, %parallel_loop3A_342] {strides = array<i32>} : memref<128x64xf32, #tpu.memory_space<vmem>>, vector<1x16xf32>,
        %parallel_loop3A_344 = vector.shape_cast %parallel_loop3A_343 : vector<1x16xf32> to vector<16xf32>
        %parallel_loop3A_345 = vector.shape_cast %parallel_loop3A_340 : vector<16xf32> to vector<1x16xf32>
        tpu.vector_store %arg10[%parallel_loop3A_341, %parallel_loop3A_342], %parallel_loop3A_345 {strides = array<i32>} : memref<128x64xf32, #tpu.memory_space<vmem>>, vector<1x16xf32>,
        %parallel_loop3A_346 = arith.index_cast %parallel_loop3A_321 : i32 to index
        %parallel_loop3A_347 = arith.constant 32 : index
        %parallel_loop3A_348 = tpu.vector_load %arg10[%parallel_loop3A_346, %parallel_loop3A_347] {strides = array<i32>} : memref<128x64xf32, #tpu.memory_space<vmem>>, vector<1x16xf32>,
        %parallel_loop3A_349 = vector.shape_cast %parallel_loop3A_348 : vector<1x16xf32> to vector<16xf32>
        %parallel_loop3A_350 = arith.constant 8.000000e+00 : f32
        %parallel_loop3A_351 = vector.broadcast %parallel_loop3A_350 : f32 to vector<16xf32>
        %parallel_loop3A_352 = arith.mulf %parallel_loop3A_349, %parallel_loop3A_351 : vector<16xf32>
        %parallel_loop3A_353 = arith.index_cast %parallel_loop3A_321 : i32 to index
        %parallel_loop3A_354 = arith.constant 32 : index
        %parallel_loop3A_355 = tpu.vector_load %arg10[%parallel_loop3A_353, %parallel_loop3A_354] {strides = array<i32>} : memref<128x64xf32, #tpu.memory_space<vmem>>, vector<1x16xf32>,
        %parallel_loop3A_356 = vector.shape_cast %parallel_loop3A_355 : vector<1x16xf32> to vector<16xf32>
        %parallel_loop3A_357 = vector.shape_cast %parallel_loop3A_352 : vector<16xf32> to vector<1x16xf32>
        tpu.vector_store %arg10[%parallel_loop3A_353, %parallel_loop3A_354], %parallel_loop3A_357 {strides = array<i32>} : memref<128x64xf32, #tpu.memory_space<vmem>>, vector<1x16xf32>,
        %parallel_loop3A_358 = arith.index_cast %parallel_loop3A_321 : i32 to index
        %parallel_loop3A_359 = arith.constant 48 : index
        %parallel_loop3A_360 = tpu.vector_load %arg10[%parallel_loop3A_358, %parallel_loop3A_359] {strides = array<i32>} : memref<128x64xf32, #tpu.memory_space<vmem>>, vector<1x16xf32>,
        %parallel_loop3A_361 = vector.shape_cast %parallel_loop3A_360 : vector<1x16xf32> to vector<16xf32>
        %parallel_loop3A_362 = arith.constant 8.000000e+00 : f32
        %parallel_loop3A_363 = vector.broadcast %parallel_loop3A_362 : f32 to vector<16xf32>
        %parallel_loop3A_364 = arith.mulf %parallel_loop3A_361, %parallel_loop3A_363 : vector<16xf32>
        %parallel_loop3A_365 = arith.index_cast %parallel_loop3A_321 : i32 to index
        %parallel_loop3A_366 = arith.constant 48 : index
        %parallel_loop3A_367 = tpu.vector_load %arg10[%parallel_loop3A_365, %parallel_loop3A_366] {strides = array<i32>} : memref<128x64xf32, #tpu.memory_space<vmem>>, vector<1x16xf32>,
        %parallel_loop3A_368 = vector.shape_cast %parallel_loop3A_367 : vector<1x16xf32> to vector<16xf32>
        %parallel_loop3A_369 = vector.shape_cast %parallel_loop3A_364 : vector<16xf32> to vector<1x16xf32>
        tpu.vector_store %arg10[%parallel_loop3A_365, %parallel_loop3A_366], %parallel_loop3A_369 {strides = array<i32>} : memref<128x64xf32, #tpu.memory_space<vmem>>, vector<1x16xf32>,
      } {sc.loop_unroll_factor = 4 : i64, sc.parallel_access}
      %mul3A_237 = arith.constant 128 : i32
      %mul3A_238 = arith.muli %add3A_227, %mul3A_237 : i32
      %add3A_239 = arith.addi %mul3A_2, %mul3A_238 : i32
      "tpu.region"() ({
        %run_scoped3A = tpu.sem_alloc : memref<!tpu.dma_semaphore, #tpu.memory_space<semaphore_mem>>
        %dma_start3A_321 = arith.constant 0 : i32
        %dma_start3A_322 = tpu.memref_slice %arg4[%add3A_239, %dma_start3A_321] : memref<819200x64xf32, #tpu.memory_space<hbm>> -> memref<128x64xf32, #tpu.memory_space<hbm>>
        %dma_start3A_323 = arith.constant 0 : i32
        %dma_start3A_324 = tpu.memref_slice %arg4[%add3A_239, %dma_start3A_323] : memref<819200x64xf32, #tpu.memory_space<hbm>> -> memref<128x64xf32, #tpu.memory_space<hbm>>
        tpu.enqueue_dma source(%arg10 : memref<128x64xf32, #tpu.memory_space<vmem>>) target(%dma_start3A_324 : memref<128x64xf32, #tpu.memory_space<hbm>>) target_semaphore(%run_scoped3A : memref<!tpu.dma_semaphore, #tpu.memory_space<semaphore_mem>>)
        %dma_wait3A_325 = arith.constant 0 : i32
        %dma_wait3A_326 = tpu.memref_slice %arg4[%add3A_239, %dma_wait3A_325] : memref<819200x64xf32, #tpu.memory_space<hbm>> -> memref<128x64xf32, #tpu.memory_space<hbm>>
        %dma_wait3A_327 = arith.constant 0 : i32
        %dma_wait3A_328 = tpu.memref_slice %arg4[%add3A_239, %dma_wait3A_327] : memref<819200x64xf32, #tpu.memory_space<hbm>> -> memref<128x64xf32, #tpu.memory_space<hbm>>
        tpu.wait_dma2 semaphore(%run_scoped3A : memref<!tpu.dma_semaphore, #tpu.memory_space<semaphore_mem>>) src(%arg10 : memref<128x64xf32, #tpu.memory_space<vmem>>) dst(%dma_wait3A_328 : memref<128x64xf32, #tpu.memory_space<hbm>>)
        tpu.yield
      }) : () -> ()
      %add3A_240 = arith.constant 8 : i32
      %add3A_241 = arith.addi %add3A_227, %add3A_240 : i32
      %mul3A_242 = arith.constant 128 : i32
      %mul3A_243 = arith.muli %add3A_241, %mul3A_242 : i32
      %dma_start3A_244 = tpu.memref_slice %arg5[%mul3A_243] : memref<25600xi32, #tpu.memory_space<vmem>> -> memref<128xi32, #tpu.memory_space<vmem>>
      %dma_start3A_245 = arith.constant 0 : i32
      %dma_start3A_246 = arith.constant 0 : i32
      %dma_start3A_247 = tpu.memref_slice %arg3[%dma_start3A_245, %dma_start3A_246] : memref<1000000x64xf32, #tpu.memory_space<hbm>> -> memref<1000000x64xf32, #tpu.memory_space<hbm>>
      tpu.enqueue_indirect_dma source(%dma_start3A_247 : memref<1000000x64xf32, #tpu.memory_space<hbm>>) target(%arg10 : memref<128x64xf32, #tpu.memory_space<vmem>>) offsets(%dma_start3A_244 : memref<128xi32, #tpu.memory_space<vmem>>) semaphore(%arg18 : memref<!tpu.dma_semaphore, #tpu.memory_space<semaphore_mem>>)
      %mul3A_248 = arith.constant 8 : i32
      %mul3A_249 = arith.muli %scan3A_126, %mul3A_248 : i32
      %add3A_250 = arith.constant 5 : i32
      %add3A_251 = arith.addi %mul3A_249, %add3A_250 : i32
      %mul3A_252 = arith.constant 128 : i32
      %mul3A_253 = arith.muli %add3A_251, %mul3A_252 : i32
      %dma_wait3A_254 = tpu.memref_slice %arg5[%mul3A_253] : memref<25600xi32, #tpu.memory_space<vmem>> -> memref<128xi32, #tpu.memory_space<vmem>>
      %dma_wait3A_255 = arith.constant 0 : i32
      %dma_wait3A_256 = arith.constant 0 : i32
      %dma_wait3A_257 = tpu.memref_slice %arg3[%dma_wait3A_255, %dma_wait3A_256] : memref<1000000x64xf32, #tpu.memory_space<hbm>> -> memref<1000000x64xf32, #tpu.memory_space<hbm>>
      tpu.wait_indirect_dma semaphore(%arg19 : memref<!tpu.dma_semaphore, #tpu.memory_space<semaphore_mem>>) src(%dma_wait3A_257 : memref<1000000x64xf32, #tpu.memory_space<hbm>>) dst(%arg11 : memref<128x64xf32, #tpu.memory_space<vmem>>)
      %parallel_loop3A_258 = arith.constant 0 : i32
      %parallel_loop3A_259 = arith.constant 128 : i32
      %parallel_loop3A_260 = arith.constant 1 : i32
      scf.for %parallel_loop3A_321 = %parallel_loop3A_258 to %parallel_loop3A_259 step %parallel_loop3A_260  : i32 {
        %parallel_loop3A_322 = arith.index_cast %parallel_loop3A_321 : i32 to index
        %parallel_loop3A_323 = arith.constant 0 : index
        %parallel_loop3A_324 = tpu.vector_load %arg11[%parallel_loop3A_322, %parallel_loop3A_323] {strides = array<i32>} : memref<128x64xf32, #tpu.memory_space<vmem>>, vector<1x16xf32>,
        %parallel_loop3A_325 = vector.shape_cast %parallel_loop3A_324 : vector<1x16xf32> to vector<16xf32>
        %parallel_loop3A_326 = arith.constant 8.000000e+00 : f32
        %parallel_loop3A_327 = vector.broadcast %parallel_loop3A_326 : f32 to vector<16xf32>
        %parallel_loop3A_328 = arith.mulf %parallel_loop3A_325, %parallel_loop3A_327 : vector<16xf32>
        %parallel_loop3A_329 = arith.index_cast %parallel_loop3A_321 : i32 to index
        %parallel_loop3A_330 = arith.constant 0 : index
        %parallel_loop3A_331 = tpu.vector_load %arg11[%parallel_loop3A_329, %parallel_loop3A_330] {strides = array<i32>} : memref<128x64xf32, #tpu.memory_space<vmem>>, vector<1x16xf32>,
        %parallel_loop3A_332 = vector.shape_cast %parallel_loop3A_331 : vector<1x16xf32> to vector<16xf32>
        %parallel_loop3A_333 = vector.shape_cast %parallel_loop3A_328 : vector<16xf32> to vector<1x16xf32>
        tpu.vector_store %arg11[%parallel_loop3A_329, %parallel_loop3A_330], %parallel_loop3A_333 {strides = array<i32>} : memref<128x64xf32, #tpu.memory_space<vmem>>, vector<1x16xf32>,
        %parallel_loop3A_334 = arith.index_cast %parallel_loop3A_321 : i32 to index
        %parallel_loop3A_335 = arith.constant 16 : index
        %parallel_loop3A_336 = tpu.vector_load %arg11[%parallel_loop3A_334, %parallel_loop3A_335] {strides = array<i32>} : memref<128x64xf32, #tpu.memory_space<vmem>>, vector<1x16xf32>,
        %parallel_loop3A_337 = vector.shape_cast %parallel_loop3A_336 : vector<1x16xf32> to vector<16xf32>
        %parallel_loop3A_338 = arith.constant 8.000000e+00 : f32
        %parallel_loop3A_339 = vector.broadcast %parallel_loop3A_338 : f32 to vector<16xf32>
        %parallel_loop3A_340 = arith.mulf %parallel_loop3A_337, %parallel_loop3A_339 : vector<16xf32>
        %parallel_loop3A_341 = arith.index_cast %parallel_loop3A_321 : i32 to index
        %parallel_loop3A_342 = arith.constant 16 : index
        %parallel_loop3A_343 = tpu.vector_load %arg11[%parallel_loop3A_341, %parallel_loop3A_342] {strides = array<i32>} : memref<128x64xf32, #tpu.memory_space<vmem>>, vector<1x16xf32>,
        %parallel_loop3A_344 = vector.shape_cast %parallel_loop3A_343 : vector<1x16xf32> to vector<16xf32>
        %parallel_loop3A_345 = vector.shape_cast %parallel_loop3A_340 : vector<16xf32> to vector<1x16xf32>
        tpu.vector_store %arg11[%parallel_loop3A_341, %parallel_loop3A_342], %parallel_loop3A_345 {strides = array<i32>} : memref<128x64xf32, #tpu.memory_space<vmem>>, vector<1x16xf32>,
        %parallel_loop3A_346 = arith.index_cast %parallel_loop3A_321 : i32 to index
        %parallel_loop3A_347 = arith.constant 32 : index
        %parallel_loop3A_348 = tpu.vector_load %arg11[%parallel_loop3A_346, %parallel_loop3A_347] {strides = array<i32>} : memref<128x64xf32, #tpu.memory_space<vmem>>, vector<1x16xf32>,
        %parallel_loop3A_349 = vector.shape_cast %parallel_loop3A_348 : vector<1x16xf32> to vector<16xf32>
        %parallel_loop3A_350 = arith.constant 8.000000e+00 : f32
        %parallel_loop3A_351 = vector.broadcast %parallel_loop3A_350 : f32 to vector<16xf32>
        %parallel_loop3A_352 = arith.mulf %parallel_loop3A_349, %parallel_loop3A_351 : vector<16xf32>
        %parallel_loop3A_353 = arith.index_cast %parallel_loop3A_321 : i32 to index
        %parallel_loop3A_354 = arith.constant 32 : index
        %parallel_loop3A_355 = tpu.vector_load %arg11[%parallel_loop3A_353, %parallel_loop3A_354] {strides = array<i32>} : memref<128x64xf32, #tpu.memory_space<vmem>>, vector<1x16xf32>,
        %parallel_loop3A_356 = vector.shape_cast %parallel_loop3A_355 : vector<1x16xf32> to vector<16xf32>
        %parallel_loop3A_357 = vector.shape_cast %parallel_loop3A_352 : vector<16xf32> to vector<1x16xf32>
        tpu.vector_store %arg11[%parallel_loop3A_353, %parallel_loop3A_354], %parallel_loop3A_357 {strides = array<i32>} : memref<128x64xf32, #tpu.memory_space<vmem>>, vector<1x16xf32>,
        %parallel_loop3A_358 = arith.index_cast %parallel_loop3A_321 : i32 to index
        %parallel_loop3A_359 = arith.constant 48 : index
        %parallel_loop3A_360 = tpu.vector_load %arg11[%parallel_loop3A_358, %parallel_loop3A_359] {strides = array<i32>} : memref<128x64xf32, #tpu.memory_space<vmem>>, vector<1x16xf32>,
        %parallel_loop3A_361 = vector.shape_cast %parallel_loop3A_360 : vector<1x16xf32> to vector<16xf32>
        %parallel_loop3A_362 = arith.constant 8.000000e+00 : f32
        %parallel_loop3A_363 = vector.broadcast %parallel_loop3A_362 : f32 to vector<16xf32>
        %parallel_loop3A_364 = arith.mulf %parallel_loop3A_361, %parallel_loop3A_363 : vector<16xf32>
        %parallel_loop3A_365 = arith.index_cast %parallel_loop3A_321 : i32 to index
        %parallel_loop3A_366 = arith.constant 48 : index
        %parallel_loop3A_367 = tpu.vector_load %arg11[%parallel_loop3A_365, %parallel_loop3A_366] {strides = array<i32>} : memref<128x64xf32, #tpu.memory_space<vmem>>, vector<1x16xf32>,
        %parallel_loop3A_368 = vector.shape_cast %parallel_loop3A_367 : vector<1x16xf32> to vector<16xf32>
        %parallel_loop3A_369 = vector.shape_cast %parallel_loop3A_364 : vector<16xf32> to vector<1x16xf32>
        tpu.vector_store %arg11[%parallel_loop3A_365, %parallel_loop3A_366], %parallel_loop3A_369 {strides = array<i32>} : memref<128x64xf32, #tpu.memory_space<vmem>>, vector<1x16xf32>,
      } {sc.loop_unroll_factor = 4 : i64, sc.parallel_access}
      %mul3A_261 = arith.constant 128 : i32
      %mul3A_262 = arith.muli %add3A_251, %mul3A_261 : i32
      %add3A_263 = arith.addi %mul3A_2, %mul3A_262 : i32
      "tpu.region"() ({
        %run_scoped3A = tpu.sem_alloc : memref<!tpu.dma_semaphore, #tpu.memory_space<semaphore_mem>>
        %dma_start3A_321 = arith.constant 0 : i32
        %dma_start3A_322 = tpu.memref_slice %arg4[%add3A_263, %dma_start3A_321] : memref<819200x64xf32, #tpu.memory_space<hbm>> -> memref<128x64xf32, #tpu.memory_space<hbm>>
        %dma_start3A_323 = arith.constant 0 : i32
        %dma_start3A_324 = tpu.memref_slice %arg4[%add3A_263, %dma_start3A_323] : memref<819200x64xf32, #tpu.memory_space<hbm>> -> memref<128x64xf32, #tpu.memory_space<hbm>>
        tpu.enqueue_dma source(%arg11 : memref<128x64xf32, #tpu.memory_space<vmem>>) target(%dma_start3A_324 : memref<128x64xf32, #tpu.memory_space<hbm>>) target_semaphore(%run_scoped3A : memref<!tpu.dma_semaphore, #tpu.memory_space<semaphore_mem>>)
        %dma_wait3A_325 = arith.constant 0 : i32
        %dma_wait3A_326 = tpu.memref_slice %arg4[%add3A_263, %dma_wait3A_325] : memref<819200x64xf32, #tpu.memory_space<hbm>> -> memref<128x64xf32, #tpu.memory_space<hbm>>
        %dma_wait3A_327 = arith.constant 0 : i32
        %dma_wait3A_328 = tpu.memref_slice %arg4[%add3A_263, %dma_wait3A_327] : memref<819200x64xf32, #tpu.memory_space<hbm>> -> memref<128x64xf32, #tpu.memory_space<hbm>>
        tpu.wait_dma2 semaphore(%run_scoped3A : memref<!tpu.dma_semaphore, #tpu.memory_space<semaphore_mem>>) src(%arg11 : memref<128x64xf32, #tpu.memory_space<vmem>>) dst(%dma_wait3A_328 : memref<128x64xf32, #tpu.memory_space<hbm>>)
        tpu.yield
      }) : () -> ()
      %add3A_264 = arith.constant 8 : i32
      %add3A_265 = arith.addi %add3A_251, %add3A_264 : i32
      %mul3A_266 = arith.constant 128 : i32
      %mul3A_267 = arith.muli %add3A_265, %mul3A_266 : i32
      %dma_start3A_268 = tpu.memref_slice %arg5[%mul3A_267] : memref<25600xi32, #tpu.memory_space<vmem>> -> memref<128xi32, #tpu.memory_space<vmem>>
      %dma_start3A_269 = arith.constant 0 : i32
      %dma_start3A_270 = arith.constant 0 : i32
      %dma_start3A_271 = tpu.memref_slice %arg3[%dma_start3A_269, %dma_start3A_270] : memref<1000000x64xf32, #tpu.memory_space<hbm>> -> memref<1000000x64xf32, #tpu.memory_space<hbm>>
      tpu.enqueue_indirect_dma source(%dma_start3A_271 : memref<1000000x64xf32, #tpu.memory_space<hbm>>) target(%arg11 : memref<128x64xf32, #tpu.memory_space<vmem>>) offsets(%dma_start3A_268 : memref<128xi32, #tpu.memory_space<vmem>>) semaphore(%arg19 : memref<!tpu.dma_semaphore, #tpu.memory_space<semaphore_mem>>)
      %mul3A_272 = arith.constant 8 : i32
      %mul3A_273 = arith.muli %scan3A_126, %mul3A_272 : i32
      %add3A_274 = arith.constant 6 : i32
      %add3A_275 = arith.addi %mul3A_273, %add3A_274 : i32
      %mul3A_276 = arith.constant 128 : i32
      %mul3A_277 = arith.muli %add3A_275, %mul3A_276 : i32
      %dma_wait3A_278 = tpu.memref_slice %arg5[%mul3A_277] : memref<25600xi32, #tpu.memory_space<vmem>> -> memref<128xi32, #tpu.memory_space<vmem>>
      %dma_wait3A_279 = arith.constant 0 : i32
      %dma_wait3A_280 = arith.constant 0 : i32
      %dma_wait3A_281 = tpu.memref_slice %arg3[%dma_wait3A_279, %dma_wait3A_280] : memref<1000000x64xf32, #tpu.memory_space<hbm>> -> memref<1000000x64xf32, #tpu.memory_space<hbm>>
      tpu.wait_indirect_dma semaphore(%arg20 : memref<!tpu.dma_semaphore, #tpu.memory_space<semaphore_mem>>) src(%dma_wait3A_281 : memref<1000000x64xf32, #tpu.memory_space<hbm>>) dst(%arg12 : memref<128x64xf32, #tpu.memory_space<vmem>>)
      %parallel_loop3A_282 = arith.constant 0 : i32
      %parallel_loop3A_283 = arith.constant 128 : i32
      %parallel_loop3A_284 = arith.constant 1 : i32
      scf.for %parallel_loop3A_321 = %parallel_loop3A_282 to %parallel_loop3A_283 step %parallel_loop3A_284  : i32 {
        %parallel_loop3A_322 = arith.index_cast %parallel_loop3A_321 : i32 to index
        %parallel_loop3A_323 = arith.constant 0 : index
        %parallel_loop3A_324 = tpu.vector_load %arg12[%parallel_loop3A_322, %parallel_loop3A_323] {strides = array<i32>} : memref<128x64xf32, #tpu.memory_space<vmem>>, vector<1x16xf32>,
        %parallel_loop3A_325 = vector.shape_cast %parallel_loop3A_324 : vector<1x16xf32> to vector<16xf32>
        %parallel_loop3A_326 = arith.constant 8.000000e+00 : f32
        %parallel_loop3A_327 = vector.broadcast %parallel_loop3A_326 : f32 to vector<16xf32>
        %parallel_loop3A_328 = arith.mulf %parallel_loop3A_325, %parallel_loop3A_327 : vector<16xf32>
        %parallel_loop3A_329 = arith.index_cast %parallel_loop3A_321 : i32 to index
        %parallel_loop3A_330 = arith.constant 0 : index
        %parallel_loop3A_331 = tpu.vector_load %arg12[%parallel_loop3A_329, %parallel_loop3A_330] {strides = array<i32>} : memref<128x64xf32, #tpu.memory_space<vmem>>, vector<1x16xf32>,
        %parallel_loop3A_332 = vector.shape_cast %parallel_loop3A_331 : vector<1x16xf32> to vector<16xf32>
        %parallel_loop3A_333 = vector.shape_cast %parallel_loop3A_328 : vector<16xf32> to vector<1x16xf32>
        tpu.vector_store %arg12[%parallel_loop3A_329, %parallel_loop3A_330], %parallel_loop3A_333 {strides = array<i32>} : memref<128x64xf32, #tpu.memory_space<vmem>>, vector<1x16xf32>,
        %parallel_loop3A_334 = arith.index_cast %parallel_loop3A_321 : i32 to index
        %parallel_loop3A_335 = arith.constant 16 : index
        %parallel_loop3A_336 = tpu.vector_load %arg12[%parallel_loop3A_334, %parallel_loop3A_335] {strides = array<i32>} : memref<128x64xf32, #tpu.memory_space<vmem>>, vector<1x16xf32>,
        %parallel_loop3A_337 = vector.shape_cast %parallel_loop3A_336 : vector<1x16xf32> to vector<16xf32>
        %parallel_loop3A_338 = arith.constant 8.000000e+00 : f32
        %parallel_loop3A_339 = vector.broadcast %parallel_loop3A_338 : f32 to vector<16xf32>
        %parallel_loop3A_340 = arith.mulf %parallel_loop3A_337, %parallel_loop3A_339 : vector<16xf32>
        %parallel_loop3A_341 = arith.index_cast %parallel_loop3A_321 : i32 to index
        %parallel_loop3A_342 = arith.constant 16 : index
        %parallel_loop3A_343 = tpu.vector_load %arg12[%parallel_loop3A_341, %parallel_loop3A_342] {strides = array<i32>} : memref<128x64xf32, #tpu.memory_space<vmem>>, vector<1x16xf32>,
        %parallel_loop3A_344 = vector.shape_cast %parallel_loop3A_343 : vector<1x16xf32> to vector<16xf32>
        %parallel_loop3A_345 = vector.shape_cast %parallel_loop3A_340 : vector<16xf32> to vector<1x16xf32>
        tpu.vector_store %arg12[%parallel_loop3A_341, %parallel_loop3A_342], %parallel_loop3A_345 {strides = array<i32>} : memref<128x64xf32, #tpu.memory_space<vmem>>, vector<1x16xf32>,
        %parallel_loop3A_346 = arith.index_cast %parallel_loop3A_321 : i32 to index
        %parallel_loop3A_347 = arith.constant 32 : index
        %parallel_loop3A_348 = tpu.vector_load %arg12[%parallel_loop3A_346, %parallel_loop3A_347] {strides = array<i32>} : memref<128x64xf32, #tpu.memory_space<vmem>>, vector<1x16xf32>,
        %parallel_loop3A_349 = vector.shape_cast %parallel_loop3A_348 : vector<1x16xf32> to vector<16xf32>
        %parallel_loop3A_350 = arith.constant 8.000000e+00 : f32
        %parallel_loop3A_351 = vector.broadcast %parallel_loop3A_350 : f32 to vector<16xf32>
        %parallel_loop3A_352 = arith.mulf %parallel_loop3A_349, %parallel_loop3A_351 : vector<16xf32>
        %parallel_loop3A_353 = arith.index_cast %parallel_loop3A_321 : i32 to index
        %parallel_loop3A_354 = arith.constant 32 : index
        %parallel_loop3A_355 = tpu.vector_load %arg12[%parallel_loop3A_353, %parallel_loop3A_354] {strides = array<i32>} : memref<128x64xf32, #tpu.memory_space<vmem>>, vector<1x16xf32>,
        %parallel_loop3A_356 = vector.shape_cast %parallel_loop3A_355 : vector<1x16xf32> to vector<16xf32>
        %parallel_loop3A_357 = vector.shape_cast %parallel_loop3A_352 : vector<16xf32> to vector<1x16xf32>
        tpu.vector_store %arg12[%parallel_loop3A_353, %parallel_loop3A_354], %parallel_loop3A_357 {strides = array<i32>} : memref<128x64xf32, #tpu.memory_space<vmem>>, vector<1x16xf32>,
        %parallel_loop3A_358 = arith.index_cast %parallel_loop3A_321 : i32 to index
        %parallel_loop3A_359 = arith.constant 48 : index
        %parallel_loop3A_360 = tpu.vector_load %arg12[%parallel_loop3A_358, %parallel_loop3A_359] {strides = array<i32>} : memref<128x64xf32, #tpu.memory_space<vmem>>, vector<1x16xf32>,
        %parallel_loop3A_361 = vector.shape_cast %parallel_loop3A_360 : vector<1x16xf32> to vector<16xf32>
        %parallel_loop3A_362 = arith.constant 8.000000e+00 : f32
        %parallel_loop3A_363 = vector.broadcast %parallel_loop3A_362 : f32 to vector<16xf32>
        %parallel_loop3A_364 = arith.mulf %parallel_loop3A_361, %parallel_loop3A_363 : vector<16xf32>
        %parallel_loop3A_365 = arith.index_cast %parallel_loop3A_321 : i32 to index
        %parallel_loop3A_366 = arith.constant 48 : index
        %parallel_loop3A_367 = tpu.vector_load %arg12[%parallel_loop3A_365, %parallel_loop3A_366] {strides = array<i32>} : memref<128x64xf32, #tpu.memory_space<vmem>>, vector<1x16xf32>,
        %parallel_loop3A_368 = vector.shape_cast %parallel_loop3A_367 : vector<1x16xf32> to vector<16xf32>
        %parallel_loop3A_369 = vector.shape_cast %parallel_loop3A_364 : vector<16xf32> to vector<1x16xf32>
        tpu.vector_store %arg12[%parallel_loop3A_365, %parallel_loop3A_366], %parallel_loop3A_369 {strides = array<i32>} : memref<128x64xf32, #tpu.memory_space<vmem>>, vector<1x16xf32>,
      } {sc.loop_unroll_factor = 4 : i64, sc.parallel_access}
      %mul3A_285 = arith.constant 128 : i32
      %mul3A_286 = arith.muli %add3A_275, %mul3A_285 : i32
      %add3A_287 = arith.addi %mul3A_2, %mul3A_286 : i32
      "tpu.region"() ({
        %run_scoped3A = tpu.sem_alloc : memref<!tpu.dma_semaphore, #tpu.memory_space<semaphore_mem>>
        %dma_start3A_321 = arith.constant 0 : i32
        %dma_start3A_322 = tpu.memref_slice %arg4[%add3A_287, %dma_start3A_321] : memref<819200x64xf32, #tpu.memory_space<hbm>> -> memref<128x64xf32, #tpu.memory_space<hbm>>
        %dma_start3A_323 = arith.constant 0 : i32
        %dma_start3A_324 = tpu.memref_slice %arg4[%add3A_287, %dma_start3A_323] : memref<819200x64xf32, #tpu.memory_space<hbm>> -> memref<128x64xf32, #tpu.memory_space<hbm>>
        tpu.enqueue_dma source(%arg12 : memref<128x64xf32, #tpu.memory_space<vmem>>) target(%dma_start3A_324 : memref<128x64xf32, #tpu.memory_space<hbm>>) target_semaphore(%run_scoped3A : memref<!tpu.dma_semaphore, #tpu.memory_space<semaphore_mem>>)
        %dma_wait3A_325 = arith.constant 0 : i32
        %dma_wait3A_326 = tpu.memref_slice %arg4[%add3A_287, %dma_wait3A_325] : memref<819200x64xf32, #tpu.memory_space<hbm>> -> memref<128x64xf32, #tpu.memory_space<hbm>>
        %dma_wait3A_327 = arith.constant 0 : i32
        %dma_wait3A_328 = tpu.memref_slice %arg4[%add3A_287, %dma_wait3A_327] : memref<819200x64xf32, #tpu.memory_space<hbm>> -> memref<128x64xf32, #tpu.memory_space<hbm>>
        tpu.wait_dma2 semaphore(%run_scoped3A : memref<!tpu.dma_semaphore, #tpu.memory_space<semaphore_mem>>) src(%arg12 : memref<128x64xf32, #tpu.memory_space<vmem>>) dst(%dma_wait3A_328 : memref<128x64xf32, #tpu.memory_space<hbm>>)
        tpu.yield
      }) : () -> ()
      %add3A_288 = arith.constant 8 : i32
      %add3A_289 = arith.addi %add3A_275, %add3A_288 : i32
      %mul3A_290 = arith.constant 128 : i32
      %mul3A_291 = arith.muli %add3A_289, %mul3A_290 : i32
      %dma_start3A_292 = tpu.memref_slice %arg5[%mul3A_291] : memref<25600xi32, #tpu.memory_space<vmem>> -> memref<128xi32, #tpu.memory_space<vmem>>
      %dma_start3A_293 = arith.constant 0 : i32
      %dma_start3A_294 = arith.constant 0 : i32
      %dma_start3A_295 = tpu.memref_slice %arg3[%dma_start3A_293, %dma_start3A_294] : memref<1000000x64xf32, #tpu.memory_space<hbm>> -> memref<1000000x64xf32, #tpu.memory_space<hbm>>
      tpu.enqueue_indirect_dma source(%dma_start3A_295 : memref<1000000x64xf32, #tpu.memory_space<hbm>>) target(%arg12 : memref<128x64xf32, #tpu.memory_space<vmem>>) offsets(%dma_start3A_292 : memref<128xi32, #tpu.memory_space<vmem>>) semaphore(%arg20 : memref<!tpu.dma_semaphore, #tpu.memory_space<semaphore_mem>>)
      %mul3A_296 = arith.constant 8 : i32
      %mul3A_297 = arith.muli %scan3A_126, %mul3A_296 : i32
      %add3A_298 = arith.constant 7 : i32
      %add3A_299 = arith.addi %mul3A_297, %add3A_298 : i32
      %mul3A_300 = arith.constant 128 : i32
      %mul3A_301 = arith.muli %add3A_299, %mul3A_300 : i32
      %dma_wait3A_302 = tpu.memref_slice %arg5[%mul3A_301] : memref<25600xi32, #tpu.memory_space<vmem>> -> memref<128xi32, #tpu.memory_space<vmem>>
      %dma_wait3A_303 = arith.constant 0 : i32
      %dma_wait3A_304 = arith.constant 0 : i32
      %dma_wait3A_305 = tpu.memref_slice %arg3[%dma_wait3A_303, %dma_wait3A_304] : memref<1000000x64xf32, #tpu.memory_space<hbm>> -> memref<1000000x64xf32, #tpu.memory_space<hbm>>
      tpu.wait_indirect_dma semaphore(%arg21 : memref<!tpu.dma_semaphore, #tpu.memory_space<semaphore_mem>>) src(%dma_wait3A_305 : memref<1000000x64xf32, #tpu.memory_space<hbm>>) dst(%arg13 : memref<128x64xf32, #tpu.memory_space<vmem>>)
      %parallel_loop3A_306 = arith.constant 0 : i32
      %parallel_loop3A_307 = arith.constant 128 : i32
      %parallel_loop3A_308 = arith.constant 1 : i32
      scf.for %parallel_loop3A_321 = %parallel_loop3A_306 to %parallel_loop3A_307 step %parallel_loop3A_308  : i32 {
        %parallel_loop3A_322 = arith.index_cast %parallel_loop3A_321 : i32 to index
        %parallel_loop3A_323 = arith.constant 0 : index
        %parallel_loop3A_324 = tpu.vector_load %arg13[%parallel_loop3A_322, %parallel_loop3A_323] {strides = array<i32>} : memref<128x64xf32, #tpu.memory_space<vmem>>, vector<1x16xf32>,
        %parallel_loop3A_325 = vector.shape_cast %parallel_loop3A_324 : vector<1x16xf32> to vector<16xf32>
        %parallel_loop3A_326 = arith.constant 8.000000e+00 : f32
        %parallel_loop3A_327 = vector.broadcast %parallel_loop3A_326 : f32 to vector<16xf32>
        %parallel_loop3A_328 = arith.mulf %parallel_loop3A_325, %parallel_loop3A_327 : vector<16xf32>
        %parallel_loop3A_329 = arith.index_cast %parallel_loop3A_321 : i32 to index
        %parallel_loop3A_330 = arith.constant 0 : index
        %parallel_loop3A_331 = tpu.vector_load %arg13[%parallel_loop3A_329, %parallel_loop3A_330] {strides = array<i32>} : memref<128x64xf32, #tpu.memory_space<vmem>>, vector<1x16xf32>,
        %parallel_loop3A_332 = vector.shape_cast %parallel_loop3A_331 : vector<1x16xf32> to vector<16xf32>
        %parallel_loop3A_333 = vector.shape_cast %parallel_loop3A_328 : vector<16xf32> to vector<1x16xf32>
        tpu.vector_store %arg13[%parallel_loop3A_329, %parallel_loop3A_330], %parallel_loop3A_333 {strides = array<i32>} : memref<128x64xf32, #tpu.memory_space<vmem>>, vector<1x16xf32>,
        %parallel_loop3A_334 = arith.index_cast %parallel_loop3A_321 : i32 to index
        %parallel_loop3A_335 = arith.constant 16 : index
        %parallel_loop3A_336 = tpu.vector_load %arg13[%parallel_loop3A_334, %parallel_loop3A_335] {strides = array<i32>} : memref<128x64xf32, #tpu.memory_space<vmem>>, vector<1x16xf32>,
        %parallel_loop3A_337 = vector.shape_cast %parallel_loop3A_336 : vector<1x16xf32> to vector<16xf32>
        %parallel_loop3A_338 = arith.constant 8.000000e+00 : f32
        %parallel_loop3A_339 = vector.broadcast %parallel_loop3A_338 : f32 to vector<16xf32>
        %parallel_loop3A_340 = arith.mulf %parallel_loop3A_337, %parallel_loop3A_339 : vector<16xf32>
        %parallel_loop3A_341 = arith.index_cast %parallel_loop3A_321 : i32 to index
        %parallel_loop3A_342 = arith.constant 16 : index
        %parallel_loop3A_343 = tpu.vector_load %arg13[%parallel_loop3A_341, %parallel_loop3A_342] {strides = array<i32>} : memref<128x64xf32, #tpu.memory_space<vmem>>, vector<1x16xf32>,
        %parallel_loop3A_344 = vector.shape_cast %parallel_loop3A_343 : vector<1x16xf32> to vector<16xf32>
        %parallel_loop3A_345 = vector.shape_cast %parallel_loop3A_340 : vector<16xf32> to vector<1x16xf32>
        tpu.vector_store %arg13[%parallel_loop3A_341, %parallel_loop3A_342], %parallel_loop3A_345 {strides = array<i32>} : memref<128x64xf32, #tpu.memory_space<vmem>>, vector<1x16xf32>,
        %parallel_loop3A_346 = arith.index_cast %parallel_loop3A_321 : i32 to index
        %parallel_loop3A_347 = arith.constant 32 : index
        %parallel_loop3A_348 = tpu.vector_load %arg13[%parallel_loop3A_346, %parallel_loop3A_347] {strides = array<i32>} : memref<128x64xf32, #tpu.memory_space<vmem>>, vector<1x16xf32>,
        %parallel_loop3A_349 = vector.shape_cast %parallel_loop3A_348 : vector<1x16xf32> to vector<16xf32>
        %parallel_loop3A_350 = arith.constant 8.000000e+00 : f32
        %parallel_loop3A_351 = vector.broadcast %parallel_loop3A_350 : f32 to vector<16xf32>
        %parallel_loop3A_352 = arith.mulf %parallel_loop3A_349, %parallel_loop3A_351 : vector<16xf32>
        %parallel_loop3A_353 = arith.index_cast %parallel_loop3A_321 : i32 to index
        %parallel_loop3A_354 = arith.constant 32 : index
        %parallel_loop3A_355 = tpu.vector_load %arg13[%parallel_loop3A_353, %parallel_loop3A_354] {strides = array<i32>} : memref<128x64xf32, #tpu.memory_space<vmem>>, vector<1x16xf32>,
        %parallel_loop3A_356 = vector.shape_cast %parallel_loop3A_355 : vector<1x16xf32> to vector<16xf32>
        %parallel_loop3A_357 = vector.shape_cast %parallel_loop3A_352 : vector<16xf32> to vector<1x16xf32>
        tpu.vector_store %arg13[%parallel_loop3A_353, %parallel_loop3A_354], %parallel_loop3A_357 {strides = array<i32>} : memref<128x64xf32, #tpu.memory_space<vmem>>, vector<1x16xf32>,
        %parallel_loop3A_358 = arith.index_cast %parallel_loop3A_321 : i32 to index
        %parallel_loop3A_359 = arith.constant 48 : index
        %parallel_loop3A_360 = tpu.vector_load %arg13[%parallel_loop3A_358, %parallel_loop3A_359] {strides = array<i32>} : memref<128x64xf32, #tpu.memory_space<vmem>>, vector<1x16xf32>,
        %parallel_loop3A_361 = vector.shape_cast %parallel_loop3A_360 : vector<1x16xf32> to vector<16xf32>
        %parallel_loop3A_362 = arith.constant 8.000000e+00 : f32
        %parallel_loop3A_363 = vector.broadcast %parallel_loop3A_362 : f32 to vector<16xf32>
        %parallel_loop3A_364 = arith.mulf %parallel_loop3A_361, %parallel_loop3A_363 : vector<16xf32>
        %parallel_loop3A_365 = arith.index_cast %parallel_loop3A_321 : i32 to index
        %parallel_loop3A_366 = arith.constant 48 : index
        %parallel_loop3A_367 = tpu.vector_load %arg13[%parallel_loop3A_365, %parallel_loop3A_366] {strides = array<i32>} : memref<128x64xf32, #tpu.memory_space<vmem>>, vector<1x16xf32>,
        %parallel_loop3A_368 = vector.shape_cast %parallel_loop3A_367 : vector<1x16xf32> to vector<16xf32>
        %parallel_loop3A_369 = vector.shape_cast %parallel_loop3A_364 : vector<16xf32> to vector<1x16xf32>
        tpu.vector_store %arg13[%parallel_loop3A_365, %parallel_loop3A_366], %parallel_loop3A_369 {strides = array<i32>} : memref<128x64xf32, #tpu.memory_space<vmem>>, vector<1x16xf32>,
      } {sc.loop_unroll_factor = 4 : i64, sc.parallel_access}
      %mul3A_309 = arith.constant 128 : i32
      %mul3A_310 = arith.muli %add3A_299, %mul3A_309 : i32
      %add3A_311 = arith.addi %mul3A_2, %mul3A_310 : i32
      "tpu.region"() ({
        %run_scoped3A = tpu.sem_alloc : memref<!tpu.dma_semaphore, #tpu.memory_space<semaphore_mem>>
        %dma_start3A_321 = arith.constant 0 : i32
        %dma_start3A_322 = tpu.memref_slice %arg4[%add3A_311, %dma_start3A_321] : memref<819200x64xf32, #tpu.memory_space<hbm>> -> memref<128x64xf32, #tpu.memory_space<hbm>>
        %dma_start3A_323 = arith.constant 0 : i32
        %dma_start3A_324 = tpu.memref_slice %arg4[%add3A_311, %dma_start3A_323] : memref<819200x64xf32, #tpu.memory_space<hbm>> -> memref<128x64xf32, #tpu.memory_space<hbm>>
        tpu.enqueue_dma source(%arg13 : memref<128x64xf32, #tpu.memory_space<vmem>>) target(%dma_start3A_324 : memref<128x64xf32, #tpu.memory_space<hbm>>) target_semaphore(%run_scoped3A : memref<!tpu.dma_semaphore, #tpu.memory_space<semaphore_mem>>)
        %dma_wait3A_325 = arith.constant 0 : i32
        %dma_wait3A_326 = tpu.memref_slice %arg4[%add3A_311, %dma_wait3A_325] : memref<819200x64xf32, #tpu.memory_space<hbm>> -> memref<128x64xf32, #tpu.memory_space<hbm>>
        %dma_wait3A_327 = arith.constant 0 : i32
        %dma_wait3A_328 = tpu.memref_slice %arg4[%add3A_311, %dma_wait3A_327] : memref<819200x64xf32, #tpu.memory_space<hbm>> -> memref<128x64xf32, #tpu.memory_space<hbm>>
        tpu.wait_dma2 semaphore(%run_scoped3A : memref<!tpu.dma_semaphore, #tpu.memory_space<semaphore_mem>>) src(%arg13 : memref<128x64xf32, #tpu.memory_space<vmem>>) dst(%dma_wait3A_328 : memref<128x64xf32, #tpu.memory_space<hbm>>)
        tpu.yield
      }) : () -> ()
      %add3A_312 = arith.constant 8 : i32
      %add3A_313 = arith.addi %add3A_299, %add3A_312 : i32
      %mul3A_314 = arith.constant 128 : i32
      %mul3A_315 = arith.muli %add3A_313, %mul3A_314 : i32
      %dma_start3A_316 = tpu.memref_slice %arg5[%mul3A_315] : memref<25600xi32, #tpu.memory_space<vmem>> -> memref<128xi32, #tpu.memory_space<vmem>>
      %dma_start3A_317 = arith.constant 0 : i32
      %dma_start3A_318 = arith.constant 0 : i32
      %dma_start3A_319 = tpu.memref_slice %arg3[%dma_start3A_317, %dma_start3A_318] : memref<1000000x64xf32, #tpu.memory_space<hbm>> -> memref<1000000x64xf32, #tpu.memory_space<hbm>>
      tpu.enqueue_indirect_dma source(%dma_start3A_319 : memref<1000000x64xf32, #tpu.memory_space<hbm>>) target(%arg13 : memref<128x64xf32, #tpu.memory_space<vmem>>) offsets(%dma_start3A_316 : memref<128xi32, #tpu.memory_space<vmem>>) semaphore(%arg21 : memref<!tpu.dma_semaphore, #tpu.memory_space<semaphore_mem>>)
      %scan3A_320 = arith.constant 0 : i32
      scf.yield %scan3A_320 : i32
    }
    %scan3A_47 = arith.constant 24 : i32
    %dma_wait3A = arith.constant 24576 : i32
    %dma_wait3A_48 = tpu.memref_slice %arg5[%dma_wait3A] : memref<25600xi32, #tpu.memory_space<vmem>> -> memref<128xi32, #tpu.memory_space<vmem>>
    %dma_wait3A_49 = arith.constant 0 : i32
    %dma_wait3A_50 = arith.constant 0 : i32
    %dma_wait3A_51 = tpu.memref_slice %arg3[%dma_wait3A_49, %dma_wait3A_50] : memref<1000000x64xf32, #tpu.memory_space<hbm>> -> memref<1000000x64xf32, #tpu.memory_space<hbm>>
    tpu.wait_indirect_dma semaphore(%arg14 : memref<!tpu.dma_semaphore, #tpu.memory_space<semaphore_mem>>) src(%dma_wait3A_51 : memref<1000000x64xf32, #tpu.memory_space<hbm>>) dst(%arg6 : memref<128x64xf32, #tpu.memory_space<vmem>>)
    %parallel_loop3A = arith.constant 0 : i32
    %parallel_loop3A_52 = arith.constant 128 : i32
    %parallel_loop3A_53 = arith.constant 1 : i32
    scf.for %parallel_loop3A_126 = %parallel_loop3A to %parallel_loop3A_52 step %parallel_loop3A_53  : i32 {
      %parallel_loop3A_127 = arith.index_cast %parallel_loop3A_126 : i32 to index
      %parallel_loop3A_128 = arith.constant 0 : index
      %parallel_loop3A_129 = tpu.vector_load %arg6[%parallel_loop3A_127, %parallel_loop3A_128] {strides = array<i32>} : memref<128x64xf32, #tpu.memory_space<vmem>>, vector<1x16xf32>,
      %parallel_loop3A_130 = vector.shape_cast %parallel_loop3A_129 : vector<1x16xf32> to vector<16xf32>
      %parallel_loop3A_131 = arith.constant 8.000000e+00 : f32
      %parallel_loop3A_132 = vector.broadcast %parallel_loop3A_131 : f32 to vector<16xf32>
      %parallel_loop3A_133 = arith.mulf %parallel_loop3A_130, %parallel_loop3A_132 : vector<16xf32>
      %parallel_loop3A_134 = arith.index_cast %parallel_loop3A_126 : i32 to index
      %parallel_loop3A_135 = arith.constant 0 : index
      %parallel_loop3A_136 = tpu.vector_load %arg6[%parallel_loop3A_134, %parallel_loop3A_135] {strides = array<i32>} : memref<128x64xf32, #tpu.memory_space<vmem>>, vector<1x16xf32>,
      %parallel_loop3A_137 = vector.shape_cast %parallel_loop3A_136 : vector<1x16xf32> to vector<16xf32>
      %parallel_loop3A_138 = vector.shape_cast %parallel_loop3A_133 : vector<16xf32> to vector<1x16xf32>
      tpu.vector_store %arg6[%parallel_loop3A_134, %parallel_loop3A_135], %parallel_loop3A_138 {strides = array<i32>} : memref<128x64xf32, #tpu.memory_space<vmem>>, vector<1x16xf32>,
      %parallel_loop3A_139 = arith.index_cast %parallel_loop3A_126 : i32 to index
      %parallel_loop3A_140 = arith.constant 16 : index
      %parallel_loop3A_141 = tpu.vector_load %arg6[%parallel_loop3A_139, %parallel_loop3A_140] {strides = array<i32>} : memref<128x64xf32, #tpu.memory_space<vmem>>, vector<1x16xf32>,
      %parallel_loop3A_142 = vector.shape_cast %parallel_loop3A_141 : vector<1x16xf32> to vector<16xf32>
      %parallel_loop3A_143 = arith.constant 8.000000e+00 : f32
      %parallel_loop3A_144 = vector.broadcast %parallel_loop3A_143 : f32 to vector<16xf32>
      %parallel_loop3A_145 = arith.mulf %parallel_loop3A_142, %parallel_loop3A_144 : vector<16xf32>
      %parallel_loop3A_146 = arith.index_cast %parallel_loop3A_126 : i32 to index
      %parallel_loop3A_147 = arith.constant 16 : index
      %parallel_loop3A_148 = tpu.vector_load %arg6[%parallel_loop3A_146, %parallel_loop3A_147] {strides = array<i32>} : memref<128x64xf32, #tpu.memory_space<vmem>>, vector<1x16xf32>,
      %parallel_loop3A_149 = vector.shape_cast %parallel_loop3A_148 : vector<1x16xf32> to vector<16xf32>
      %parallel_loop3A_150 = vector.shape_cast %parallel_loop3A_145 : vector<16xf32> to vector<1x16xf32>
      tpu.vector_store %arg6[%parallel_loop3A_146, %parallel_loop3A_147], %parallel_loop3A_150 {strides = array<i32>} : memref<128x64xf32, #tpu.memory_space<vmem>>, vector<1x16xf32>,
      %parallel_loop3A_151 = arith.index_cast %parallel_loop3A_126 : i32 to index
      %parallel_loop3A_152 = arith.constant 32 : index
      %parallel_loop3A_153 = tpu.vector_load %arg6[%parallel_loop3A_151, %parallel_loop3A_152] {strides = array<i32>} : memref<128x64xf32, #tpu.memory_space<vmem>>, vector<1x16xf32>,
      %parallel_loop3A_154 = vector.shape_cast %parallel_loop3A_153 : vector<1x16xf32> to vector<16xf32>
      %parallel_loop3A_155 = arith.constant 8.000000e+00 : f32
      %parallel_loop3A_156 = vector.broadcast %parallel_loop3A_155 : f32 to vector<16xf32>
      %parallel_loop3A_157 = arith.mulf %parallel_loop3A_154, %parallel_loop3A_156 : vector<16xf32>
      %parallel_loop3A_158 = arith.index_cast %parallel_loop3A_126 : i32 to index
      %parallel_loop3A_159 = arith.constant 32 : index
      %parallel_loop3A_160 = tpu.vector_load %arg6[%parallel_loop3A_158, %parallel_loop3A_159] {strides = array<i32>} : memref<128x64xf32, #tpu.memory_space<vmem>>, vector<1x16xf32>,
      %parallel_loop3A_161 = vector.shape_cast %parallel_loop3A_160 : vector<1x16xf32> to vector<16xf32>
      %parallel_loop3A_162 = vector.shape_cast %parallel_loop3A_157 : vector<16xf32> to vector<1x16xf32>
      tpu.vector_store %arg6[%parallel_loop3A_158, %parallel_loop3A_159], %parallel_loop3A_162 {strides = array<i32>} : memref<128x64xf32, #tpu.memory_space<vmem>>, vector<1x16xf32>,
      %parallel_loop3A_163 = arith.index_cast %parallel_loop3A_126 : i32 to index
      %parallel_loop3A_164 = arith.constant 48 : index
      %parallel_loop3A_165 = tpu.vector_load %arg6[%parallel_loop3A_163, %parallel_loop3A_164] {strides = array<i32>} : memref<128x64xf32, #tpu.memory_space<vmem>>, vector<1x16xf32>,
      %parallel_loop3A_166 = vector.shape_cast %parallel_loop3A_165 : vector<1x16xf32> to vector<16xf32>
      %parallel_loop3A_167 = arith.constant 8.000000e+00 : f32
      %parallel_loop3A_168 = vector.broadcast %parallel_loop3A_167 : f32 to vector<16xf32>
      %parallel_loop3A_169 = arith.mulf %parallel_loop3A_166, %parallel_loop3A_168 : vector<16xf32>
      %parallel_loop3A_170 = arith.index_cast %parallel_loop3A_126 : i32 to index
      %parallel_loop3A_171 = arith.constant 48 : index
      %parallel_loop3A_172 = tpu.vector_load %arg6[%parallel_loop3A_170, %parallel_loop3A_171] {strides = array<i32>} : memref<128x64xf32, #tpu.memory_space<vmem>>, vector<1x16xf32>,
      %parallel_loop3A_173 = vector.shape_cast %parallel_loop3A_172 : vector<1x16xf32> to vector<16xf32>
      %parallel_loop3A_174 = vector.shape_cast %parallel_loop3A_169 : vector<16xf32> to vector<1x16xf32>
      tpu.vector_store %arg6[%parallel_loop3A_170, %parallel_loop3A_171], %parallel_loop3A_174 {strides = array<i32>} : memref<128x64xf32, #tpu.memory_space<vmem>>, vector<1x16xf32>,
    } {sc.loop_unroll_factor = 4 : i64, sc.parallel_access}
    %add3A_54 = arith.constant 24576 : i32
    %add3A_55 = arith.addi %mul3A_2, %add3A_54 : i32
    "tpu.region"() ({
      %run_scoped3A = tpu.sem_alloc : memref<!tpu.dma_semaphore, #tpu.memory_space<semaphore_mem>>
      %dma_start3A_126 = arith.constant 0 : i32
      %dma_start3A_127 = tpu.memref_slice %arg4[%add3A_55, %dma_start3A_126] : memref<819200x64xf32, #tpu.memory_space<hbm>> -> memref<128x64xf32, #tpu.memory_space<hbm>>
      %dma_start3A_128 = arith.constant 0 : i32
      %dma_start3A_129 = tpu.memref_slice %arg4[%add3A_55, %dma_start3A_128] : memref<819200x64xf32, #tpu.memory_space<hbm>> -> memref<128x64xf32, #tpu.memory_space<hbm>>
      tpu.enqueue_dma source(%arg6 : memref<128x64xf32, #tpu.memory_space<vmem>>) target(%dma_start3A_129 : memref<128x64xf32, #tpu.memory_space<hbm>>) target_semaphore(%run_scoped3A : memref<!tpu.dma_semaphore, #tpu.memory_space<semaphore_mem>>)
      %dma_wait3A_130 = arith.constant 0 : i32
      %dma_wait3A_131 = tpu.memref_slice %arg4[%add3A_55, %dma_wait3A_130] : memref<819200x64xf32, #tpu.memory_space<hbm>> -> memref<128x64xf32, #tpu.memory_space<hbm>>
      %dma_wait3A_132 = arith.constant 0 : i32
      %dma_wait3A_133 = tpu.memref_slice %arg4[%add3A_55, %dma_wait3A_132] : memref<819200x64xf32, #tpu.memory_space<hbm>> -> memref<128x64xf32, #tpu.memory_space<hbm>>
      tpu.wait_dma2 semaphore(%run_scoped3A : memref<!tpu.dma_semaphore, #tpu.memory_space<semaphore_mem>>) src(%arg6 : memref<128x64xf32, #tpu.memory_space<vmem>>) dst(%dma_wait3A_133 : memref<128x64xf32, #tpu.memory_space<hbm>>)
      tpu.yield
    }) : () -> ()
    %dma_wait3A_56 = arith.constant 24704 : i32
    %dma_wait3A_57 = tpu.memref_slice %arg5[%dma_wait3A_56] : memref<25600xi32, #tpu.memory_space<vmem>> -> memref<128xi32, #tpu.memory_space<vmem>>
    %dma_wait3A_58 = arith.constant 0 : i32
    %dma_wait3A_59 = arith.constant 0 : i32
    %dma_wait3A_60 = tpu.memref_slice %arg3[%dma_wait3A_58, %dma_wait3A_59] : memref<1000000x64xf32, #tpu.memory_space<hbm>> -> memref<1000000x64xf32, #tpu.memory_space<hbm>>
    tpu.wait_indirect_dma semaphore(%arg15 : memref<!tpu.dma_semaphore, #tpu.memory_space<semaphore_mem>>) src(%dma_wait3A_60 : memref<1000000x64xf32, #tpu.memory_space<hbm>>) dst(%arg7 : memref<128x64xf32, #tpu.memory_space<vmem>>)
    %parallel_loop3A_61 = arith.constant 0 : i32
    %parallel_loop3A_62 = arith.constant 128 : i32
    %parallel_loop3A_63 = arith.constant 1 : i32
    scf.for %parallel_loop3A_126 = %parallel_loop3A_61 to %parallel_loop3A_62 step %parallel_loop3A_63  : i32 {
      %parallel_loop3A_127 = arith.index_cast %parallel_loop3A_126 : i32 to index
      %parallel_loop3A_128 = arith.constant 0 : index
      %parallel_loop3A_129 = tpu.vector_load %arg7[%parallel_loop3A_127, %parallel_loop3A_128] {strides = array<i32>} : memref<128x64xf32, #tpu.memory_space<vmem>>, vector<1x16xf32>,
      %parallel_loop3A_130 = vector.shape_cast %parallel_loop3A_129 : vector<1x16xf32> to vector<16xf32>
      %parallel_loop3A_131 = arith.constant 8.000000e+00 : f32
      %parallel_loop3A_132 = vector.broadcast %parallel_loop3A_131 : f32 to vector<16xf32>
      %parallel_loop3A_133 = arith.mulf %parallel_loop3A_130, %parallel_loop3A_132 : vector<16xf32>
      %parallel_loop3A_134 = arith.index_cast %parallel_loop3A_126 : i32 to index
      %parallel_loop3A_135 = arith.constant 0 : index
      %parallel_loop3A_136 = tpu.vector_load %arg7[%parallel_loop3A_134, %parallel_loop3A_135] {strides = array<i32>} : memref<128x64xf32, #tpu.memory_space<vmem>>, vector<1x16xf32>,
      %parallel_loop3A_137 = vector.shape_cast %parallel_loop3A_136 : vector<1x16xf32> to vector<16xf32>
      %parallel_loop3A_138 = vector.shape_cast %parallel_loop3A_133 : vector<16xf32> to vector<1x16xf32>
      tpu.vector_store %arg7[%parallel_loop3A_134, %parallel_loop3A_135], %parallel_loop3A_138 {strides = array<i32>} : memref<128x64xf32, #tpu.memory_space<vmem>>, vector<1x16xf32>,
      %parallel_loop3A_139 = arith.index_cast %parallel_loop3A_126 : i32 to index
      %parallel_loop3A_140 = arith.constant 16 : index
      %parallel_loop3A_141 = tpu.vector_load %arg7[%parallel_loop3A_139, %parallel_loop3A_140] {strides = array<i32>} : memref<128x64xf32, #tpu.memory_space<vmem>>, vector<1x16xf32>,
      %parallel_loop3A_142 = vector.shape_cast %parallel_loop3A_141 : vector<1x16xf32> to vector<16xf32>
      %parallel_loop3A_143 = arith.constant 8.000000e+00 : f32
      %parallel_loop3A_144 = vector.broadcast %parallel_loop3A_143 : f32 to vector<16xf32>
      %parallel_loop3A_145 = arith.mulf %parallel_loop3A_142, %parallel_loop3A_144 : vector<16xf32>
      %parallel_loop3A_146 = arith.index_cast %parallel_loop3A_126 : i32 to index
      %parallel_loop3A_147 = arith.constant 16 : index
      %parallel_loop3A_148 = tpu.vector_load %arg7[%parallel_loop3A_146, %parallel_loop3A_147] {strides = array<i32>} : memref<128x64xf32, #tpu.memory_space<vmem>>, vector<1x16xf32>,
      %parallel_loop3A_149 = vector.shape_cast %parallel_loop3A_148 : vector<1x16xf32> to vector<16xf32>
      %parallel_loop3A_150 = vector.shape_cast %parallel_loop3A_145 : vector<16xf32> to vector<1x16xf32>
      tpu.vector_store %arg7[%parallel_loop3A_146, %parallel_loop3A_147], %parallel_loop3A_150 {strides = array<i32>} : memref<128x64xf32, #tpu.memory_space<vmem>>, vector<1x16xf32>,
      %parallel_loop3A_151 = arith.index_cast %parallel_loop3A_126 : i32 to index
      %parallel_loop3A_152 = arith.constant 32 : index
      %parallel_loop3A_153 = tpu.vector_load %arg7[%parallel_loop3A_151, %parallel_loop3A_152] {strides = array<i32>} : memref<128x64xf32, #tpu.memory_space<vmem>>, vector<1x16xf32>,
      %parallel_loop3A_154 = vector.shape_cast %parallel_loop3A_153 : vector<1x16xf32> to vector<16xf32>
      %parallel_loop3A_155 = arith.constant 8.000000e+00 : f32
      %parallel_loop3A_156 = vector.broadcast %parallel_loop3A_155 : f32 to vector<16xf32>
      %parallel_loop3A_157 = arith.mulf %parallel_loop3A_154, %parallel_loop3A_156 : vector<16xf32>
      %parallel_loop3A_158 = arith.index_cast %parallel_loop3A_126 : i32 to index
      %parallel_loop3A_159 = arith.constant 32 : index
      %parallel_loop3A_160 = tpu.vector_load %arg7[%parallel_loop3A_158, %parallel_loop3A_159] {strides = array<i32>} : memref<128x64xf32, #tpu.memory_space<vmem>>, vector<1x16xf32>,
      %parallel_loop3A_161 = vector.shape_cast %parallel_loop3A_160 : vector<1x16xf32> to vector<16xf32>
      %parallel_loop3A_162 = vector.shape_cast %parallel_loop3A_157 : vector<16xf32> to vector<1x16xf32>
      tpu.vector_store %arg7[%parallel_loop3A_158, %parallel_loop3A_159], %parallel_loop3A_162 {strides = array<i32>} : memref<128x64xf32, #tpu.memory_space<vmem>>, vector<1x16xf32>,
      %parallel_loop3A_163 = arith.index_cast %parallel_loop3A_126 : i32 to index
      %parallel_loop3A_164 = arith.constant 48 : index
      %parallel_loop3A_165 = tpu.vector_load %arg7[%parallel_loop3A_163, %parallel_loop3A_164] {strides = array<i32>} : memref<128x64xf32, #tpu.memory_space<vmem>>, vector<1x16xf32>,
      %parallel_loop3A_166 = vector.shape_cast %parallel_loop3A_165 : vector<1x16xf32> to vector<16xf32>
      %parallel_loop3A_167 = arith.constant 8.000000e+00 : f32
      %parallel_loop3A_168 = vector.broadcast %parallel_loop3A_167 : f32 to vector<16xf32>
      %parallel_loop3A_169 = arith.mulf %parallel_loop3A_166, %parallel_loop3A_168 : vector<16xf32>
      %parallel_loop3A_170 = arith.index_cast %parallel_loop3A_126 : i32 to index
      %parallel_loop3A_171 = arith.constant 48 : index
      %parallel_loop3A_172 = tpu.vector_load %arg7[%parallel_loop3A_170, %parallel_loop3A_171] {strides = array<i32>} : memref<128x64xf32, #tpu.memory_space<vmem>>, vector<1x16xf32>,
      %parallel_loop3A_173 = vector.shape_cast %parallel_loop3A_172 : vector<1x16xf32> to vector<16xf32>
      %parallel_loop3A_174 = vector.shape_cast %parallel_loop3A_169 : vector<16xf32> to vector<1x16xf32>
      tpu.vector_store %arg7[%parallel_loop3A_170, %parallel_loop3A_171], %parallel_loop3A_174 {strides = array<i32>} : memref<128x64xf32, #tpu.memory_space<vmem>>, vector<1x16xf32>,
    } {sc.loop_unroll_factor = 4 : i64, sc.parallel_access}
    %add3A_64 = arith.constant 24704 : i32
    %add3A_65 = arith.addi %mul3A_2, %add3A_64 : i32
    "tpu.region"() ({
      %run_scoped3A = tpu.sem_alloc : memref<!tpu.dma_semaphore, #tpu.memory_space<semaphore_mem>>
      %dma_start3A_126 = arith.constant 0 : i32
      %dma_start3A_127 = tpu.memref_slice %arg4[%add3A_65, %dma_start3A_126] : memref<819200x64xf32, #tpu.memory_space<hbm>> -> memref<128x64xf32, #tpu.memory_space<hbm>>
      %dma_start3A_128 = arith.constant 0 : i32
      %dma_start3A_129 = tpu.memref_slice %arg4[%add3A_65, %dma_start3A_128] : memref<819200x64xf32, #tpu.memory_space<hbm>> -> memref<128x64xf32, #tpu.memory_space<hbm>>
      tpu.enqueue_dma source(%arg7 : memref<128x64xf32, #tpu.memory_space<vmem>>) target(%dma_start3A_129 : memref<128x64xf32, #tpu.memory_space<hbm>>) target_semaphore(%run_scoped3A : memref<!tpu.dma_semaphore, #tpu.memory_space<semaphore_mem>>)
      %dma_wait3A_130 = arith.constant 0 : i32
      %dma_wait3A_131 = tpu.memref_slice %arg4[%add3A_65, %dma_wait3A_130] : memref<819200x64xf32, #tpu.memory_space<hbm>> -> memref<128x64xf32, #tpu.memory_space<hbm>>
      %dma_wait3A_132 = arith.constant 0 : i32
      %dma_wait3A_133 = tpu.memref_slice %arg4[%add3A_65, %dma_wait3A_132] : memref<819200x64xf32, #tpu.memory_space<hbm>> -> memref<128x64xf32, #tpu.memory_space<hbm>>
      tpu.wait_dma2 semaphore(%run_scoped3A : memref<!tpu.dma_semaphore, #tpu.memory_space<semaphore_mem>>) src(%arg7 : memref<128x64xf32, #tpu.memory_space<vmem>>) dst(%dma_wait3A_133 : memref<128x64xf32, #tpu.memory_space<hbm>>)
      tpu.yield
    }) : () -> ()
    %dma_wait3A_66 = arith.constant 24832 : i32
    %dma_wait3A_67 = tpu.memref_slice %arg5[%dma_wait3A_66] : memref<25600xi32, #tpu.memory_space<vmem>> -> memref<128xi32, #tpu.memory_space<vmem>>
    %dma_wait3A_68 = arith.constant 0 : i32
    %dma_wait3A_69 = arith.constant 0 : i32
    %dma_wait3A_70 = tpu.memref_slice %arg3[%dma_wait3A_68, %dma_wait3A_69] : memref<1000000x64xf32, #tpu.memory_space<hbm>> -> memref<1000000x64xf32, #tpu.memory_space<hbm>>
    tpu.wait_indirect_dma semaphore(%arg16 : memref<!tpu.dma_semaphore, #tpu.memory_space<semaphore_mem>>) src(%dma_wait3A_70 : memref<1000000x64xf32, #tpu.memory_space<hbm>>) dst(%arg8 : memref<128x64xf32, #tpu.memory_space<vmem>>)
    %parallel_loop3A_71 = arith.constant 0 : i32
    %parallel_loop3A_72 = arith.constant 128 : i32
    %parallel_loop3A_73 = arith.constant 1 : i32
    scf.for %parallel_loop3A_126 = %parallel_loop3A_71 to %parallel_loop3A_72 step %parallel_loop3A_73  : i32 {
      %parallel_loop3A_127 = arith.index_cast %parallel_loop3A_126 : i32 to index
      %parallel_loop3A_128 = arith.constant 0 : index
      %parallel_loop3A_129 = tpu.vector_load %arg8[%parallel_loop3A_127, %parallel_loop3A_128] {strides = array<i32>} : memref<128x64xf32, #tpu.memory_space<vmem>>, vector<1x16xf32>,
      %parallel_loop3A_130 = vector.shape_cast %parallel_loop3A_129 : vector<1x16xf32> to vector<16xf32>
      %parallel_loop3A_131 = arith.constant 8.000000e+00 : f32
      %parallel_loop3A_132 = vector.broadcast %parallel_loop3A_131 : f32 to vector<16xf32>
      %parallel_loop3A_133 = arith.mulf %parallel_loop3A_130, %parallel_loop3A_132 : vector<16xf32>
      %parallel_loop3A_134 = arith.index_cast %parallel_loop3A_126 : i32 to index
      %parallel_loop3A_135 = arith.constant 0 : index
      %parallel_loop3A_136 = tpu.vector_load %arg8[%parallel_loop3A_134, %parallel_loop3A_135] {strides = array<i32>} : memref<128x64xf32, #tpu.memory_space<vmem>>, vector<1x16xf32>,
      %parallel_loop3A_137 = vector.shape_cast %parallel_loop3A_136 : vector<1x16xf32> to vector<16xf32>
      %parallel_loop3A_138 = vector.shape_cast %parallel_loop3A_133 : vector<16xf32> to vector<1x16xf32>
      tpu.vector_store %arg8[%parallel_loop3A_134, %parallel_loop3A_135], %parallel_loop3A_138 {strides = array<i32>} : memref<128x64xf32, #tpu.memory_space<vmem>>, vector<1x16xf32>,
      %parallel_loop3A_139 = arith.index_cast %parallel_loop3A_126 : i32 to index
      %parallel_loop3A_140 = arith.constant 16 : index
      %parallel_loop3A_141 = tpu.vector_load %arg8[%parallel_loop3A_139, %parallel_loop3A_140] {strides = array<i32>} : memref<128x64xf32, #tpu.memory_space<vmem>>, vector<1x16xf32>,
      %parallel_loop3A_142 = vector.shape_cast %parallel_loop3A_141 : vector<1x16xf32> to vector<16xf32>
      %parallel_loop3A_143 = arith.constant 8.000000e+00 : f32
      %parallel_loop3A_144 = vector.broadcast %parallel_loop3A_143 : f32 to vector<16xf32>
      %parallel_loop3A_145 = arith.mulf %parallel_loop3A_142, %parallel_loop3A_144 : vector<16xf32>
      %parallel_loop3A_146 = arith.index_cast %parallel_loop3A_126 : i32 to index
      %parallel_loop3A_147 = arith.constant 16 : index
      %parallel_loop3A_148 = tpu.vector_load %arg8[%parallel_loop3A_146, %parallel_loop3A_147] {strides = array<i32>} : memref<128x64xf32, #tpu.memory_space<vmem>>, vector<1x16xf32>,
      %parallel_loop3A_149 = vector.shape_cast %parallel_loop3A_148 : vector<1x16xf32> to vector<16xf32>
      %parallel_loop3A_150 = vector.shape_cast %parallel_loop3A_145 : vector<16xf32> to vector<1x16xf32>
      tpu.vector_store %arg8[%parallel_loop3A_146, %parallel_loop3A_147], %parallel_loop3A_150 {strides = array<i32>} : memref<128x64xf32, #tpu.memory_space<vmem>>, vector<1x16xf32>,
      %parallel_loop3A_151 = arith.index_cast %parallel_loop3A_126 : i32 to index
      %parallel_loop3A_152 = arith.constant 32 : index
      %parallel_loop3A_153 = tpu.vector_load %arg8[%parallel_loop3A_151, %parallel_loop3A_152] {strides = array<i32>} : memref<128x64xf32, #tpu.memory_space<vmem>>, vector<1x16xf32>,
      %parallel_loop3A_154 = vector.shape_cast %parallel_loop3A_153 : vector<1x16xf32> to vector<16xf32>
      %parallel_loop3A_155 = arith.constant 8.000000e+00 : f32
      %parallel_loop3A_156 = vector.broadcast %parallel_loop3A_155 : f32 to vector<16xf32>
      %parallel_loop3A_157 = arith.mulf %parallel_loop3A_154, %parallel_loop3A_156 : vector<16xf32>
      %parallel_loop3A_158 = arith.index_cast %parallel_loop3A_126 : i32 to index
      %parallel_loop3A_159 = arith.constant 32 : index
      %parallel_loop3A_160 = tpu.vector_load %arg8[%parallel_loop3A_158, %parallel_loop3A_159] {strides = array<i32>} : memref<128x64xf32, #tpu.memory_space<vmem>>, vector<1x16xf32>,
      %parallel_loop3A_161 = vector.shape_cast %parallel_loop3A_160 : vector<1x16xf32> to vector<16xf32>
      %parallel_loop3A_162 = vector.shape_cast %parallel_loop3A_157 : vector<16xf32> to vector<1x16xf32>
      tpu.vector_store %arg8[%parallel_loop3A_158, %parallel_loop3A_159], %parallel_loop3A_162 {strides = array<i32>} : memref<128x64xf32, #tpu.memory_space<vmem>>, vector<1x16xf32>,
      %parallel_loop3A_163 = arith.index_cast %parallel_loop3A_126 : i32 to index
      %parallel_loop3A_164 = arith.constant 48 : index
      %parallel_loop3A_165 = tpu.vector_load %arg8[%parallel_loop3A_163, %parallel_loop3A_164] {strides = array<i32>} : memref<128x64xf32, #tpu.memory_space<vmem>>, vector<1x16xf32>,
      %parallel_loop3A_166 = vector.shape_cast %parallel_loop3A_165 : vector<1x16xf32> to vector<16xf32>
      %parallel_loop3A_167 = arith.constant 8.000000e+00 : f32
      %parallel_loop3A_168 = vector.broadcast %parallel_loop3A_167 : f32 to vector<16xf32>
      %parallel_loop3A_169 = arith.mulf %parallel_loop3A_166, %parallel_loop3A_168 : vector<16xf32>
      %parallel_loop3A_170 = arith.index_cast %parallel_loop3A_126 : i32 to index
      %parallel_loop3A_171 = arith.constant 48 : index
      %parallel_loop3A_172 = tpu.vector_load %arg8[%parallel_loop3A_170, %parallel_loop3A_171] {strides = array<i32>} : memref<128x64xf32, #tpu.memory_space<vmem>>, vector<1x16xf32>,
      %parallel_loop3A_173 = vector.shape_cast %parallel_loop3A_172 : vector<1x16xf32> to vector<16xf32>
      %parallel_loop3A_174 = vector.shape_cast %parallel_loop3A_169 : vector<16xf32> to vector<1x16xf32>
      tpu.vector_store %arg8[%parallel_loop3A_170, %parallel_loop3A_171], %parallel_loop3A_174 {strides = array<i32>} : memref<128x64xf32, #tpu.memory_space<vmem>>, vector<1x16xf32>,
    } {sc.loop_unroll_factor = 4 : i64, sc.parallel_access}
    %add3A_74 = arith.constant 24832 : i32
    %add3A_75 = arith.addi %mul3A_2, %add3A_74 : i32
    "tpu.region"() ({
      %run_scoped3A = tpu.sem_alloc : memref<!tpu.dma_semaphore, #tpu.memory_space<semaphore_mem>>
      %dma_start3A_126 = arith.constant 0 : i32
      %dma_start3A_127 = tpu.memref_slice %arg4[%add3A_75, %dma_start3A_126] : memref<819200x64xf32, #tpu.memory_space<hbm>> -> memref<128x64xf32, #tpu.memory_space<hbm>>
      %dma_start3A_128 = arith.constant 0 : i32
      %dma_start3A_129 = tpu.memref_slice %arg4[%add3A_75, %dma_start3A_128] : memref<819200x64xf32, #tpu.memory_space<hbm>> -> memref<128x64xf32, #tpu.memory_space<hbm>>
      tpu.enqueue_dma source(%arg8 : memref<128x64xf32, #tpu.memory_space<vmem>>) target(%dma_start3A_129 : memref<128x64xf32, #tpu.memory_space<hbm>>) target_semaphore(%run_scoped3A : memref<!tpu.dma_semaphore, #tpu.memory_space<semaphore_mem>>)
      %dma_wait3A_130 = arith.constant 0 : i32
      %dma_wait3A_131 = tpu.memref_slice %arg4[%add3A_75, %dma_wait3A_130] : memref<819200x64xf32, #tpu.memory_space<hbm>> -> memref<128x64xf32, #tpu.memory_space<hbm>>
      %dma_wait3A_132 = arith.constant 0 : i32
      %dma_wait3A_133 = tpu.memref_slice %arg4[%add3A_75, %dma_wait3A_132] : memref<819200x64xf32, #tpu.memory_space<hbm>> -> memref<128x64xf32, #tpu.memory_space<hbm>>
      tpu.wait_dma2 semaphore(%run_scoped3A : memref<!tpu.dma_semaphore, #tpu.memory_space<semaphore_mem>>) src(%arg8 : memref<128x64xf32, #tpu.memory_space<vmem>>) dst(%dma_wait3A_133 : memref<128x64xf32, #tpu.memory_space<hbm>>)
      tpu.yield
    }) : () -> ()
    %dma_wait3A_76 = arith.constant 24960 : i32
    %dma_wait3A_77 = tpu.memref_slice %arg5[%dma_wait3A_76] : memref<25600xi32, #tpu.memory_space<vmem>> -> memref<128xi32, #tpu.memory_space<vmem>>
    %dma_wait3A_78 = arith.constant 0 : i32
    %dma_wait3A_79 = arith.constant 0 : i32
    %dma_wait3A_80 = tpu.memref_slice %arg3[%dma_wait3A_78, %dma_wait3A_79] : memref<1000000x64xf32, #tpu.memory_space<hbm>> -> memref<1000000x64xf32, #tpu.memory_space<hbm>>
    tpu.wait_indirect_dma semaphore(%arg17 : memref<!tpu.dma_semaphore, #tpu.memory_space<semaphore_mem>>) src(%dma_wait3A_80 : memref<1000000x64xf32, #tpu.memory_space<hbm>>) dst(%arg9 : memref<128x64xf32, #tpu.memory_space<vmem>>)
    %parallel_loop3A_81 = arith.constant 0 : i32
    %parallel_loop3A_82 = arith.constant 128 : i32
    %parallel_loop3A_83 = arith.constant 1 : i32
    scf.for %parallel_loop3A_126 = %parallel_loop3A_81 to %parallel_loop3A_82 step %parallel_loop3A_83  : i32 {
      %parallel_loop3A_127 = arith.index_cast %parallel_loop3A_126 : i32 to index
      %parallel_loop3A_128 = arith.constant 0 : index
      %parallel_loop3A_129 = tpu.vector_load %arg9[%parallel_loop3A_127, %parallel_loop3A_128] {strides = array<i32>} : memref<128x64xf32, #tpu.memory_space<vmem>>, vector<1x16xf32>,
      %parallel_loop3A_130 = vector.shape_cast %parallel_loop3A_129 : vector<1x16xf32> to vector<16xf32>
      %parallel_loop3A_131 = arith.constant 8.000000e+00 : f32
      %parallel_loop3A_132 = vector.broadcast %parallel_loop3A_131 : f32 to vector<16xf32>
      %parallel_loop3A_133 = arith.mulf %parallel_loop3A_130, %parallel_loop3A_132 : vector<16xf32>
      %parallel_loop3A_134 = arith.index_cast %parallel_loop3A_126 : i32 to index
      %parallel_loop3A_135 = arith.constant 0 : index
      %parallel_loop3A_136 = tpu.vector_load %arg9[%parallel_loop3A_134, %parallel_loop3A_135] {strides = array<i32>} : memref<128x64xf32, #tpu.memory_space<vmem>>, vector<1x16xf32>,
      %parallel_loop3A_137 = vector.shape_cast %parallel_loop3A_136 : vector<1x16xf32> to vector<16xf32>
      %parallel_loop3A_138 = vector.shape_cast %parallel_loop3A_133 : vector<16xf32> to vector<1x16xf32>
      tpu.vector_store %arg9[%parallel_loop3A_134, %parallel_loop3A_135], %parallel_loop3A_138 {strides = array<i32>} : memref<128x64xf32, #tpu.memory_space<vmem>>, vector<1x16xf32>,
      %parallel_loop3A_139 = arith.index_cast %parallel_loop3A_126 : i32 to index
      %parallel_loop3A_140 = arith.constant 16 : index
      %parallel_loop3A_141 = tpu.vector_load %arg9[%parallel_loop3A_139, %parallel_loop3A_140] {strides = array<i32>} : memref<128x64xf32, #tpu.memory_space<vmem>>, vector<1x16xf32>,
      %parallel_loop3A_142 = vector.shape_cast %parallel_loop3A_141 : vector<1x16xf32> to vector<16xf32>
      %parallel_loop3A_143 = arith.constant 8.000000e+00 : f32
      %parallel_loop3A_144 = vector.broadcast %parallel_loop3A_143 : f32 to vector<16xf32>
      %parallel_loop3A_145 = arith.mulf %parallel_loop3A_142, %parallel_loop3A_144 : vector<16xf32>
      %parallel_loop3A_146 = arith.index_cast %parallel_loop3A_126 : i32 to index
      %parallel_loop3A_147 = arith.constant 16 : index
      %parallel_loop3A_148 = tpu.vector_load %arg9[%parallel_loop3A_146, %parallel_loop3A_147] {strides = array<i32>} : memref<128x64xf32, #tpu.memory_space<vmem>>, vector<1x16xf32>,
      %parallel_loop3A_149 = vector.shape_cast %parallel_loop3A_148 : vector<1x16xf32> to vector<16xf32>
      %parallel_loop3A_150 = vector.shape_cast %parallel_loop3A_145 : vector<16xf32> to vector<1x16xf32>
      tpu.vector_store %arg9[%parallel_loop3A_146, %parallel_loop3A_147], %parallel_loop3A_150 {strides = array<i32>} : memref<128x64xf32, #tpu.memory_space<vmem>>, vector<1x16xf32>,
      %parallel_loop3A_151 = arith.index_cast %parallel_loop3A_126 : i32 to index
      %parallel_loop3A_152 = arith.constant 32 : index
      %parallel_loop3A_153 = tpu.vector_load %arg9[%parallel_loop3A_151, %parallel_loop3A_152] {strides = array<i32>} : memref<128x64xf32, #tpu.memory_space<vmem>>, vector<1x16xf32>,
      %parallel_loop3A_154 = vector.shape_cast %parallel_loop3A_153 : vector<1x16xf32> to vector<16xf32>
      %parallel_loop3A_155 = arith.constant 8.000000e+00 : f32
      %parallel_loop3A_156 = vector.broadcast %parallel_loop3A_155 : f32 to vector<16xf32>
      %parallel_loop3A_157 = arith.mulf %parallel_loop3A_154, %parallel_loop3A_156 : vector<16xf32>
      %parallel_loop3A_158 = arith.index_cast %parallel_loop3A_126 : i32 to index
      %parallel_loop3A_159 = arith.constant 32 : index
      %parallel_loop3A_160 = tpu.vector_load %arg9[%parallel_loop3A_158, %parallel_loop3A_159] {strides = array<i32>} : memref<128x64xf32, #tpu.memory_space<vmem>>, vector<1x16xf32>,
      %parallel_loop3A_161 = vector.shape_cast %parallel_loop3A_160 : vector<1x16xf32> to vector<16xf32>
      %parallel_loop3A_162 = vector.shape_cast %parallel_loop3A_157 : vector<16xf32> to vector<1x16xf32>
      tpu.vector_store %arg9[%parallel_loop3A_158, %parallel_loop3A_159], %parallel_loop3A_162 {strides = array<i32>} : memref<128x64xf32, #tpu.memory_space<vmem>>, vector<1x16xf32>,
      %parallel_loop3A_163 = arith.index_cast %parallel_loop3A_126 : i32 to index
      %parallel_loop3A_164 = arith.constant 48 : index
      %parallel_loop3A_165 = tpu.vector_load %arg9[%parallel_loop3A_163, %parallel_loop3A_164] {strides = array<i32>} : memref<128x64xf32, #tpu.memory_space<vmem>>, vector<1x16xf32>,
      %parallel_loop3A_166 = vector.shape_cast %parallel_loop3A_165 : vector<1x16xf32> to vector<16xf32>
      %parallel_loop3A_167 = arith.constant 8.000000e+00 : f32
      %parallel_loop3A_168 = vector.broadcast %parallel_loop3A_167 : f32 to vector<16xf32>
      %parallel_loop3A_169 = arith.mulf %parallel_loop3A_166, %parallel_loop3A_168 : vector<16xf32>
      %parallel_loop3A_170 = arith.index_cast %parallel_loop3A_126 : i32 to index
      %parallel_loop3A_171 = arith.constant 48 : index
      %parallel_loop3A_172 = tpu.vector_load %arg9[%parallel_loop3A_170, %parallel_loop3A_171] {strides = array<i32>} : memref<128x64xf32, #tpu.memory_space<vmem>>, vector<1x16xf32>,
      %parallel_loop3A_173 = vector.shape_cast %parallel_loop3A_172 : vector<1x16xf32> to vector<16xf32>
      %parallel_loop3A_174 = vector.shape_cast %parallel_loop3A_169 : vector<16xf32> to vector<1x16xf32>
      tpu.vector_store %arg9[%parallel_loop3A_170, %parallel_loop3A_171], %parallel_loop3A_174 {strides = array<i32>} : memref<128x64xf32, #tpu.memory_space<vmem>>, vector<1x16xf32>,
    } {sc.loop_unroll_factor = 4 : i64, sc.parallel_access}
    %add3A_84 = arith.constant 24960 : i32
    %add3A_85 = arith.addi %mul3A_2, %add3A_84 : i32
    "tpu.region"() ({
      %run_scoped3A = tpu.sem_alloc : memref<!tpu.dma_semaphore, #tpu.memory_space<semaphore_mem>>
      %dma_start3A_126 = arith.constant 0 : i32
      %dma_start3A_127 = tpu.memref_slice %arg4[%add3A_85, %dma_start3A_126] : memref<819200x64xf32, #tpu.memory_space<hbm>> -> memref<128x64xf32, #tpu.memory_space<hbm>>
      %dma_start3A_128 = arith.constant 0 : i32
      %dma_start3A_129 = tpu.memref_slice %arg4[%add3A_85, %dma_start3A_128] : memref<819200x64xf32, #tpu.memory_space<hbm>> -> memref<128x64xf32, #tpu.memory_space<hbm>>
      tpu.enqueue_dma source(%arg9 : memref<128x64xf32, #tpu.memory_space<vmem>>) target(%dma_start3A_129 : memref<128x64xf32, #tpu.memory_space<hbm>>) target_semaphore(%run_scoped3A : memref<!tpu.dma_semaphore, #tpu.memory_space<semaphore_mem>>)
      %dma_wait3A_130 = arith.constant 0 : i32
      %dma_wait3A_131 = tpu.memref_slice %arg4[%add3A_85, %dma_wait3A_130] : memref<819200x64xf32, #tpu.memory_space<hbm>> -> memref<128x64xf32, #tpu.memory_space<hbm>>
      %dma_wait3A_132 = arith.constant 0 : i32
      %dma_wait3A_133 = tpu.memref_slice %arg4[%add3A_85, %dma_wait3A_132] : memref<819200x64xf32, #tpu.memory_space<hbm>> -> memref<128x64xf32, #tpu.memory_space<hbm>>
      tpu.wait_dma2 semaphore(%run_scoped3A : memref<!tpu.dma_semaphore, #tpu.memory_space<semaphore_mem>>) src(%arg9 : memref<128x64xf32, #tpu.memory_space<vmem>>) dst(%dma_wait3A_133 : memref<128x64xf32, #tpu.memory_space<hbm>>)
      tpu.yield
    }) : () -> ()
    %dma_wait3A_86 = arith.constant 25088 : i32
    %dma_wait3A_87 = tpu.memref_slice %arg5[%dma_wait3A_86] : memref<25600xi32, #tpu.memory_space<vmem>> -> memref<128xi32, #tpu.memory_space<vmem>>
    %dma_wait3A_88 = arith.constant 0 : i32
    %dma_wait3A_89 = arith.constant 0 : i32
    %dma_wait3A_90 = tpu.memref_slice %arg3[%dma_wait3A_88, %dma_wait3A_89] : memref<1000000x64xf32, #tpu.memory_space<hbm>> -> memref<1000000x64xf32, #tpu.memory_space<hbm>>
    tpu.wait_indirect_dma semaphore(%arg18 : memref<!tpu.dma_semaphore, #tpu.memory_space<semaphore_mem>>) src(%dma_wait3A_90 : memref<1000000x64xf32, #tpu.memory_space<hbm>>) dst(%arg10 : memref<128x64xf32, #tpu.memory_space<vmem>>)
    %parallel_loop3A_91 = arith.constant 0 : i32
    %parallel_loop3A_92 = arith.constant 128 : i32
    %parallel_loop3A_93 = arith.constant 1 : i32
    scf.for %parallel_loop3A_126 = %parallel_loop3A_91 to %parallel_loop3A_92 step %parallel_loop3A_93  : i32 {
      %parallel_loop3A_127 = arith.index_cast %parallel_loop3A_126 : i32 to index
      %parallel_loop3A_128 = arith.constant 0 : index
      %parallel_loop3A_129 = tpu.vector_load %arg10[%parallel_loop3A_127, %parallel_loop3A_128] {strides = array<i32>} : memref<128x64xf32, #tpu.memory_space<vmem>>, vector<1x16xf32>,
      %parallel_loop3A_130 = vector.shape_cast %parallel_loop3A_129 : vector<1x16xf32> to vector<16xf32>
      %parallel_loop3A_131 = arith.constant 8.000000e+00 : f32
      %parallel_loop3A_132 = vector.broadcast %parallel_loop3A_131 : f32 to vector<16xf32>
      %parallel_loop3A_133 = arith.mulf %parallel_loop3A_130, %parallel_loop3A_132 : vector<16xf32>
      %parallel_loop3A_134 = arith.index_cast %parallel_loop3A_126 : i32 to index
      %parallel_loop3A_135 = arith.constant 0 : index
      %parallel_loop3A_136 = tpu.vector_load %arg10[%parallel_loop3A_134, %parallel_loop3A_135] {strides = array<i32>} : memref<128x64xf32, #tpu.memory_space<vmem>>, vector<1x16xf32>,
      %parallel_loop3A_137 = vector.shape_cast %parallel_loop3A_136 : vector<1x16xf32> to vector<16xf32>
      %parallel_loop3A_138 = vector.shape_cast %parallel_loop3A_133 : vector<16xf32> to vector<1x16xf32>
      tpu.vector_store %arg10[%parallel_loop3A_134, %parallel_loop3A_135], %parallel_loop3A_138 {strides = array<i32>} : memref<128x64xf32, #tpu.memory_space<vmem>>, vector<1x16xf32>,
      %parallel_loop3A_139 = arith.index_cast %parallel_loop3A_126 : i32 to index
      %parallel_loop3A_140 = arith.constant 16 : index
      %parallel_loop3A_141 = tpu.vector_load %arg10[%parallel_loop3A_139, %parallel_loop3A_140] {strides = array<i32>} : memref<128x64xf32, #tpu.memory_space<vmem>>, vector<1x16xf32>,
      %parallel_loop3A_142 = vector.shape_cast %parallel_loop3A_141 : vector<1x16xf32> to vector<16xf32>
      %parallel_loop3A_143 = arith.constant 8.000000e+00 : f32
      %parallel_loop3A_144 = vector.broadcast %parallel_loop3A_143 : f32 to vector<16xf32>
      %parallel_loop3A_145 = arith.mulf %parallel_loop3A_142, %parallel_loop3A_144 : vector<16xf32>
      %parallel_loop3A_146 = arith.index_cast %parallel_loop3A_126 : i32 to index
      %parallel_loop3A_147 = arith.constant 16 : index
      %parallel_loop3A_148 = tpu.vector_load %arg10[%parallel_loop3A_146, %parallel_loop3A_147] {strides = array<i32>} : memref<128x64xf32, #tpu.memory_space<vmem>>, vector<1x16xf32>,
      %parallel_loop3A_149 = vector.shape_cast %parallel_loop3A_148 : vector<1x16xf32> to vector<16xf32>
      %parallel_loop3A_150 = vector.shape_cast %parallel_loop3A_145 : vector<16xf32> to vector<1x16xf32>
      tpu.vector_store %arg10[%parallel_loop3A_146, %parallel_loop3A_147], %parallel_loop3A_150 {strides = array<i32>} : memref<128x64xf32, #tpu.memory_space<vmem>>, vector<1x16xf32>,
      %parallel_loop3A_151 = arith.index_cast %parallel_loop3A_126 : i32 to index
      %parallel_loop3A_152 = arith.constant 32 : index
      %parallel_loop3A_153 = tpu.vector_load %arg10[%parallel_loop3A_151, %parallel_loop3A_152] {strides = array<i32>} : memref<128x64xf32, #tpu.memory_space<vmem>>, vector<1x16xf32>,
      %parallel_loop3A_154 = vector.shape_cast %parallel_loop3A_153 : vector<1x16xf32> to vector<16xf32>
      %parallel_loop3A_155 = arith.constant 8.000000e+00 : f32
      %parallel_loop3A_156 = vector.broadcast %parallel_loop3A_155 : f32 to vector<16xf32>
      %parallel_loop3A_157 = arith.mulf %parallel_loop3A_154, %parallel_loop3A_156 : vector<16xf32>
      %parallel_loop3A_158 = arith.index_cast %parallel_loop3A_126 : i32 to index
      %parallel_loop3A_159 = arith.constant 32 : index
      %parallel_loop3A_160 = tpu.vector_load %arg10[%parallel_loop3A_158, %parallel_loop3A_159] {strides = array<i32>} : memref<128x64xf32, #tpu.memory_space<vmem>>, vector<1x16xf32>,
      %parallel_loop3A_161 = vector.shape_cast %parallel_loop3A_160 : vector<1x16xf32> to vector<16xf32>
      %parallel_loop3A_162 = vector.shape_cast %parallel_loop3A_157 : vector<16xf32> to vector<1x16xf32>
      tpu.vector_store %arg10[%parallel_loop3A_158, %parallel_loop3A_159], %parallel_loop3A_162 {strides = array<i32>} : memref<128x64xf32, #tpu.memory_space<vmem>>, vector<1x16xf32>,
      %parallel_loop3A_163 = arith.index_cast %parallel_loop3A_126 : i32 to index
      %parallel_loop3A_164 = arith.constant 48 : index
      %parallel_loop3A_165 = tpu.vector_load %arg10[%parallel_loop3A_163, %parallel_loop3A_164] {strides = array<i32>} : memref<128x64xf32, #tpu.memory_space<vmem>>, vector<1x16xf32>,
      %parallel_loop3A_166 = vector.shape_cast %parallel_loop3A_165 : vector<1x16xf32> to vector<16xf32>
      %parallel_loop3A_167 = arith.constant 8.000000e+00 : f32
      %parallel_loop3A_168 = vector.broadcast %parallel_loop3A_167 : f32 to vector<16xf32>
      %parallel_loop3A_169 = arith.mulf %parallel_loop3A_166, %parallel_loop3A_168 : vector<16xf32>
      %parallel_loop3A_170 = arith.index_cast %parallel_loop3A_126 : i32 to index
      %parallel_loop3A_171 = arith.constant 48 : index
      %parallel_loop3A_172 = tpu.vector_load %arg10[%parallel_loop3A_170, %parallel_loop3A_171] {strides = array<i32>} : memref<128x64xf32, #tpu.memory_space<vmem>>, vector<1x16xf32>,
      %parallel_loop3A_173 = vector.shape_cast %parallel_loop3A_172 : vector<1x16xf32> to vector<16xf32>
      %parallel_loop3A_174 = vector.shape_cast %parallel_loop3A_169 : vector<16xf32> to vector<1x16xf32>
      tpu.vector_store %arg10[%parallel_loop3A_170, %parallel_loop3A_171], %parallel_loop3A_174 {strides = array<i32>} : memref<128x64xf32, #tpu.memory_space<vmem>>, vector<1x16xf32>,
    } {sc.loop_unroll_factor = 4 : i64, sc.parallel_access}
    %add3A_94 = arith.constant 25088 : i32
    %add3A_95 = arith.addi %mul3A_2, %add3A_94 : i32
    "tpu.region"() ({
      %run_scoped3A = tpu.sem_alloc : memref<!tpu.dma_semaphore, #tpu.memory_space<semaphore_mem>>
      %dma_start3A_126 = arith.constant 0 : i32
      %dma_start3A_127 = tpu.memref_slice %arg4[%add3A_95, %dma_start3A_126] : memref<819200x64xf32, #tpu.memory_space<hbm>> -> memref<128x64xf32, #tpu.memory_space<hbm>>
      %dma_start3A_128 = arith.constant 0 : i32
      %dma_start3A_129 = tpu.memref_slice %arg4[%add3A_95, %dma_start3A_128] : memref<819200x64xf32, #tpu.memory_space<hbm>> -> memref<128x64xf32, #tpu.memory_space<hbm>>
      tpu.enqueue_dma source(%arg10 : memref<128x64xf32, #tpu.memory_space<vmem>>) target(%dma_start3A_129 : memref<128x64xf32, #tpu.memory_space<hbm>>) target_semaphore(%run_scoped3A : memref<!tpu.dma_semaphore, #tpu.memory_space<semaphore_mem>>)
      %dma_wait3A_130 = arith.constant 0 : i32
      %dma_wait3A_131 = tpu.memref_slice %arg4[%add3A_95, %dma_wait3A_130] : memref<819200x64xf32, #tpu.memory_space<hbm>> -> memref<128x64xf32, #tpu.memory_space<hbm>>
      %dma_wait3A_132 = arith.constant 0 : i32
      %dma_wait3A_133 = tpu.memref_slice %arg4[%add3A_95, %dma_wait3A_132] : memref<819200x64xf32, #tpu.memory_space<hbm>> -> memref<128x64xf32, #tpu.memory_space<hbm>>
      tpu.wait_dma2 semaphore(%run_scoped3A : memref<!tpu.dma_semaphore, #tpu.memory_space<semaphore_mem>>) src(%arg10 : memref<128x64xf32, #tpu.memory_space<vmem>>) dst(%dma_wait3A_133 : memref<128x64xf32, #tpu.memory_space<hbm>>)
      tpu.yield
    }) : () -> ()
    %dma_wait3A_96 = arith.constant 25216 : i32
    %dma_wait3A_97 = tpu.memref_slice %arg5[%dma_wait3A_96] : memref<25600xi32, #tpu.memory_space<vmem>> -> memref<128xi32, #tpu.memory_space<vmem>>
    %dma_wait3A_98 = arith.constant 0 : i32
    %dma_wait3A_99 = arith.constant 0 : i32
    %dma_wait3A_100 = tpu.memref_slice %arg3[%dma_wait3A_98, %dma_wait3A_99] : memref<1000000x64xf32, #tpu.memory_space<hbm>> -> memref<1000000x64xf32, #tpu.memory_space<hbm>>
    tpu.wait_indirect_dma semaphore(%arg19 : memref<!tpu.dma_semaphore, #tpu.memory_space<semaphore_mem>>) src(%dma_wait3A_100 : memref<1000000x64xf32, #tpu.memory_space<hbm>>) dst(%arg11 : memref<128x64xf32, #tpu.memory_space<vmem>>)
    %parallel_loop3A_101 = arith.constant 0 : i32
    %parallel_loop3A_102 = arith.constant 128 : i32
    %parallel_loop3A_103 = arith.constant 1 : i32
    scf.for %parallel_loop3A_126 = %parallel_loop3A_101 to %parallel_loop3A_102 step %parallel_loop3A_103  : i32 {
      %parallel_loop3A_127 = arith.index_cast %parallel_loop3A_126 : i32 to index
      %parallel_loop3A_128 = arith.constant 0 : index
      %parallel_loop3A_129 = tpu.vector_load %arg11[%parallel_loop3A_127, %parallel_loop3A_128] {strides = array<i32>} : memref<128x64xf32, #tpu.memory_space<vmem>>, vector<1x16xf32>,
      %parallel_loop3A_130 = vector.shape_cast %parallel_loop3A_129 : vector<1x16xf32> to vector<16xf32>
      %parallel_loop3A_131 = arith.constant 8.000000e+00 : f32
      %parallel_loop3A_132 = vector.broadcast %parallel_loop3A_131 : f32 to vector<16xf32>
      %parallel_loop3A_133 = arith.mulf %parallel_loop3A_130, %parallel_loop3A_132 : vector<16xf32>
      %parallel_loop3A_134 = arith.index_cast %parallel_loop3A_126 : i32 to index
      %parallel_loop3A_135 = arith.constant 0 : index
      %parallel_loop3A_136 = tpu.vector_load %arg11[%parallel_loop3A_134, %parallel_loop3A_135] {strides = array<i32>} : memref<128x64xf32, #tpu.memory_space<vmem>>, vector<1x16xf32>,
      %parallel_loop3A_137 = vector.shape_cast %parallel_loop3A_136 : vector<1x16xf32> to vector<16xf32>
      %parallel_loop3A_138 = vector.shape_cast %parallel_loop3A_133 : vector<16xf32> to vector<1x16xf32>
      tpu.vector_store %arg11[%parallel_loop3A_134, %parallel_loop3A_135], %parallel_loop3A_138 {strides = array<i32>} : memref<128x64xf32, #tpu.memory_space<vmem>>, vector<1x16xf32>,
      %parallel_loop3A_139 = arith.index_cast %parallel_loop3A_126 : i32 to index
      %parallel_loop3A_140 = arith.constant 16 : index
      %parallel_loop3A_141 = tpu.vector_load %arg11[%parallel_loop3A_139, %parallel_loop3A_140] {strides = array<i32>} : memref<128x64xf32, #tpu.memory_space<vmem>>, vector<1x16xf32>,
      %parallel_loop3A_142 = vector.shape_cast %parallel_loop3A_141 : vector<1x16xf32> to vector<16xf32>
      %parallel_loop3A_143 = arith.constant 8.000000e+00 : f32
      %parallel_loop3A_144 = vector.broadcast %parallel_loop3A_143 : f32 to vector<16xf32>
      %parallel_loop3A_145 = arith.mulf %parallel_loop3A_142, %parallel_loop3A_144 : vector<16xf32>
      %parallel_loop3A_146 = arith.index_cast %parallel_loop3A_126 : i32 to index
      %parallel_loop3A_147 = arith.constant 16 : index
      %parallel_loop3A_148 = tpu.vector_load %arg11[%parallel_loop3A_146, %parallel_loop3A_147] {strides = array<i32>} : memref<128x64xf32, #tpu.memory_space<vmem>>, vector<1x16xf32>,
      %parallel_loop3A_149 = vector.shape_cast %parallel_loop3A_148 : vector<1x16xf32> to vector<16xf32>
      %parallel_loop3A_150 = vector.shape_cast %parallel_loop3A_145 : vector<16xf32> to vector<1x16xf32>
      tpu.vector_store %arg11[%parallel_loop3A_146, %parallel_loop3A_147], %parallel_loop3A_150 {strides = array<i32>} : memref<128x64xf32, #tpu.memory_space<vmem>>, vector<1x16xf32>,
      %parallel_loop3A_151 = arith.index_cast %parallel_loop3A_126 : i32 to index
      %parallel_loop3A_152 = arith.constant 32 : index
      %parallel_loop3A_153 = tpu.vector_load %arg11[%parallel_loop3A_151, %parallel_loop3A_152] {strides = array<i32>} : memref<128x64xf32, #tpu.memory_space<vmem>>, vector<1x16xf32>,
      %parallel_loop3A_154 = vector.shape_cast %parallel_loop3A_153 : vector<1x16xf32> to vector<16xf32>
      %parallel_loop3A_155 = arith.constant 8.000000e+00 : f32
      %parallel_loop3A_156 = vector.broadcast %parallel_loop3A_155 : f32 to vector<16xf32>
      %parallel_loop3A_157 = arith.mulf %parallel_loop3A_154, %parallel_loop3A_156 : vector<16xf32>
      %parallel_loop3A_158 = arith.index_cast %parallel_loop3A_126 : i32 to index
      %parallel_loop3A_159 = arith.constant 32 : index
      %parallel_loop3A_160 = tpu.vector_load %arg11[%parallel_loop3A_158, %parallel_loop3A_159] {strides = array<i32>} : memref<128x64xf32, #tpu.memory_space<vmem>>, vector<1x16xf32>,
      %parallel_loop3A_161 = vector.shape_cast %parallel_loop3A_160 : vector<1x16xf32> to vector<16xf32>
      %parallel_loop3A_162 = vector.shape_cast %parallel_loop3A_157 : vector<16xf32> to vector<1x16xf32>
      tpu.vector_store %arg11[%parallel_loop3A_158, %parallel_loop3A_159], %parallel_loop3A_162 {strides = array<i32>} : memref<128x64xf32, #tpu.memory_space<vmem>>, vector<1x16xf32>,
      %parallel_loop3A_163 = arith.index_cast %parallel_loop3A_126 : i32 to index
      %parallel_loop3A_164 = arith.constant 48 : index
      %parallel_loop3A_165 = tpu.vector_load %arg11[%parallel_loop3A_163, %parallel_loop3A_164] {strides = array<i32>} : memref<128x64xf32, #tpu.memory_space<vmem>>, vector<1x16xf32>,
      %parallel_loop3A_166 = vector.shape_cast %parallel_loop3A_165 : vector<1x16xf32> to vector<16xf32>
      %parallel_loop3A_167 = arith.constant 8.000000e+00 : f32
      %parallel_loop3A_168 = vector.broadcast %parallel_loop3A_167 : f32 to vector<16xf32>
      %parallel_loop3A_169 = arith.mulf %parallel_loop3A_166, %parallel_loop3A_168 : vector<16xf32>
      %parallel_loop3A_170 = arith.index_cast %parallel_loop3A_126 : i32 to index
      %parallel_loop3A_171 = arith.constant 48 : index
      %parallel_loop3A_172 = tpu.vector_load %arg11[%parallel_loop3A_170, %parallel_loop3A_171] {strides = array<i32>} : memref<128x64xf32, #tpu.memory_space<vmem>>, vector<1x16xf32>,
      %parallel_loop3A_173 = vector.shape_cast %parallel_loop3A_172 : vector<1x16xf32> to vector<16xf32>
      %parallel_loop3A_174 = vector.shape_cast %parallel_loop3A_169 : vector<16xf32> to vector<1x16xf32>
      tpu.vector_store %arg11[%parallel_loop3A_170, %parallel_loop3A_171], %parallel_loop3A_174 {strides = array<i32>} : memref<128x64xf32, #tpu.memory_space<vmem>>, vector<1x16xf32>,
    } {sc.loop_unroll_factor = 4 : i64, sc.parallel_access}
    %add3A_104 = arith.constant 25216 : i32
    %add3A_105 = arith.addi %mul3A_2, %add3A_104 : i32
    "tpu.region"() ({
      %run_scoped3A = tpu.sem_alloc : memref<!tpu.dma_semaphore, #tpu.memory_space<semaphore_mem>>
      %dma_start3A_126 = arith.constant 0 : i32
      %dma_start3A_127 = tpu.memref_slice %arg4[%add3A_105, %dma_start3A_126] : memref<819200x64xf32, #tpu.memory_space<hbm>> -> memref<128x64xf32, #tpu.memory_space<hbm>>
      %dma_start3A_128 = arith.constant 0 : i32
      %dma_start3A_129 = tpu.memref_slice %arg4[%add3A_105, %dma_start3A_128] : memref<819200x64xf32, #tpu.memory_space<hbm>> -> memref<128x64xf32, #tpu.memory_space<hbm>>
      tpu.enqueue_dma source(%arg11 : memref<128x64xf32, #tpu.memory_space<vmem>>) target(%dma_start3A_129 : memref<128x64xf32, #tpu.memory_space<hbm>>) target_semaphore(%run_scoped3A : memref<!tpu.dma_semaphore, #tpu.memory_space<semaphore_mem>>)
      %dma_wait3A_130 = arith.constant 0 : i32
      %dma_wait3A_131 = tpu.memref_slice %arg4[%add3A_105, %dma_wait3A_130] : memref<819200x64xf32, #tpu.memory_space<hbm>> -> memref<128x64xf32, #tpu.memory_space<hbm>>
      %dma_wait3A_132 = arith.constant 0 : i32
      %dma_wait3A_133 = tpu.memref_slice %arg4[%add3A_105, %dma_wait3A_132] : memref<819200x64xf32, #tpu.memory_space<hbm>> -> memref<128x64xf32, #tpu.memory_space<hbm>>
      tpu.wait_dma2 semaphore(%run_scoped3A : memref<!tpu.dma_semaphore, #tpu.memory_space<semaphore_mem>>) src(%arg11 : memref<128x64xf32, #tpu.memory_space<vmem>>) dst(%dma_wait3A_133 : memref<128x64xf32, #tpu.memory_space<hbm>>)
      tpu.yield
    }) : () -> ()
    %dma_wait3A_106 = arith.constant 25344 : i32
    %dma_wait3A_107 = tpu.memref_slice %arg5[%dma_wait3A_106] : memref<25600xi32, #tpu.memory_space<vmem>> -> memref<128xi32, #tpu.memory_space<vmem>>
    %dma_wait3A_108 = arith.constant 0 : i32
    %dma_wait3A_109 = arith.constant 0 : i32
    %dma_wait3A_110 = tpu.memref_slice %arg3[%dma_wait3A_108, %dma_wait3A_109] : memref<1000000x64xf32, #tpu.memory_space<hbm>> -> memref<1000000x64xf32, #tpu.memory_space<hbm>>
    tpu.wait_indirect_dma semaphore(%arg20 : memref<!tpu.dma_semaphore, #tpu.memory_space<semaphore_mem>>) src(%dma_wait3A_110 : memref<1000000x64xf32, #tpu.memory_space<hbm>>) dst(%arg12 : memref<128x64xf32, #tpu.memory_space<vmem>>)
    %parallel_loop3A_111 = arith.constant 0 : i32
    %parallel_loop3A_112 = arith.constant 128 : i32
    %parallel_loop3A_113 = arith.constant 1 : i32
    scf.for %parallel_loop3A_126 = %parallel_loop3A_111 to %parallel_loop3A_112 step %parallel_loop3A_113  : i32 {
      %parallel_loop3A_127 = arith.index_cast %parallel_loop3A_126 : i32 to index
      %parallel_loop3A_128 = arith.constant 0 : index
      %parallel_loop3A_129 = tpu.vector_load %arg12[%parallel_loop3A_127, %parallel_loop3A_128] {strides = array<i32>} : memref<128x64xf32, #tpu.memory_space<vmem>>, vector<1x16xf32>,
      %parallel_loop3A_130 = vector.shape_cast %parallel_loop3A_129 : vector<1x16xf32> to vector<16xf32>
      %parallel_loop3A_131 = arith.constant 8.000000e+00 : f32
      %parallel_loop3A_132 = vector.broadcast %parallel_loop3A_131 : f32 to vector<16xf32>
      %parallel_loop3A_133 = arith.mulf %parallel_loop3A_130, %parallel_loop3A_132 : vector<16xf32>
      %parallel_loop3A_134 = arith.index_cast %parallel_loop3A_126 : i32 to index
      %parallel_loop3A_135 = arith.constant 0 : index
      %parallel_loop3A_136 = tpu.vector_load %arg12[%parallel_loop3A_134, %parallel_loop3A_135] {strides = array<i32>} : memref<128x64xf32, #tpu.memory_space<vmem>>, vector<1x16xf32>,
      %parallel_loop3A_137 = vector.shape_cast %parallel_loop3A_136 : vector<1x16xf32> to vector<16xf32>
      %parallel_loop3A_138 = vector.shape_cast %parallel_loop3A_133 : vector<16xf32> to vector<1x16xf32>
      tpu.vector_store %arg12[%parallel_loop3A_134, %parallel_loop3A_135], %parallel_loop3A_138 {strides = array<i32>} : memref<128x64xf32, #tpu.memory_space<vmem>>, vector<1x16xf32>,
      %parallel_loop3A_139 = arith.index_cast %parallel_loop3A_126 : i32 to index
      %parallel_loop3A_140 = arith.constant 16 : index
      %parallel_loop3A_141 = tpu.vector_load %arg12[%parallel_loop3A_139, %parallel_loop3A_140] {strides = array<i32>} : memref<128x64xf32, #tpu.memory_space<vmem>>, vector<1x16xf32>,
      %parallel_loop3A_142 = vector.shape_cast %parallel_loop3A_141 : vector<1x16xf32> to vector<16xf32>
      %parallel_loop3A_143 = arith.constant 8.000000e+00 : f32
      %parallel_loop3A_144 = vector.broadcast %parallel_loop3A_143 : f32 to vector<16xf32>
      %parallel_loop3A_145 = arith.mulf %parallel_loop3A_142, %parallel_loop3A_144 : vector<16xf32>
      %parallel_loop3A_146 = arith.index_cast %parallel_loop3A_126 : i32 to index
      %parallel_loop3A_147 = arith.constant 16 : index
      %parallel_loop3A_148 = tpu.vector_load %arg12[%parallel_loop3A_146, %parallel_loop3A_147] {strides = array<i32>} : memref<128x64xf32, #tpu.memory_space<vmem>>, vector<1x16xf32>,
      %parallel_loop3A_149 = vector.shape_cast %parallel_loop3A_148 : vector<1x16xf32> to vector<16xf32>
      %parallel_loop3A_150 = vector.shape_cast %parallel_loop3A_145 : vector<16xf32> to vector<1x16xf32>
      tpu.vector_store %arg12[%parallel_loop3A_146, %parallel_loop3A_147], %parallel_loop3A_150 {strides = array<i32>} : memref<128x64xf32, #tpu.memory_space<vmem>>, vector<1x16xf32>,
      %parallel_loop3A_151 = arith.index_cast %parallel_loop3A_126 : i32 to index
      %parallel_loop3A_152 = arith.constant 32 : index
      %parallel_loop3A_153 = tpu.vector_load %arg12[%parallel_loop3A_151, %parallel_loop3A_152] {strides = array<i32>} : memref<128x64xf32, #tpu.memory_space<vmem>>, vector<1x16xf32>,
      %parallel_loop3A_154 = vector.shape_cast %parallel_loop3A_153 : vector<1x16xf32> to vector<16xf32>
      %parallel_loop3A_155 = arith.constant 8.000000e+00 : f32
      %parallel_loop3A_156 = vector.broadcast %parallel_loop3A_155 : f32 to vector<16xf32>
      %parallel_loop3A_157 = arith.mulf %parallel_loop3A_154, %parallel_loop3A_156 : vector<16xf32>
      %parallel_loop3A_158 = arith.index_cast %parallel_loop3A_126 : i32 to index
      %parallel_loop3A_159 = arith.constant 32 : index
      %parallel_loop3A_160 = tpu.vector_load %arg12[%parallel_loop3A_158, %parallel_loop3A_159] {strides = array<i32>} : memref<128x64xf32, #tpu.memory_space<vmem>>, vector<1x16xf32>,
      %parallel_loop3A_161 = vector.shape_cast %parallel_loop3A_160 : vector<1x16xf32> to vector<16xf32>
      %parallel_loop3A_162 = vector.shape_cast %parallel_loop3A_157 : vector<16xf32> to vector<1x16xf32>
      tpu.vector_store %arg12[%parallel_loop3A_158, %parallel_loop3A_159], %parallel_loop3A_162 {strides = array<i32>} : memref<128x64xf32, #tpu.memory_space<vmem>>, vector<1x16xf32>,
      %parallel_loop3A_163 = arith.index_cast %parallel_loop3A_126 : i32 to index
      %parallel_loop3A_164 = arith.constant 48 : index
      %parallel_loop3A_165 = tpu.vector_load %arg12[%parallel_loop3A_163, %parallel_loop3A_164] {strides = array<i32>} : memref<128x64xf32, #tpu.memory_space<vmem>>, vector<1x16xf32>,
      %parallel_loop3A_166 = vector.shape_cast %parallel_loop3A_165 : vector<1x16xf32> to vector<16xf32>
      %parallel_loop3A_167 = arith.constant 8.000000e+00 : f32
      %parallel_loop3A_168 = vector.broadcast %parallel_loop3A_167 : f32 to vector<16xf32>
      %parallel_loop3A_169 = arith.mulf %parallel_loop3A_166, %parallel_loop3A_168 : vector<16xf32>
      %parallel_loop3A_170 = arith.index_cast %parallel_loop3A_126 : i32 to index
      %parallel_loop3A_171 = arith.constant 48 : index
      %parallel_loop3A_172 = tpu.vector_load %arg12[%parallel_loop3A_170, %parallel_loop3A_171] {strides = array<i32>} : memref<128x64xf32, #tpu.memory_space<vmem>>, vector<1x16xf32>,
      %parallel_loop3A_173 = vector.shape_cast %parallel_loop3A_172 : vector<1x16xf32> to vector<16xf32>
      %parallel_loop3A_174 = vector.shape_cast %parallel_loop3A_169 : vector<16xf32> to vector<1x16xf32>
      tpu.vector_store %arg12[%parallel_loop3A_170, %parallel_loop3A_171], %parallel_loop3A_174 {strides = array<i32>} : memref<128x64xf32, #tpu.memory_space<vmem>>, vector<1x16xf32>,
    } {sc.loop_unroll_factor = 4 : i64, sc.parallel_access}
    %add3A_114 = arith.constant 25344 : i32
    %add3A_115 = arith.addi %mul3A_2, %add3A_114 : i32
    "tpu.region"() ({
      %run_scoped3A = tpu.sem_alloc : memref<!tpu.dma_semaphore, #tpu.memory_space<semaphore_mem>>
      %dma_start3A_126 = arith.constant 0 : i32
      %dma_start3A_127 = tpu.memref_slice %arg4[%add3A_115, %dma_start3A_126] : memref<819200x64xf32, #tpu.memory_space<hbm>> -> memref<128x64xf32, #tpu.memory_space<hbm>>
      %dma_start3A_128 = arith.constant 0 : i32
      %dma_start3A_129 = tpu.memref_slice %arg4[%add3A_115, %dma_start3A_128] : memref<819200x64xf32, #tpu.memory_space<hbm>> -> memref<128x64xf32, #tpu.memory_space<hbm>>
      tpu.enqueue_dma source(%arg12 : memref<128x64xf32, #tpu.memory_space<vmem>>) target(%dma_start3A_129 : memref<128x64xf32, #tpu.memory_space<hbm>>) target_semaphore(%run_scoped3A : memref<!tpu.dma_semaphore, #tpu.memory_space<semaphore_mem>>)
      %dma_wait3A_130 = arith.constant 0 : i32
      %dma_wait3A_131 = tpu.memref_slice %arg4[%add3A_115, %dma_wait3A_130] : memref<819200x64xf32, #tpu.memory_space<hbm>> -> memref<128x64xf32, #tpu.memory_space<hbm>>
      %dma_wait3A_132 = arith.constant 0 : i32
      %dma_wait3A_133 = tpu.memref_slice %arg4[%add3A_115, %dma_wait3A_132] : memref<819200x64xf32, #tpu.memory_space<hbm>> -> memref<128x64xf32, #tpu.memory_space<hbm>>
      tpu.wait_dma2 semaphore(%run_scoped3A : memref<!tpu.dma_semaphore, #tpu.memory_space<semaphore_mem>>) src(%arg12 : memref<128x64xf32, #tpu.memory_space<vmem>>) dst(%dma_wait3A_133 : memref<128x64xf32, #tpu.memory_space<hbm>>)
      tpu.yield
    }) : () -> ()
    %dma_wait3A_116 = arith.constant 25472 : i32
    %dma_wait3A_117 = tpu.memref_slice %arg5[%dma_wait3A_116] : memref<25600xi32, #tpu.memory_space<vmem>> -> memref<128xi32, #tpu.memory_space<vmem>>
    %dma_wait3A_118 = arith.constant 0 : i32
    %dma_wait3A_119 = arith.constant 0 : i32
    %dma_wait3A_120 = tpu.memref_slice %arg3[%dma_wait3A_118, %dma_wait3A_119] : memref<1000000x64xf32, #tpu.memory_space<hbm>> -> memref<1000000x64xf32, #tpu.memory_space<hbm>>
    tpu.wait_indirect_dma semaphore(%arg21 : memref<!tpu.dma_semaphore, #tpu.memory_space<semaphore_mem>>) src(%dma_wait3A_120 : memref<1000000x64xf32, #tpu.memory_space<hbm>>) dst(%arg13 : memref<128x64xf32, #tpu.memory_space<vmem>>)
    %parallel_loop3A_121 = arith.constant 0 : i32
    %parallel_loop3A_122 = arith.constant 128 : i32
    %parallel_loop3A_123 = arith.constant 1 : i32
    scf.for %parallel_loop3A_126 = %parallel_loop3A_121 to %parallel_loop3A_122 step %parallel_loop3A_123  : i32 {
      %parallel_loop3A_127 = arith.index_cast %parallel_loop3A_126 : i32 to index
      %parallel_loop3A_128 = arith.constant 0 : index
      %parallel_loop3A_129 = tpu.vector_load %arg13[%parallel_loop3A_127, %parallel_loop3A_128] {strides = array<i32>} : memref<128x64xf32, #tpu.memory_space<vmem>>, vector<1x16xf32>,
      %parallel_loop3A_130 = vector.shape_cast %parallel_loop3A_129 : vector<1x16xf32> to vector<16xf32>
      %parallel_loop3A_131 = arith.constant 8.000000e+00 : f32
      %parallel_loop3A_132 = vector.broadcast %parallel_loop3A_131 : f32 to vector<16xf32>
      %parallel_loop3A_133 = arith.mulf %parallel_loop3A_130, %parallel_loop3A_132 : vector<16xf32>
      %parallel_loop3A_134 = arith.index_cast %parallel_loop3A_126 : i32 to index
      %parallel_loop3A_135 = arith.constant 0 : index
      %parallel_loop3A_136 = tpu.vector_load %arg13[%parallel_loop3A_134, %parallel_loop3A_135] {strides = array<i32>} : memref<128x64xf32, #tpu.memory_space<vmem>>, vector<1x16xf32>,
      %parallel_loop3A_137 = vector.shape_cast %parallel_loop3A_136 : vector<1x16xf32> to vector<16xf32>
      %parallel_loop3A_138 = vector.shape_cast %parallel_loop3A_133 : vector<16xf32> to vector<1x16xf32>
      tpu.vector_store %arg13[%parallel_loop3A_134, %parallel_loop3A_135], %parallel_loop3A_138 {strides = array<i32>} : memref<128x64xf32, #tpu.memory_space<vmem>>, vector<1x16xf32>,
      %parallel_loop3A_139 = arith.index_cast %parallel_loop3A_126 : i32 to index
      %parallel_loop3A_140 = arith.constant 16 : index
      %parallel_loop3A_141 = tpu.vector_load %arg13[%parallel_loop3A_139, %parallel_loop3A_140] {strides = array<i32>} : memref<128x64xf32, #tpu.memory_space<vmem>>, vector<1x16xf32>,
      %parallel_loop3A_142 = vector.shape_cast %parallel_loop3A_141 : vector<1x16xf32> to vector<16xf32>
      %parallel_loop3A_143 = arith.constant 8.000000e+00 : f32
      %parallel_loop3A_144 = vector.broadcast %parallel_loop3A_143 : f32 to vector<16xf32>
      %parallel_loop3A_145 = arith.mulf %parallel_loop3A_142, %parallel_loop3A_144 : vector<16xf32>
      %parallel_loop3A_146 = arith.index_cast %parallel_loop3A_126 : i32 to index
      %parallel_loop3A_147 = arith.constant 16 : index
      %parallel_loop3A_148 = tpu.vector_load %arg13[%parallel_loop3A_146, %parallel_loop3A_147] {strides = array<i32>} : memref<128x64xf32, #tpu.memory_space<vmem>>, vector<1x16xf32>,
      %parallel_loop3A_149 = vector.shape_cast %parallel_loop3A_148 : vector<1x16xf32> to vector<16xf32>
      %parallel_loop3A_150 = vector.shape_cast %parallel_loop3A_145 : vector<16xf32> to vector<1x16xf32>
      tpu.vector_store %arg13[%parallel_loop3A_146, %parallel_loop3A_147], %parallel_loop3A_150 {strides = array<i32>} : memref<128x64xf32, #tpu.memory_space<vmem>>, vector<1x16xf32>,
      %parallel_loop3A_151 = arith.index_cast %parallel_loop3A_126 : i32 to index
      %parallel_loop3A_152 = arith.constant 32 : index
      %parallel_loop3A_153 = tpu.vector_load %arg13[%parallel_loop3A_151, %parallel_loop3A_152] {strides = array<i32>} : memref<128x64xf32, #tpu.memory_space<vmem>>, vector<1x16xf32>,
      %parallel_loop3A_154 = vector.shape_cast %parallel_loop3A_153 : vector<1x16xf32> to vector<16xf32>
      %parallel_loop3A_155 = arith.constant 8.000000e+00 : f32
      %parallel_loop3A_156 = vector.broadcast %parallel_loop3A_155 : f32 to vector<16xf32>
      %parallel_loop3A_157 = arith.mulf %parallel_loop3A_154, %parallel_loop3A_156 : vector<16xf32>
      %parallel_loop3A_158 = arith.index_cast %parallel_loop3A_126 : i32 to index
      %parallel_loop3A_159 = arith.constant 32 : index
      %parallel_loop3A_160 = tpu.vector_load %arg13[%parallel_loop3A_158, %parallel_loop3A_159] {strides = array<i32>} : memref<128x64xf32, #tpu.memory_space<vmem>>, vector<1x16xf32>,
      %parallel_loop3A_161 = vector.shape_cast %parallel_loop3A_160 : vector<1x16xf32> to vector<16xf32>
      %parallel_loop3A_162 = vector.shape_cast %parallel_loop3A_157 : vector<16xf32> to vector<1x16xf32>
      tpu.vector_store %arg13[%parallel_loop3A_158, %parallel_loop3A_159], %parallel_loop3A_162 {strides = array<i32>} : memref<128x64xf32, #tpu.memory_space<vmem>>, vector<1x16xf32>,
      %parallel_loop3A_163 = arith.index_cast %parallel_loop3A_126 : i32 to index
      %parallel_loop3A_164 = arith.constant 48 : index
      %parallel_loop3A_165 = tpu.vector_load %arg13[%parallel_loop3A_163, %parallel_loop3A_164] {strides = array<i32>} : memref<128x64xf32, #tpu.memory_space<vmem>>, vector<1x16xf32>,
      %parallel_loop3A_166 = vector.shape_cast %parallel_loop3A_165 : vector<1x16xf32> to vector<16xf32>
      %parallel_loop3A_167 = arith.constant 8.000000e+00 : f32
      %parallel_loop3A_168 = vector.broadcast %parallel_loop3A_167 : f32 to vector<16xf32>
      %parallel_loop3A_169 = arith.mulf %parallel_loop3A_166, %parallel_loop3A_168 : vector<16xf32>
      %parallel_loop3A_170 = arith.index_cast %parallel_loop3A_126 : i32 to index
      %parallel_loop3A_171 = arith.constant 48 : index
      %parallel_loop3A_172 = tpu.vector_load %arg13[%parallel_loop3A_170, %parallel_loop3A_171] {strides = array<i32>} : memref<128x64xf32, #tpu.memory_space<vmem>>, vector<1x16xf32>,
      %parallel_loop3A_173 = vector.shape_cast %parallel_loop3A_172 : vector<1x16xf32> to vector<16xf32>
      %parallel_loop3A_174 = vector.shape_cast %parallel_loop3A_169 : vector<16xf32> to vector<1x16xf32>
      tpu.vector_store %arg13[%parallel_loop3A_170, %parallel_loop3A_171], %parallel_loop3A_174 {strides = array<i32>} : memref<128x64xf32, #tpu.memory_space<vmem>>, vector<1x16xf32>,
    } {sc.loop_unroll_factor = 4 : i64, sc.parallel_access}
    %add3A_124 = arith.constant 25472 : i32
    %add3A_125 = arith.addi %mul3A_2, %add3A_124 : i32
    "tpu.region"() ({
      %run_scoped3A = tpu.sem_alloc : memref<!tpu.dma_semaphore, #tpu.memory_space<semaphore_mem>>
      %dma_start3A_126 = arith.constant 0 : i32
      %dma_start3A_127 = tpu.memref_slice %arg4[%add3A_125, %dma_start3A_126] : memref<819200x64xf32, #tpu.memory_space<hbm>> -> memref<128x64xf32, #tpu.memory_space<hbm>>
      %dma_start3A_128 = arith.constant 0 : i32
      %dma_start3A_129 = tpu.memref_slice %arg4[%add3A_125, %dma_start3A_128] : memref<819200x64xf32, #tpu.memory_space<hbm>> -> memref<128x64xf32, #tpu.memory_space<hbm>>
      tpu.enqueue_dma source(%arg13 : memref<128x64xf32, #tpu.memory_space<vmem>>) target(%dma_start3A_129 : memref<128x64xf32, #tpu.memory_space<hbm>>) target_semaphore(%run_scoped3A : memref<!tpu.dma_semaphore, #tpu.memory_space<semaphore_mem>>)
      %dma_wait3A_130 = arith.constant 0 : i32
      %dma_wait3A_131 = tpu.memref_slice %arg4[%add3A_125, %dma_wait3A_130] : memref<819200x64xf32, #tpu.memory_space<hbm>> -> memref<128x64xf32, #tpu.memory_space<hbm>>
      %dma_wait3A_132 = arith.constant 0 : i32
      %dma_wait3A_133 = tpu.memref_slice %arg4[%add3A_125, %dma_wait3A_132] : memref<819200x64xf32, #tpu.memory_space<hbm>> -> memref<128x64xf32, #tpu.memory_space<hbm>>
      tpu.wait_dma2 semaphore(%run_scoped3A : memref<!tpu.dma_semaphore, #tpu.memory_space<semaphore_mem>>) src(%arg13 : memref<128x64xf32, #tpu.memory_space<vmem>>) dst(%dma_wait3A_133 : memref<128x64xf32, #tpu.memory_space<hbm>>)
      tpu.yield
    }) : () -> ()
    return
  }
}

</mosaic_0001>

<sc_bundles>
// kernel: kernel.3.cloned.1.call-start
scs
__scs_entry_jumppad:
0x0: {  	(pc) =	sbr.rel $0x88, $3  }
0x1: {  	(tag) =	ssettag $0x0;
	lr =	simm.s32 $0x1  }
0x2: {  	[smem:$0x3F9F] =	sst lr;
	_ =	strace $0xD0000000  }
0x3: {  	_ = 	snop  }
0x4: {  	_ = 	snop  }
0x5: {  	_ = 	snop  }
0x6: {  	_ = 	snop  }
0x7: {  	_ = 	snop  }
__scs_overlays_trampoline_lowered:
0x8: {  	[smem:$0x3FAE] =	sst s0  }
0x9: {  	[smem:$0x3FAF] =	sst s1  }
0xa: {  	[smem:$0x3FB0] =	sst s2  }
0xb: {  	[smem:$0x3FB1] =	sst s3  }
0xc: {  	[smem:$0x3FB2] =	sst s4  }
0xd: {  	[smem:$0x3FB3] =	sst s5  }
0xe: {  	[smem:$0x3FB4] =	sst s6  }
0xf: {  	[smem:$0x3FB5] =	sst s7  }
0x10: {  	[smem:$0x3FB6] =	sst s8  }
0x11: {  	[smem:$0x3FB7] =	sst s9;
	s0 =	simm.s32 @!p0 $0x0  }
0x12: {  	s1 =	sld [smem:$0x3F9D];
	s0 =	simm.s32 @p0 $0x1  }
0x13: {  	[smem:$0x3FB8] =	sst s0;
	s0 =	simm.s32 @!p1 $0x0  }
0x14: {  	s2 =	sld [smem:$0x3F9C];
	s0 =	simm.s32 @p1 $0x1  }
0x15: {  	[smem:$0x3FB9] =	sst s0;
	s0 =	simm.s32 @!p2 $0x0  }
0x16: {  	s3 =	sld [smem:$0x3FDB];
	s0 =	simm.s32 @p2 $0x1  }
0x17: {  	s4 =	simm.s32 $0x1BF5;
	[smem:$0x3FBB] =	sst s0  }
0x18: {  	s0 =	sld [smem:$0x3F9E];
	_ =	swait.ge [sflag:s4], $0x0  }
0x19: {  	s7 =	sld [smem:$0x3F9F]  }
0x1a: {  	s8 =	sadd.s32 $0xFFFFE003, lr  }
0x1b: {  	s9 =	sadd.s32 $0xFFFFFEF7, lr;
	s5 =	simm.s32 $0xFFFFFFFF;
	p2 =	slt.u32 s8, $0xFFFFF086  }
0x1c: {  	p1 =	slt.u32 s9, $0xF7A;
	s5 =	simm.s32 @!p2 $0x0  }
0x1d: {  	s5 =	simm.s32 @p1 $0x1;
	p0 =	seq.s32 s7, s2  }
0x1e: {  	s7 =	smul.u32 @!p0 $0xF7A, s2;
	p2 =	seq.s32 @!p0 s5, $0x0  }
0x1f: {  	s9 =	smul.u32 $0xF7A, s1;
	s8 =	simm.s32 @!p0 $0x1BF5;
	p2 =	por !p2, p0  }
0x20: {  	[sflag:s8] =	ssyncset.s32 @!p0 $0xFFFFF086;
	s6 =	sadd.s32 @!p0 s3, s7;
	s7 =	simm.s32 @!p0 $0x108  }
0x21: {  	s3 =	sadd.s32 s3, s9;
	s6 =	sadd.s32 @!p0 $0x88, s6;
	s7 =	simm.s32 @p2 $0x1082  }
0x22: {  	[simem:s7], [sflag:s8] =	dma.local @!p0 [hbm:s6], $0xF7A  }
0x23: {  	s9 =	sor.u32 $0xD0000000, s2;
	s6 =	simm.s32 $0x108;
	_ =	swait.ge @!p0 [sflag:s8], $0x0  }
0x24: {  	s3 =	sadd.s32 $0x88, s3;
	s6 =	simm.s32 @!p1 $0x1082;
	[sflag:s4] =	ssyncset.s32 $0xFFFFF086  }
0x25: {  	[simem:s6], [sflag:s4] =	dma.local [hbm:s3], $0xF7A  }
0x26: {  	[smem:$0x3F9F] =	sst s1;
	(tag) =	ssettag s2;
	_ =	strace s9  }
0x27: {  	s1 =	sld [smem:$0x3FAF]  }
0x28: {  	s2 =	sld [smem:$0x3FB0]  }
0x29: {  	s4 =	sld [smem:$0x3FB2]  }
0x2a: {  	p0 =	seq.s32 s5, $0x0;
	s5 =	sld [smem:$0x3FB3]  }
0x2b: {  	s6 =	sld [smem:$0x3FB4]  }
0x2c: {  	s7 =	sld [smem:$0x3FB5]  }
0x2d: {  	s3 =	simm.s32 $0x108;
	s8 =	sld [smem:$0x3FB6]  }
0x2e: {  	s3 =	simm.s32 @!p0 $0x1082;
	s9 =	sld [smem:$0x3FB7]  }
0x2f: {  	lr =	sadd.s32 s0, s3;
	s0 =	sld [smem:$0x3FAE]  }
0x30: {  	s3 =	sld [smem:$0x3FB1]  }
0x31: {  	[smem:$0x3FBA] =	sst s10  }
0x32: {  	s10 =	sld [smem:$0x3FB8];
	_ =	sdelay $0x3  }
0x33: {  	p0 =	seq.s32 s10, $0x1;
	s10 =	sld [smem:$0x3FBA];
	_ =	sdelay $0x3  }
0x34: {  	[smem:$0x3FBA] =	sst s10  }
0x35: {  	s10 =	sld [smem:$0x3FB9];
	_ =	sdelay $0x3  }
0x36: {  	p1 =	seq.s32 s10, $0x1;
	s10 =	sld [smem:$0x3FBA];
	_ =	sdelay $0x3  }
0x37: {  	[smem:$0x3FBA] =	sst s10  }
0x38: {  	s10 =	sld [smem:$0x3FBB]  }
0x39: {  	_ = 	snop;
	(pc) =	sbr.ind lr, $3  }
0x3a: {  	_ = 	snop  }
0x3b: {  	_ = 	snop  }
0x3c: {  	p2 =	seq.s32 s10, $0x1;
	s10 =	sld [smem:$0x3FBA]  }
0x3d: {  	_ =	shalt  }
0x3e: {  	_ =	shalt  }
0x3f: {  	_ =	shalt  }
0x40: {  	_ =	shalt  }
0x41: {  	_ =	shalt  }
0x42: {  	_ =	shalt  }
0x43: {  	_ =	shalt  }
0x44: {  	_ =	shalt  }
0x45: {  	_ =	shalt  }
0x46: {  	_ =	shalt  }
0x47: {  	_ =	shalt  }
0x48: {  	_ =	shalt  }
0x49: {  	_ =	shalt  }
0x4a: {  	_ =	shalt  }
0x4b: {  	_ =	shalt  }
0x4c: {  	_ =	shalt  }
0x4d: {  	_ =	shalt  }
0x4e: {  	_ =	shalt  }
0x4f: {  	_ =	shalt  }
0x50: {  	_ =	shalt  }
0x51: {  	_ =	shalt  }
0x52: {  	_ =	shalt  }
0x53: {  	_ =	shalt  }
0x54: {  	_ =	shalt  }
0x55: {  	_ =	shalt  }
0x56: {  	_ =	shalt  }
0x57: {  	_ =	shalt  }
0x58: {  	_ =	shalt  }
0x59: {  	_ =	shalt  }
0x5a: {  	_ =	shalt  }
0x5b: {  	_ =	shalt  }
0x5c: {  	_ =	shalt  }
0x5d: {  	_ =	shalt  }
0x5e: {  	_ =	shalt  }
0x5f: {  	_ =	shalt  }
0x60: {  	_ =	shalt  }
0x61: {  	_ =	shalt  }
0x62: {  	_ =	shalt  }
0x63: {  	_ =	shalt  }
0x64: {  	_ =	shalt  }
0x65: {  	_ =	shalt  }
0x66: {  	_ =	shalt  }
0x67: {  	_ =	shalt  }
0x68: {  	_ =	shalt  }
0x69: {  	_ =	shalt  }
0x6a: {  	_ =	shalt  }
0x6b: {  	_ =	shalt  }
0x6c: {  	_ =	shalt  }
0x6d: {  	_ =	shalt  }
0x6e: {  	_ =	shalt  }
0x6f: {  	_ =	shalt  }
0x70: {  	_ =	shalt  }
0x71: {  	_ =	shalt  }
0x72: {  	_ =	shalt  }
0x73: {  	_ =	shalt  }
0x74: {  	_ =	shalt  }
0x75: {  	_ =	shalt  }
0x76: {  	_ =	shalt  }
0x77: {  	_ =	shalt  }
0x78: {  	_ =	shalt  }
0x79: {  	_ =	shalt  }
0x7a: {  	_ =	shalt  }
0x7b: {  	_ =	shalt  }
0x7c: {  	_ =	shalt  }
0x7d: {  	_ =	shalt  }
0x7e: {  	_ =	shalt  }
0x7f: {  	_ =	shalt  }
0x80: {  	_ =	shalt  }
0x81: {  	_ =	shalt  }
0x82: {  	_ =	shalt  }
0x83: {  	_ =	shalt  }
0x84: {  	_ =	shalt  }
0x85: {  	_ =	shalt  }
0x86: {  	_ =	shalt  }
0x87: {  	_ =	shalt  }
.Lfunc_end0:
.L_simem_size_0:
called_computation.1_lowered:
.L_overlay_start_0:
0x88: {  	s2 =	sld [smem:$0x3FD9]  }
0x89: {  	s3 =	sld [smem:$0x3FFE];
	_ =	sdelay $0x1  }
0x8a: {  	s1 =	srdreg.scid  }
0x8b: {  	s0 =	sand.u32 $0x1, s1  }
0x8c: {  	s17 =	sshll.u32 s0, $0xA;
	s2 =	sadd.s32 s3, s2  }
0x8d: {  	s2 =	sadd.s32 s2, s17  }
0x8e: {  	[smem:$0x3FC6] =	sst s2  }
0x8f: {  	_ = 	snop  }
0x90: {  	s2 =	sld [smem:$0x3FD0];
	(tm) =	ssettm $0x1  }
0x91: {  	s18 =	sld [smem:$0x3FFB];
	_ =	sdelay $0x3  }
0x92: {  	_ =	strace s18  }
0x93: {  	s3 =	sld [smem:$0x3FFC];
	_ =	sdelay $0x3  }
0x94: {  	_ =	strace s3  }
0x95: {  	s3 =	sld [smem:$0x3FFD];
	_ =	sdelay $0x3  }
0x96: {  	_ =	strace s3  }
0x97: {  	_ =	strace $0x8FFFFFFF  }
0x98: {  	s19 =	sld [smem:$0x3FDB];
	_ =	sdelay $0x1  }
0x99: {  	s4 =	simm.s32 $_scs_section_size  }
0x9a: {  	s5 =	simm.s32 $_size__tile_overlayer_lowered;
	s6 =	simm.s32 $_tile_overlayer_lowered  }
0x9b: {  	s22 =	simm.s32 $0x1BFF;
	s21 =	sshll.u32 s6, $0x1;
	s3 =	sadd.s32 s4, s19  }
0x9c: {  	s7 =	simm.s32 $0x0;
	s20 =	sshll.u32 s5, $0x1;
	s5 =	sadd.s32 s21, s3  }
0x9d: {  	[timem:s7], [sflag:s22] =	dma.local [hbm:s5], s20  }
0x9e: {  	_ =	swait.ge [sflag:s22], s20  }
0x9f: {  	s4 =	ssub.s32 $0x0, s20;
	[sflag:s22] =	ssyncset.done $0x0  }
0xa0: {  	[sflag:s22] =	ssyncadd.s32 s4;
	_ =	sdelay $0x1  }
0xa1: {  	s23 =	simm.s32 $0x1B8B  }
0xa2: {  	_ =	swait.ge [sflag:s23], $0x1  }
0xa3: {  	[sflag:s23] =	ssyncset.done $0x0  }
0xa4: {  	s25 =	simm.s32 $0x1B8E;
	s24 =	sld [smem:$0x3FFE];
	[sflag:s23] =	ssyncadd.s32 $0xFFFFFFFF  }
0xa5: {  	s26 =	simm.s32 $execute0_lowered;
	[smem:$0x3FD2] =	sst s25  }
0xa6: {  	s5 =	sshll.u32 s26, $0x1;
	_ =	strace $0x80000046;
	[dreg:$0x1] =	wrdreg $0xFFFFFFFF  }
0xa7: {  	s28 =	simm.s32 $_size_execute0_lowered;
	s3 =	sadd.s32 s3, s5;
	[dreg:$0x0] =	wrdreg $0x0  }
0xa8: {  	s5 =	sshll.u32 s28, $0x1;
	[dreg:$0x2] =	wrdreg s3  }
0xa9: {  	[dreg:$0x3] =	wrdreg s5  }
0xaa: {  	[dreg:$0x4] =	wrdreg $0xC0  }
0xab: {  	_ =	task [dreg:s7], $0x5FFFF  }
0xac: {  	[dreg:$0x1] =	wrdreg $0xFFFFFFFF  }
0xad: {  	[dreg:$0x0] =	wrdreg $0x60  }
0xae: {  	[dreg:$0x2] =	wrdreg s24  }
0xaf: {  	[dreg:$0x3] =	wrdreg s2  }
0xb0: {  	[dreg:$0x4] =	wrdreg $0x9  }
0xb1: {  	_ =	task.clear_ibuf [dreg:s7], $0x5FFFF;
	_ =	strace $0x90000046  }
0xb2: {  	s29 =	simm.s32 $0x9;
	_ =	strace $0x80000048  }
0xb3: {  	_ =	swait.ge [sflag:s29], $0x1  }
0xb4: {  	[sflag:s29] =	ssyncadd.s32 $0xFFFFFFFF  }
0xb5: {  	_ =	strace $0x90000048  }
0xb6: {  	_ =	sfence  }
0xb7: {  	s30 =	sld [smem:$0x0];
	_ =	sdelay $0x2  }
0xb8: {  	s31 =	sshll.u32 s1, $0xD;
	s1 =	sshrl.u32 s1, $0x2  }
0xb9: {  	s3 =	sand.u32 $0x4000, s31;
	s1 =	sadd.s32 s1, s30  }
0xba: {  	s0 =	sor.u32 s3, s0;
	s1 =	sshll.u32 s1, $0x11  }
0xbb: {  	s0 =	sor.u32 s1, s0  }
0xbc: {  	s0 =	sadd.s32 $0x8F2B, s0  }
0xbd: {  	[sflag:s0] =	ssyncadd.remote.s32 $0x1  }
0xbe: {  	_ =	sfence.sel $0xFFFF  }
0xbf: {  	[dreg:$0x0] =	wrdreg $0xFFFFFFFF;
	(pc) =	sbr.abs _section_cstart, $3  }
0xc0: {  	[dreg:$0x1] =	wrdreg $0xFFFFFFFF  }
0xc1: {  	_ =	task.clear_ibuf [dreg:s7], $0x2FFFF;
	_ =	strace $0x9FFFFFFF  }
0xc2: {  	(tm) =	ssettm $0x7FFFFFFF  }
0xc3: {  	_ =	shalt  }
tec
execute0_lowered:
.L_overlay_start_1:
0x0: {  	(tag) =	ssettag $0x1  }
0x1: {  	s0 =	srdreg.scid;
	s4 =	rddreg [dreg:$0x0]  }
0x2: {  	s1 =	stileid.u32;
	s2 =	rddreg [dreg:$0x1];
	s3 =	simm.s32 $0x0  }
0x3: {  	s29 =	simm.s32 $0xA400;
	s31 =	simm.s32 $0xC400;
	s30 =	simm.s32 $0x10400  }
0x4: {  	s28 =	simm.s32 $0x12400;
	s0 =	sand.u32 $0x1, s0;
	s1 =	sshll.u32 s1, $0x1  }
0x5: {  	s14 =	simm.s32 $0x2;
	s15 =	simm.s32 $0x3;
	s1 =	sor.u32 s0, s1  }
0x6: {  	[smem:$0x7FF] =	sst s3;
	s0 =	ssub.s32 $0x2, s0;
	s5 =	smul.u32 $0x6400, s1  }
0x7: {  	_ =	strace $0x80000047;
	s7 =	sshrl.u32 s0, $0x1;
	s1 =	smul.u32 $0x190000, s1  }
0x8: {  	s0 =	ssub.s32 s0, s7;
	s7 =	simm.s32 $0x0;
	s16 =	sor.u32 $0x80, s5  }
0x9: {  	s6 =	sshrl.u32 s5, $0x3;
	s17 =	sor.u32 $0x100, s5;
	[dreg:$0x4] =	wrdreg s16  }
0xa: {  	s18 =	sor.u32 $0x180, s5;
	s10 =	smov.u32 s1;
	[dreg:$0x5] =	wrdreg s17  }
0xb: {  	s1 =	sshrl.u32 s1, $0x3;
	s19 =	sor.u32 $0x200, s5;
	[dreg:$0x6] =	wrdreg s18  }
0xc: {  	s0 =	smax.u32 s0, $0x1;
	s6 =	sadd.s32 s6, s4;
	[dreg:$0x7] =	wrdreg s19  }
0xd: {  	s1 =	sadd.s32 s2, s1;
	[dreg:$0x10] =	wrdreg s0;
	s6 =	sadd.s32 $0xA00, s6  }
0xe: {  	s11 =	sor.u32 $0x280, s5;
	s20 =	sadd.s32 $0x30000, s1;
	[dreg:$0x3] =	wrdreg s6  }
0xf: {  	s12 =	sor.u32 $0x300, s5;
	s21 =	sadd.s32 $0x30400, s1;
	[dreg:$0x8] =	wrdreg s20  }
0x10: {  	s13 =	sor.u32 $0x380, s5;
	s22 =	sadd.s32 $0x30800, s1;
	[dreg:$0x9] =	wrdreg s21  }
0x11: {  	s4 =	sadd.s32 $0xF42E00, s4;
	s23 =	sadd.s32 $0x30C00, s1;
	[dreg:$0xa] =	wrdreg s22  }
0x12: {  	s0 =	simm.s32 $0xE400;
	s24 =	sadd.s32 $0x31000, s1;
	[dreg:$0xb] =	wrdreg s23  }
0x13: {  	s16 =	simm.s32 $0x4;
	s25 =	sadd.s32 $0x31400, s1;
	[dreg:$0xc] =	wrdreg s24  }
0x14: {  	s17 =	simm.s32 $0x5;
	s26 =	sadd.s32 $0x31800, s1;
	[dreg:$0xd] =	wrdreg s25  }
0x15: {  	s18 =	simm.s32 $0x6;
	s1 =	sadd.s32 $0x31C00, s1;
	[dreg:$0xe] =	wrdreg s26  }
0x16: {  	s19 =	simm.s32 $0x7;
	[dreg:$0xf] =	wrdreg s1;
	s23 =	simm.s32 $0x9  }
0x17: {  	s24 =	simm.s32 $0x80;
	s25 =	simm.s32 $0x6400;
	s26 =	simm.s32 $0x8400  }
0x18: {  	s1 =	simm.s32 $0x14400;
	s6 =	simm.s32 $0x1;
	s20 =	simm.s32 $0x8  }
.LBB2_1:
0x19: {  	[dreg:$0x11] =	wrdreg s7  }
0x1a: {  	s5 =	rddreg [dreg:$0x3]  }
0x1b: {  	[tilespmem:s3], [sflag:$0x9] =	stream.linear.gather [hbm4b:s5+s3], $0x6400, $0x38;
	[tilespmem:$0x16400] =	vst v63  }
0x1c: {  	_ =	swait.ge [sflag:s23], $0x6400  }
0x1d: {  	[sflag:s23] =	ssyncset.done $0x0  }
0x1e: {  	[sflag:s23] =	ssyncadd.s32 $0xFFFF9C00  }
0x1f: {  	[tilespmem:s25], [sflag:$0x1] =	stream.indirect.gather [hbm4b:s4+s24], $0x40, s3, s24, $0xb8;
	[tilespmem:$0x16400] =	vst v63  }
0x20: {  	_ = 	snop  }
0x21: {  	[tilespmem:s26], [sflag:$0x2] =	stream.indirect.gather [hbm4b:s4+s24], $0x40, s24, s24, $0xb8;
	[tilespmem:$0x16400] =	vst v63  }
0x22: {  	s22 =	simm.s32 $0x100  }
0x23: {  	[tilespmem:s29], [sflag:$0x3] =	stream.indirect.gather [hbm4b:s4+s24], $0x40, s22, s24, $0xb8;
	[tilespmem:$0x16400] =	vst v63  }
0x24: {  	s7 =	simm.s32 $0x180  }
0x25: {  	[tilespmem:s31], [sflag:$0x4] =	stream.indirect.gather [hbm4b:s4+s24], $0x40, s7, s24, $0xb8;
	[tilespmem:$0x16400] =	vst v63  }
0x26: {  	s8 =	simm.s32 $0x200  }
0x27: {  	[tilespmem:s0], [sflag:$0x5] =	stream.indirect.gather [hbm4b:s4+s24], $0x40, s8, s24, $0xb8;
	[tilespmem:$0x16400] =	vst v63  }
0x28: {  	s9 =	simm.s32 $0x280  }
0x29: {  	[tilespmem:s30], [sflag:$0x6] =	stream.indirect.gather [hbm4b:s4+s24], $0x40, s9, s24, $0xb8;
	[tilespmem:$0x16400] =	vst v63  }
0x2a: {  	s21 =	simm.s32 $0x300  }
0x2b: {  	[tilespmem:s28], [sflag:$0x7] =	stream.indirect.gather [hbm4b:s4+s24], $0x40, s21, s24, $0xb8;
	[tilespmem:$0x16400] =	vst v63  }
0x2c: {  	s22 =	simm.s32 $0x380  }
0x2d: {  	[tilespmem:s1], [sflag:$0x8] =	stream.indirect.gather [hbm4b:s4+s24], $0x40, s22, s24, $0xb8;
	[tilespmem:$0x16400] =	vst v63  }
0x2e: {  	s22 =	simm.s32 $0x0  }
.LBB2_2:
0x2f: {  	_ =	swait.ge [sflag:s6], $0x2000  }
0x30: {  	[sflag:s6] =	ssyncset.done $0x0  }
0x31: {  	s5 =	simm.s32 $0x6480;
	[sflag:s6] =	ssyncadd.s32 $0xFFFFE000  }
0x32: {  	v0 =	vld [tilespmem:s5+$0x70]  }
0x33: {  	v1 =	vld [tilespmem:s5+$0xFFFFFF90]  }
0x34: {  	v2 =	vld [tilespmem:s5+$0xFFFFFFA0]  }
0x35: {  	v3 =	vld [tilespmem:s5+$0xFFFFFFB0]  }
0x36: {  	v4 =	vld [tilespmem:s5+$0xFFFFFFC0]  }
0x37: {  	v5 =	vld [tilespmem:s5+$0xFFFFFFD0];
	v0 =	vmul.f32 $8.000000000e+00, v0  }
0x38: {  	v6 =	vld [tilespmem:s5+$0xFFFFFFE0];
	v1 =	vmul.f32 $8.000000000e+00, v1  }
0x39: {  	v7 =	vld [tilespmem:s5+$0xFFFFFFF0];
	v2 =	vmul.f32 $8.000000000e+00, v2;
	[tilespmem:s5+$0x70] =	vst v0  }
0x3a: {  	[tilespmem:s5+$0xFFFFFF90] =	vst v1;
	v0 =	vmul.f32 $8.000000000e+00, v3;
	v3 =	vld [tilespmem:s5+$0x0]  }
0x3b: {  	[tilespmem:s5+$0xFFFFFFA0] =	vst v2;
	v1 =	vmul.f32 $8.000000000e+00, v4;
	v4 =	vld [tilespmem:s5+$0x10]  }
0x3c: {  	v8 =	vld [tilespmem:s5+$0x20];
	v2 =	vmul.f32 $8.000000000e+00, v5;
	[tilespmem:s5+$0xFFFFFFB0] =	vst v0  }
0x3d: {  	v5 =	vmul.f32 $8.000000000e+00, v6;
	[tilespmem:s5+$0xFFFFFFC0] =	vst v1;
	v0 =	vld [tilespmem:s5+$0x30]  }
0x3e: {  	v6 =	vmul.f32 $8.000000000e+00, v7;
	[tilespmem:s5+$0xFFFFFFD0] =	vst v2;
	v1 =	vld [tilespmem:s5+$0x40]  }
0x3f: {  	[tilespmem:s5+$0xFFFFFFE0] =	vst v5;
	v2 =	vld [tilespmem:s5+$0x50];
	v7 =	vmul.f32 $8.000000000e+00, v3  }
0x40: {  	[tilespmem:s5+$0xFFFFFFF0] =	vst v6;
	v3 =	vld [tilespmem:s5+$0x60];
	v5 =	vmul.f32 $8.000000000e+00, v4  }
0x41: {  	s7 =	simm.s32 $0x0;
	s8 =	simm.s32 $0x6580;
	v6 =	vmul.f32 $8.000000000e+00, v8;
	v4 =	vld [tilespmem:s5+$0xFFFFFF80];
	[tilespmem:s5+$0x0] =	vst v7  }
.LBB2_3:
0x42: {  	v7 =	vld [tilespmem:s8+$0x70];
	s7 =	sadd.s32 $0x4, s7;
	[tilespmem:s5+$0x10] =	vst v5;
	v0 =	vmul.f32 $8.000000000e+00, v0  }
0x43: {  	v5 =	vld [tilespmem:s8+$0xFFFFFF90];
	p0 =	slt.u32 s7, $0x7C;
	[tilespmem:s5+$0x20] =	vst v6;
	v1 =	vmul.f32 $8.000000000e+00, v1  }
0x44: {  	v6 =	vld [tilespmem:s8+$0xFFFFFFA0];
	[tilespmem:s5+$0x30] =	vst v0;
	v0 =	vmul.f32 $8.000000000e+00, v2  }
0x45: {  	v2 =	vld [tilespmem:s8+$0xFFFFFFB0];
	[tilespmem:s5+$0x40] =	vst v1;
	v1 =	vmul.f32 $8.000000000e+00, v3  }
0x46: {  	v3 =	vld [tilespmem:s8+$0xFFFFFFC0];
	v4 =	vmul.f32 $8.000000000e+00, v4;
	[tilespmem:s5+$0x50] =	vst v0  }
0x47: {  	v0 =	vld [tilespmem:s8+$0xFFFFFFD0];
	v7 =	vmul.f32 $8.000000000e+00, v7;
	[tilespmem:s5+$0x60] =	vst v1  }
0x48: {  	v1 =	vmul.f32 $8.000000000e+00, v5;
	v5 =	vld [tilespmem:s8+$0xFFFFFFE0];
	[tilespmem:s5+$0xFFFFFF80] =	vst v4;
	s5 =	smov.u32 s8  }
0x49: {  	v4 =	vmul.f32 $8.000000000e+00, v6;
	v6 =	vld [tilespmem:s8+$0xFFFFFFF0];
	[tilespmem:s8+$0x70] =	vst v7  }
0x4a: {  	[tilespmem:s8+$0xFFFFFF90] =	vst v1;
	v1 =	vmul.f32 $8.000000000e+00, v2;
	v2 =	vld [tilespmem:s8+$0x0]  }
0x4b: {  	[tilespmem:s8+$0xFFFFFFA0] =	vst v4;
	v3 =	vmul.f32 $8.000000000e+00, v3;
	v4 =	vld [tilespmem:s8+$0x10]  }
0x4c: {  	[tilespmem:s8+$0xFFFFFFB0] =	vst v1;
	v1 =	vmul.f32 $8.000000000e+00, v0;
	v7 =	vld [tilespmem:s8+$0x20]  }
.Ltmp0:
0x4d: {  	[tilespmem:s8+$0xFFFFFFC0] =	vst v3;
	v3 =	vmul.f32 $8.000000000e+00, v5;
	v0 =	vld [tilespmem:s8+$0x30];
	(pc) =	sbr.rel @p0 .LBB2_3-.Ltmp0, $4  }
0x4e: {  	[tilespmem:s8+$0xFFFFFFD0] =	vst v1;
	v5 =	vmul.f32 $8.000000000e+00, v6;
	v1 =	vld [tilespmem:s8+$0x40]  }
0x4f: {  	[tilespmem:s8+$0xFFFFFFE0] =	vst v3;
	v6 =	vmul.f32 $8.000000000e+00, v2;
	v2 =	vld [tilespmem:s8+$0x50]  }
0x50: {  	[tilespmem:s8+$0xFFFFFFF0] =	vst v5;
	v5 =	vmul.f32 $8.000000000e+00, v4;
	v3 =	vld [tilespmem:s8+$0x60]  }
0x51: {  	s8 =	sadd.s32 $0x100, s8;
	v4 =	vld [tilespmem:s5+$0xFFFFFF80];
	[tilespmem:s5+$0x0] =	vst v6;
	v6 =	vmul.f32 $8.000000000e+00, v7  }
0x52: {  	[tilespmem:s5+$0x10] =	vst v5;
	v0 =	vmul.f32 $8.000000000e+00, v0  }
0x53: {  	[tilespmem:s5+$0x20] =	vst v6;
	v1 =	vmul.f32 $8.000000000e+00, v1  }
0x54: {  	[tilespmem:s5+$0x30] =	vst v0;
	v0 =	vmul.f32 $8.000000000e+00, v2  }
0x55: {  	s7 =	sshll.u32 s22, $0x10;
	[tilespmem:s5+$0x40] =	vst v1;
	v1 =	vmul.f32 $8.000000000e+00, v3  }
0x56: {  	s7 =	sadd.s32 s10, s7;
	v2 =	vmul.f32 $8.000000000e+00, v4;
	[tilespmem:s5+$0x50] =	vst v0  }
0x57: {  	s7 =	sshrl.u32 s7, $0x3;
	[tilespmem:s5+$0x60] =	vst v1  }
0x58: {  	s8 =	sadd.s32 s2, s7;
	[tilespmem:s5+$0xFFFFFF80] =	vst v2  }
0x59: {  	[hbm4b:s8+s3] =	stream.linear.scatter [tilespmem:s25], [sflag:$0x9], $0x2000, $0x38;
	[tilespmem:$0x16400] =	vst v63  }
0x5a: {  	s5 =	sshll.u32 s22, $0xA;
	_ =	swait.ge [sflag:s23], $0x2000  }
0x5b: {  	s21 =	sand.u32 $0x3FFFFC00, s5;
	[sflag:s23] =	ssyncset.done $0x0  }
0x5c: {  	s9 =	sadd.s32 $0x400, s21;
	[sflag:s23] =	ssyncadd.s32 $0xFFFFE000  }
0x5d: {  	[tilespmem:s25], [sflag:$0x1] =	stream.indirect.gather [hbm4b:s4+s24], $0x40, s9, s24, $0xb8;
	[tilespmem:$0x16400] =	vst v63  }
0x5e: {  	_ =	swait.ge [sflag:s14], $0x2000  }
0x5f: {  	[sflag:s14] =	ssyncset.done $0x0  }
0x60: {  	s7 =	simm.s32 $0x8480;
	[sflag:s14] =	ssyncadd.s32 $0xFFFFE000  }
0x61: {  	v0 =	vld [tilespmem:s7+$0x70]  }
0x62: {  	v1 =	vld [tilespmem:s7+$0xFFFFFF90]  }
0x63: {  	v2 =	vld [tilespmem:s7+$0xFFFFFFA0]  }
0x64: {  	v3 =	vld [tilespmem:s7+$0xFFFFFFB0]  }
0x65: {  	v4 =	vld [tilespmem:s7+$0xFFFFFFC0]  }
0x66: {  	v5 =	vld [tilespmem:s7+$0xFFFFFFD0];
	v0 =	vmul.f32 $8.000000000e+00, v0  }
0x67: {  	v6 =	vld [tilespmem:s7+$0xFFFFFFE0];
	v1 =	vmul.f32 $8.000000000e+00, v1  }
0x68: {  	v7 =	vld [tilespmem:s7+$0xFFFFFFF0];
	v2 =	vmul.f32 $8.000000000e+00, v2;
	[tilespmem:s7+$0x70] =	vst v0  }
0x69: {  	[tilespmem:s7+$0xFFFFFF90] =	vst v1;
	v0 =	vmul.f32 $8.000000000e+00, v3;
	v3 =	vld [tilespmem:s7+$0x0]  }
0x6a: {  	[tilespmem:s7+$0xFFFFFFA0] =	vst v2;
	v1 =	vmul.f32 $8.000000000e+00, v4;
	v4 =	vld [tilespmem:s7+$0x10]  }
0x6b: {  	v8 =	vld [tilespmem:s7+$0x20];
	v2 =	vmul.f32 $8.000000000e+00, v5;
	[tilespmem:s7+$0xFFFFFFB0] =	vst v0  }
0x6c: {  	v5 =	vmul.f32 $8.000000000e+00, v6;
	[tilespmem:s7+$0xFFFFFFC0] =	vst v1;
	v0 =	vld [tilespmem:s7+$0x30]  }
0x6d: {  	v6 =	vmul.f32 $8.000000000e+00, v7;
	[tilespmem:s7+$0xFFFFFFD0] =	vst v2;
	v1 =	vld [tilespmem:s7+$0x40]  }
0x6e: {  	[tilespmem:s7+$0xFFFFFFE0] =	vst v5;
	v2 =	vld [tilespmem:s7+$0x50];
	v7 =	vmul.f32 $8.000000000e+00, v3  }
0x6f: {  	[tilespmem:s7+$0xFFFFFFF0] =	vst v6;
	v3 =	vld [tilespmem:s7+$0x60];
	v5 =	vmul.f32 $8.000000000e+00, v4  }
0x70: {  	s8 =	simm.s32 $0x0;
	s9 =	simm.s32 $0x8580;
	v6 =	vmul.f32 $8.000000000e+00, v8;
	v4 =	vld [tilespmem:s7+$0xFFFFFF80];
	[tilespmem:s7+$0x0] =	vst v7  }
.LBB2_5:
0x71: {  	v7 =	vld [tilespmem:s9+$0x70];
	s8 =	sadd.s32 $0x4, s8;
	[tilespmem:s7+$0x10] =	vst v5;
	v0 =	vmul.f32 $8.000000000e+00, v0  }
0x72: {  	v5 =	vld [tilespmem:s9+$0xFFFFFF90];
	p0 =	slt.u32 s8, $0x7C;
	[tilespmem:s7+$0x20] =	vst v6;
	v1 =	vmul.f32 $8.000000000e+00, v1  }
0x73: {  	v6 =	vld [tilespmem:s9+$0xFFFFFFA0];
	[tilespmem:s7+$0x30] =	vst v0;
	v0 =	vmul.f32 $8.000000000e+00, v2  }
0x74: {  	v2 =	vld [tilespmem:s9+$0xFFFFFFB0];
	[tilespmem:s7+$0x40] =	vst v1;
	v1 =	vmul.f32 $8.000000000e+00, v3  }
0x75: {  	v3 =	vld [tilespmem:s9+$0xFFFFFFC0];
	v4 =	vmul.f32 $8.000000000e+00, v4;
	[tilespmem:s7+$0x50] =	vst v0  }
0x76: {  	v0 =	vld [tilespmem:s9+$0xFFFFFFD0];
	v7 =	vmul.f32 $8.000000000e+00, v7;
	[tilespmem:s7+$0x60] =	vst v1  }
0x77: {  	v1 =	vmul.f32 $8.000000000e+00, v5;
	v5 =	vld [tilespmem:s9+$0xFFFFFFE0];
	[tilespmem:s7+$0xFFFFFF80] =	vst v4;
	s7 =	smov.u32 s9  }
0x78: {  	v4 =	vmul.f32 $8.000000000e+00, v6;
	v6 =	vld [tilespmem:s9+$0xFFFFFFF0];
	[tilespmem:s9+$0x70] =	vst v7  }
0x79: {  	[tilespmem:s9+$0xFFFFFF90] =	vst v1;
	v1 =	vmul.f32 $8.000000000e+00, v2;
	v2 =	vld [tilespmem:s9+$0x0]  }
0x7a: {  	[tilespmem:s9+$0xFFFFFFA0] =	vst v4;
	v3 =	vmul.f32 $8.000000000e+00, v3;
	v4 =	vld [tilespmem:s9+$0x10]  }
0x7b: {  	[tilespmem:s9+$0xFFFFFFB0] =	vst v1;
	v1 =	vmul.f32 $8.000000000e+00, v0;
	v7 =	vld [tilespmem:s9+$0x20]  }
.Ltmp1:
0x7c: {  	[tilespmem:s9+$0xFFFFFFC0] =	vst v3;
	v3 =	vmul.f32 $8.000000000e+00, v5;
	v0 =	vld [tilespmem:s9+$0x30];
	(pc) =	sbr.rel @p0 .LBB2_5-.Ltmp1, $4  }
0x7d: {  	[tilespmem:s9+$0xFFFFFFD0] =	vst v1;
	v5 =	vmul.f32 $8.000000000e+00, v6;
	v1 =	vld [tilespmem:s9+$0x40]  }
0x7e: {  	[tilespmem:s9+$0xFFFFFFE0] =	vst v3;
	v6 =	vmul.f32 $8.000000000e+00, v2;
	v2 =	vld [tilespmem:s9+$0x50]  }
0x7f: {  	[tilespmem:s9+$0xFFFFFFF0] =	vst v5;
	v5 =	vmul.f32 $8.000000000e+00, v4;
	v3 =	vld [tilespmem:s9+$0x60]  }
0x80: {  	s9 =	sadd.s32 $0x100, s9;
	v4 =	vld [tilespmem:s7+$0xFFFFFF80];
	[tilespmem:s7+$0x0] =	vst v6;
	v6 =	vmul.f32 $8.000000000e+00, v7  }
0x81: {  	[tilespmem:s7+$0x10] =	vst v5;
	v0 =	vmul.f32 $8.000000000e+00, v0  }
0x82: {  	[tilespmem:s7+$0x20] =	vst v6;
	v1 =	vmul.f32 $8.000000000e+00, v1  }
0x83: {  	[tilespmem:s7+$0x30] =	vst v0  }
0x84: {  	[tilespmem:s7+$0x40] =	vst v1  }
0x85: {  	v0 =	vmul.f32 $8.000000000e+00, v2;
	s8 =	rddreg [dreg:$0x4]  }
0x86: {  	v1 =	vmul.f32 $8.000000000e+00, v3;
	s8 =	sadd.s32 s5, s8  }
0x87: {  	v2 =	vmul.f32 $8.000000000e+00, v4;
	[tilespmem:s7+$0x50] =	vst v0;
	s8 =	sshll.u32 s8, $0x3  }
0x88: {  	[tilespmem:s7+$0x60] =	vst v1;
	s8 =	sand.u32 $0x1FFFE400, s8  }
0x89: {  	[tilespmem:s7+$0xFFFFFF80] =	vst v2;
	s8 =	sadd.s32 s2, s8  }
0x8a: {  	[hbm4b:s8+s3] =	stream.linear.scatter [tilespmem:s26], [sflag:$0x9], $0x2000, $0x38;
	[tilespmem:$0x16400] =	vst v63  }
0x8b: {  	_ =	swait.ge [sflag:s23], $0x2000  }
0x8c: {  	[sflag:s23] =	ssyncset.done $0x0  }
0x8d: {  	s9 =	sadd.s32 $0x480, s21;
	[sflag:s23] =	ssyncadd.s32 $0xFFFFE000  }
0x8e: {  	[tilespmem:s26], [sflag:$0x2] =	stream.indirect.gather [hbm4b:s4+s24], $0x40, s9, s24, $0xb8;
	[tilespmem:$0x16400] =	vst v63  }
0x8f: {  	_ =	swait.ge [sflag:s15], $0x2000  }
0x90: {  	[sflag:s15] =	ssyncset.done $0x0  }
0x91: {  	s7 =	simm.s32 $0xA480;
	[sflag:s15] =	ssyncadd.s32 $0xFFFFE000  }
0x92: {  	v0 =	vld [tilespmem:s7+$0x70]  }
0x93: {  	v1 =	vld [tilespmem:s7+$0xFFFFFF90]  }
0x94: {  	v2 =	vld [tilespmem:s7+$0xFFFFFFA0]  }
0x95: {  	v3 =	vld [tilespmem:s7+$0xFFFFFFB0]  }
0x96: {  	v4 =	vld [tilespmem:s7+$0xFFFFFFC0]  }
0x97: {  	v5 =	vld [tilespmem:s7+$0xFFFFFFD0];
	v0 =	vmul.f32 $8.000000000e+00, v0  }
0x98: {  	v6 =	vld [tilespmem:s7+$0xFFFFFFE0];
	v1 =	vmul.f32 $8.000000000e+00, v1  }
0x99: {  	v7 =	vld [tilespmem:s7+$0xFFFFFFF0];
	v2 =	vmul.f32 $8.000000000e+00, v2;
	[tilespmem:s7+$0x70] =	vst v0  }
0x9a: {  	[tilespmem:s7+$0xFFFFFF90] =	vst v1;
	v0 =	vmul.f32 $8.000000000e+00, v3;
	v3 =	vld [tilespmem:s7+$0x0]  }
0x9b: {  	[tilespmem:s7+$0xFFFFFFA0] =	vst v2;
	v1 =	vmul.f32 $8.000000000e+00, v4;
	v4 =	vld [tilespmem:s7+$0x10]  }
0x9c: {  	v8 =	vld [tilespmem:s7+$0x20];
	v2 =	vmul.f32 $8.000000000e+00, v5;
	[tilespmem:s7+$0xFFFFFFB0] =	vst v0  }
0x9d: {  	v5 =	vmul.f32 $8.000000000e+00, v6;
	[tilespmem:s7+$0xFFFFFFC0] =	vst v1;
	v0 =	vld [tilespmem:s7+$0x30]  }
0x9e: {  	v6 =	vmul.f32 $8.000000000e+00, v7;
	[tilespmem:s7+$0xFFFFFFD0] =	vst v2;
	v1 =	vld [tilespmem:s7+$0x40]  }
0x9f: {  	[tilespmem:s7+$0xFFFFFFE0] =	vst v5;
	v2 =	vld [tilespmem:s7+$0x50];
	v7 =	vmul.f32 $8.000000000e+00, v3  }
0xa0: {  	[tilespmem:s7+$0xFFFFFFF0] =	vst v6;
	v3 =	vld [tilespmem:s7+$0x60];
	v5 =	vmul.f32 $8.000000000e+00, v4  }
0xa1: {  	s8 =	simm.s32 $0x0;
	s9 =	simm.s32 $0xA580;
	v6 =	vmul.f32 $8.000000000e+00, v8;
	v4 =	vld [tilespmem:s7+$0xFFFFFF80];
	[tilespmem:s7+$0x0] =	vst v7  }
.LBB2_7:
0xa2: {  	v7 =	vld [tilespmem:s9+$0x70];
	s8 =	sadd.s32 $0x4, s8;
	[tilespmem:s7+$0x10] =	vst v5;
	v0 =	vmul.f32 $8.000000000e+00, v0  }
0xa3: {  	v5 =	vld [tilespmem:s9+$0xFFFFFF90];
	p0 =	slt.u32 s8, $0x7C;
	[tilespmem:s7+$0x20] =	vst v6;
	v1 =	vmul.f32 $8.000000000e+00, v1  }
0xa4: {  	v6 =	vld [tilespmem:s9+$0xFFFFFFA0];
	[tilespmem:s7+$0x30] =	vst v0;
	v0 =	vmul.f32 $8.000000000e+00, v2  }
0xa5: {  	v2 =	vld [tilespmem:s9+$0xFFFFFFB0];
	[tilespmem:s7+$0x40] =	vst v1;
	v1 =	vmul.f32 $8.000000000e+00, v3  }
0xa6: {  	v3 =	vld [tilespmem:s9+$0xFFFFFFC0];
	v4 =	vmul.f32 $8.000000000e+00, v4;
	[tilespmem:s7+$0x50] =	vst v0  }
0xa7: {  	v0 =	vld [tilespmem:s9+$0xFFFFFFD0];
	v7 =	vmul.f32 $8.000000000e+00, v7;
	[tilespmem:s7+$0x60] =	vst v1  }
0xa8: {  	v1 =	vmul.f32 $8.000000000e+00, v5;
	v5 =	vld [tilespmem:s9+$0xFFFFFFE0];
	[tilespmem:s7+$0xFFFFFF80] =	vst v4;
	s7 =	smov.u32 s9  }
0xa9: {  	v4 =	vmul.f32 $8.000000000e+00, v6;
	v6 =	vld [tilespmem:s9+$0xFFFFFFF0];
	[tilespmem:s9+$0x70] =	vst v7  }
0xaa: {  	[tilespmem:s9+$0xFFFFFF90] =	vst v1;
	v1 =	vmul.f32 $8.000000000e+00, v2;
	v2 =	vld [tilespmem:s9+$0x0]  }
0xab: {  	[tilespmem:s9+$0xFFFFFFA0] =	vst v4;
	v3 =	vmul.f32 $8.000000000e+00, v3;
	v4 =	vld [tilespmem:s9+$0x10]  }
0xac: {  	[tilespmem:s9+$0xFFFFFFB0] =	vst v1;
	v1 =	vmul.f32 $8.000000000e+00, v0;
	v7 =	vld [tilespmem:s9+$0x20]  }
.Ltmp2:
0xad: {  	[tilespmem:s9+$0xFFFFFFC0] =	vst v3;
	v3 =	vmul.f32 $8.000000000e+00, v5;
	v0 =	vld [tilespmem:s9+$0x30];
	(pc) =	sbr.rel @p0 .LBB2_7-.Ltmp2, $4  }
0xae: {  	[tilespmem:s9+$0xFFFFFFD0] =	vst v1;
	v5 =	vmul.f32 $8.000000000e+00, v6;
	v1 =	vld [tilespmem:s9+$0x40]  }
0xaf: {  	[tilespmem:s9+$0xFFFFFFE0] =	vst v3;
	v6 =	vmul.f32 $8.000000000e+00, v2;
	v2 =	vld [tilespmem:s9+$0x50]  }
0xb0: {  	[tilespmem:s9+$0xFFFFFFF0] =	vst v5;
	v5 =	vmul.f32 $8.000000000e+00, v4;
	v3 =	vld [tilespmem:s9+$0x60]  }
0xb1: {  	s9 =	sadd.s32 $0x100, s9;
	v4 =	vld [tilespmem:s7+$0xFFFFFF80];
	[tilespmem:s7+$0x0] =	vst v6;
	v6 =	vmul.f32 $8.000000000e+00, v7  }
0xb2: {  	[tilespmem:s7+$0x10] =	vst v5;
	v0 =	vmul.f32 $8.000000000e+00, v0  }
0xb3: {  	[tilespmem:s7+$0x20] =	vst v6;
	v1 =	vmul.f32 $8.000000000e+00, v1  }
0xb4: {  	[tilespmem:s7+$0x30] =	vst v0  }
0xb5: {  	[tilespmem:s7+$0x40] =	vst v1  }
0xb6: {  	v0 =	vmul.f32 $8.000000000e+00, v2;
	s8 =	rddreg [dreg:$0x5]  }
0xb7: {  	v1 =	vmul.f32 $8.000000000e+00, v3;
	s8 =	sadd.s32 s5, s8  }
0xb8: {  	v2 =	vmul.f32 $8.000000000e+00, v4;
	[tilespmem:s7+$0x50] =	vst v0;
	s8 =	sshll.u32 s8, $0x3  }
0xb9: {  	[tilespmem:s7+$0x60] =	vst v1;
	s8 =	sand.u32 $0x1FFFE800, s8  }
0xba: {  	[tilespmem:s7+$0xFFFFFF80] =	vst v2;
	s8 =	sadd.s32 s2, s8  }
0xbb: {  	[hbm4b:s8+s3] =	stream.linear.scatter [tilespmem:s29], [sflag:$0x9], $0x2000, $0x38;
	[tilespmem:$0x16400] =	vst v63  }
0xbc: {  	_ =	swait.ge [sflag:s23], $0x2000  }
0xbd: {  	[sflag:s23] =	ssyncset.done $0x0  }
0xbe: {  	s9 =	sadd.s32 $0x500, s21;
	[sflag:s23] =	ssyncadd.s32 $0xFFFFE000  }
0xbf: {  	[tilespmem:s29], [sflag:$0x3] =	stream.indirect.gather [hbm4b:s4+s24], $0x40, s9, s24, $0xb8;
	[tilespmem:$0x16400] =	vst v63  }
0xc0: {  	_ =	swait.ge [sflag:s16], $0x2000  }
0xc1: {  	[sflag:s16] =	ssyncset.done $0x0  }
0xc2: {  	s7 =	simm.s32 $0xC480;
	[sflag:s16] =	ssyncadd.s32 $0xFFFFE000  }
0xc3: {  	v0 =	vld [tilespmem:s7+$0x70]  }
0xc4: {  	v1 =	vld [tilespmem:s7+$0xFFFFFF90]  }
0xc5: {  	v2 =	vld [tilespmem:s7+$0xFFFFFFA0]  }
0xc6: {  	v3 =	vld [tilespmem:s7+$0xFFFFFFB0]  }
0xc7: {  	v4 =	vld [tilespmem:s7+$0xFFFFFFC0]  }
0xc8: {  	v5 =	vld [tilespmem:s7+$0xFFFFFFD0];
	v0 =	vmul.f32 $8.000000000e+00, v0  }
0xc9: {  	v6 =	vld [tilespmem:s7+$0xFFFFFFE0];
	v1 =	vmul.f32 $8.000000000e+00, v1  }
0xca: {  	v7 =	vld [tilespmem:s7+$0xFFFFFFF0];
	v2 =	vmul.f32 $8.000000000e+00, v2;
	[tilespmem:s7+$0x70] =	vst v0  }
0xcb: {  	[tilespmem:s7+$0xFFFFFF90] =	vst v1;
	v0 =	vmul.f32 $8.000000000e+00, v3;
	v3 =	vld [tilespmem:s7+$0x0]  }
0xcc: {  	[tilespmem:s7+$0xFFFFFFA0] =	vst v2;
	v1 =	vmul.f32 $8.000000000e+00, v4;
	v4 =	vld [tilespmem:s7+$0x10]  }
0xcd: {  	v8 =	vld [tilespmem:s7+$0x20];
	v2 =	vmul.f32 $8.000000000e+00, v5;
	[tilespmem:s7+$0xFFFFFFB0] =	vst v0  }
0xce: {  	v5 =	vmul.f32 $8.000000000e+00, v6;
	[tilespmem:s7+$0xFFFFFFC0] =	vst v1;
	v0 =	vld [tilespmem:s7+$0x30]  }
0xcf: {  	v6 =	vmul.f32 $8.000000000e+00, v7;
	[tilespmem:s7+$0xFFFFFFD0] =	vst v2;
	v1 =	vld [tilespmem:s7+$0x40]  }
0xd0: {  	[tilespmem:s7+$0xFFFFFFE0] =	vst v5;
	v2 =	vld [tilespmem:s7+$0x50];
	v7 =	vmul.f32 $8.000000000e+00, v3  }
0xd1: {  	[tilespmem:s7+$0xFFFFFFF0] =	vst v6;
	v3 =	vld [tilespmem:s7+$0x60];
	v5 =	vmul.f32 $8.000000000e+00, v4  }
0xd2: {  	s8 =	simm.s32 $0x0;
	s9 =	simm.s32 $0xC580;
	v6 =	vmul.f32 $8.000000000e+00, v8;
	v4 =	vld [tilespmem:s7+$0xFFFFFF80];
	[tilespmem:s7+$0x0] =	vst v7  }
.LBB2_9:
0xd3: {  	v7 =	vld [tilespmem:s9+$0x70];
	s8 =	sadd.s32 $0x4, s8;
	[tilespmem:s7+$0x10] =	vst v5;
	v0 =	vmul.f32 $8.000000000e+00, v0  }
0xd4: {  	v5 =	vld [tilespmem:s9+$0xFFFFFF90];
	p0 =	slt.u32 s8, $0x7C;
	[tilespmem:s7+$0x20] =	vst v6;
	v1 =	vmul.f32 $8.000000000e+00, v1  }
0xd5: {  	v6 =	vld [tilespmem:s9+$0xFFFFFFA0];
	[tilespmem:s7+$0x30] =	vst v0;
	v0 =	vmul.f32 $8.000000000e+00, v2  }
0xd6: {  	v2 =	vld [tilespmem:s9+$0xFFFFFFB0];
	[tilespmem:s7+$0x40] =	vst v1;
	v1 =	vmul.f32 $8.000000000e+00, v3  }
0xd7: {  	v3 =	vld [tilespmem:s9+$0xFFFFFFC0];
	v4 =	vmul.f32 $8.000000000e+00, v4;
	[tilespmem:s7+$0x50] =	vst v0  }
0xd8: {  	v0 =	vld [tilespmem:s9+$0xFFFFFFD0];
	v7 =	vmul.f32 $8.000000000e+00, v7;
	[tilespmem:s7+$0x60] =	vst v1  }
0xd9: {  	v1 =	vmul.f32 $8.000000000e+00, v5;
	v5 =	vld [tilespmem:s9+$0xFFFFFFE0];
	[tilespmem:s7+$0xFFFFFF80] =	vst v4;
	s7 =	smov.u32 s9  }
0xda: {  	v4 =	vmul.f32 $8.000000000e+00, v6;
	v6 =	vld [tilespmem:s9+$0xFFFFFFF0];
	[tilespmem:s9+$0x70] =	vst v7  }
0xdb: {  	[tilespmem:s9+$0xFFFFFF90] =	vst v1;
	v1 =	vmul.f32 $8.000000000e+00, v2;
	v2 =	vld [tilespmem:s9+$0x0]  }
0xdc: {  	[tilespmem:s9+$0xFFFFFFA0] =	vst v4;
	v3 =	vmul.f32 $8.000000000e+00, v3;
	v4 =	vld [tilespmem:s9+$0x10]  }
0xdd: {  	[tilespmem:s9+$0xFFFFFFB0] =	vst v1;
	v1 =	vmul.f32 $8.000000000e+00, v0;
	v7 =	vld [tilespmem:s9+$0x20]  }
.Ltmp3:
0xde: {  	[tilespmem:s9+$0xFFFFFFC0] =	vst v3;
	v3 =	vmul.f32 $8.000000000e+00, v5;
	v0 =	vld [tilespmem:s9+$0x30];
	(pc) =	sbr.rel @p0 .LBB2_9-.Ltmp3, $4  }
0xdf: {  	[tilespmem:s9+$0xFFFFFFD0] =	vst v1;
	v5 =	vmul.f32 $8.000000000e+00, v6;
	v1 =	vld [tilespmem:s9+$0x40]  }
0xe0: {  	[tilespmem:s9+$0xFFFFFFE0] =	vst v3;
	v6 =	vmul.f32 $8.000000000e+00, v2;
	v2 =	vld [tilespmem:s9+$0x50]  }
0xe1: {  	[tilespmem:s9+$0xFFFFFFF0] =	vst v5;
	v5 =	vmul.f32 $8.000000000e+00, v4;
	v3 =	vld [tilespmem:s9+$0x60]  }
0xe2: {  	s9 =	sadd.s32 $0x100, s9;
	v4 =	vld [tilespmem:s7+$0xFFFFFF80];
	[tilespmem:s7+$0x0] =	vst v6;
	v6 =	vmul.f32 $8.000000000e+00, v7  }
0xe3: {  	[tilespmem:s7+$0x10] =	vst v5;
	v0 =	vmul.f32 $8.000000000e+00, v0  }
0xe4: {  	[tilespmem:s7+$0x20] =	vst v6;
	v1 =	vmul.f32 $8.000000000e+00, v1  }
0xe5: {  	[tilespmem:s7+$0x30] =	vst v0  }
0xe6: {  	[tilespmem:s7+$0x40] =	vst v1  }
0xe7: {  	v0 =	vmul.f32 $8.000000000e+00, v2;
	s8 =	rddreg [dreg:$0x6]  }
0xe8: {  	v1 =	vmul.f32 $8.000000000e+00, v3;
	s8 =	sadd.s32 s5, s8  }
0xe9: {  	v2 =	vmul.f32 $8.000000000e+00, v4;
	[tilespmem:s7+$0x50] =	vst v0;
	s8 =	sshll.u32 s8, $0x3  }
0xea: {  	[tilespmem:s7+$0x60] =	vst v1;
	s8 =	sand.u32 $0x1FFFEC00, s8  }
0xeb: {  	[tilespmem:s7+$0xFFFFFF80] =	vst v2;
	s8 =	sadd.s32 s2, s8  }
0xec: {  	[hbm4b:s8+s3] =	stream.linear.scatter [tilespmem:s31], [sflag:$0x9], $0x2000, $0x38;
	[tilespmem:$0x16400] =	vst v63  }
0xed: {  	_ =	swait.ge [sflag:s23], $0x2000  }
0xee: {  	[sflag:s23] =	ssyncset.done $0x0  }
0xef: {  	s9 =	sadd.s32 $0x580, s21;
	[sflag:s23] =	ssyncadd.s32 $0xFFFFE000  }
0xf0: {  	[tilespmem:s31], [sflag:$0x4] =	stream.indirect.gather [hbm4b:s4+s24], $0x40, s9, s24, $0xb8;
	[tilespmem:$0x16400] =	vst v63  }
0xf1: {  	_ =	swait.ge [sflag:s17], $0x2000  }
0xf2: {  	[sflag:s17] =	ssyncset.done $0x0  }
0xf3: {  	s7 =	simm.s32 $0xE480;
	[sflag:s17] =	ssyncadd.s32 $0xFFFFE000  }
0xf4: {  	v0 =	vld [tilespmem:s7+$0x70]  }
0xf5: {  	v1 =	vld [tilespmem:s7+$0xFFFFFF90]  }
0xf6: {  	v2 =	vld [tilespmem:s7+$0xFFFFFFA0]  }
0xf7: {  	v3 =	vld [tilespmem:s7+$0xFFFFFFB0]  }
0xf8: {  	v4 =	vld [tilespmem:s7+$0xFFFFFFC0]  }
0xf9: {  	v5 =	vld [tilespmem:s7+$0xFFFFFFD0];
	v0 =	vmul.f32 $8.000000000e+00, v0  }
0xfa: {  	v6 =	vld [tilespmem:s7+$0xFFFFFFE0];
	v1 =	vmul.f32 $8.000000000e+00, v1  }
0xfb: {  	v7 =	vld [tilespmem:s7+$0xFFFFFFF0];
	v2 =	vmul.f32 $8.000000000e+00, v2;
	[tilespmem:s7+$0x70] =	vst v0  }
0xfc: {  	[tilespmem:s7+$0xFFFFFF90] =	vst v1;
	v0 =	vmul.f32 $8.000000000e+00, v3;
	v3 =	vld [tilespmem:s7+$0x0]  }
0xfd: {  	[tilespmem:s7+$0xFFFFFFA0] =	vst v2;
	v1 =	vmul.f32 $8.000000000e+00, v4;
	v4 =	vld [tilespmem:s7+$0x10]  }
0xfe: {  	v8 =	vld [tilespmem:s7+$0x20];
	v2 =	vmul.f32 $8.000000000e+00, v5;
	[tilespmem:s7+$0xFFFFFFB0] =	vst v0  }
0xff: {  	v5 =	vmul.f32 $8.000000000e+00, v6;
	[tilespmem:s7+$0xFFFFFFC0] =	vst v1;
	v0 =	vld [tilespmem:s7+$0x30]  }
0x100: {  	v6 =	vmul.f32 $8.000000000e+00, v7;
	[tilespmem:s7+$0xFFFFFFD0] =	vst v2;
	v1 =	vld [tilespmem:s7+$0x40]  }
0x101: {  	[tilespmem:s7+$0xFFFFFFE0] =	vst v5;
	v2 =	vld [tilespmem:s7+$0x50];
	v7 =	vmul.f32 $8.000000000e+00, v3  }
0x102: {  	[tilespmem:s7+$0xFFFFFFF0] =	vst v6;
	v3 =	vld [tilespmem:s7+$0x60];
	v5 =	vmul.f32 $8.000000000e+00, v4  }
0x103: {  	s8 =	simm.s32 $0x0;
	s9 =	simm.s32 $0xE580;
	v6 =	vmul.f32 $8.000000000e+00, v8;
	v4 =	vld [tilespmem:s7+$0xFFFFFF80];
	[tilespmem:s7+$0x0] =	vst v7  }
.LBB2_11:
0x104: {  	v7 =	vld [tilespmem:s9+$0x70];
	s8 =	sadd.s32 $0x4, s8;
	[tilespmem:s7+$0x10] =	vst v5;
	v0 =	vmul.f32 $8.000000000e+00, v0  }
0x105: {  	v5 =	vld [tilespmem:s9+$0xFFFFFF90];
	p0 =	slt.u32 s8, $0x7C;
	[tilespmem:s7+$0x20] =	vst v6;
	v1 =	vmul.f32 $8.000000000e+00, v1  }
0x106: {  	v6 =	vld [tilespmem:s9+$0xFFFFFFA0];
	[tilespmem:s7+$0x30] =	vst v0;
	v0 =	vmul.f32 $8.000000000e+00, v2  }
0x107: {  	v2 =	vld [tilespmem:s9+$0xFFFFFFB0];
	[tilespmem:s7+$0x40] =	vst v1;
	v1 =	vmul.f32 $8.000000000e+00, v3  }
0x108: {  	v3 =	vld [tilespmem:s9+$0xFFFFFFC0];
	v4 =	vmul.f32 $8.000000000e+00, v4;
	[tilespmem:s7+$0x50] =	vst v0  }
0x109: {  	v0 =	vld [tilespmem:s9+$0xFFFFFFD0];
	v7 =	vmul.f32 $8.000000000e+00, v7;
	[tilespmem:s7+$0x60] =	vst v1  }
0x10a: {  	v1 =	vmul.f32 $8.000000000e+00, v5;
	v5 =	vld [tilespmem:s9+$0xFFFFFFE0];
	[tilespmem:s7+$0xFFFFFF80] =	vst v4;
	s7 =	smov.u32 s9  }
0x10b: {  	v4 =	vmul.f32 $8.000000000e+00, v6;
	v6 =	vld [tilespmem:s9+$0xFFFFFFF0];
	[tilespmem:s9+$0x70] =	vst v7  }
0x10c: {  	[tilespmem:s9+$0xFFFFFF90] =	vst v1;
	v1 =	vmul.f32 $8.000000000e+00, v2;
	v2 =	vld [tilespmem:s9+$0x0]  }
0x10d: {  	[tilespmem:s9+$0xFFFFFFA0] =	vst v4;
	v3 =	vmul.f32 $8.000000000e+00, v3;
	v4 =	vld [tilespmem:s9+$0x10]  }
0x10e: {  	[tilespmem:s9+$0xFFFFFFB0] =	vst v1;
	v1 =	vmul.f32 $8.000000000e+00, v0;
	v7 =	vld [tilespmem:s9+$0x20]  }
.Ltmp4:
0x10f: {  	[tilespmem:s9+$0xFFFFFFC0] =	vst v3;
	v3 =	vmul.f32 $8.000000000e+00, v5;
	v0 =	vld [tilespmem:s9+$0x30];
	(pc) =	sbr.rel @p0 .LBB2_11-.Ltmp4, $4  }
0x110: {  	[tilespmem:s9+$0xFFFFFFD0] =	vst v1;
	v5 =	vmul.f32 $8.000000000e+00, v6;
	v1 =	vld [tilespmem:s9+$0x40]  }
0x111: {  	[tilespmem:s9+$0xFFFFFFE0] =	vst v3;
	v6 =	vmul.f32 $8.000000000e+00, v2;
	v2 =	vld [tilespmem:s9+$0x50]  }
0x112: {  	[tilespmem:s9+$0xFFFFFFF0] =	vst v5;
	v5 =	vmul.f32 $8.000000000e+00, v4;
	v3 =	vld [tilespmem:s9+$0x60]  }
0x113: {  	s9 =	sadd.s32 $0x100, s9;
	v4 =	vld [tilespmem:s7+$0xFFFFFF80];
	[tilespmem:s7+$0x0] =	vst v6;
	v6 =	vmul.f32 $8.000000000e+00, v7  }
0x114: {  	[tilespmem:s7+$0x10] =	vst v5;
	v0 =	vmul.f32 $8.000000000e+00, v0  }
0x115: {  	[tilespmem:s7+$0x20] =	vst v6;
	v1 =	vmul.f32 $8.000000000e+00, v1  }
0x116: {  	[tilespmem:s7+$0x30] =	vst v0  }
0x117: {  	[tilespmem:s7+$0x40] =	vst v1  }
0x118: {  	v0 =	vmul.f32 $8.000000000e+00, v2;
	s8 =	rddreg [dreg:$0x7]  }
0x119: {  	v1 =	vmul.f32 $8.000000000e+00, v3;
	s8 =	sadd.s32 s5, s8  }
0x11a: {  	v2 =	vmul.f32 $8.000000000e+00, v4;
	[tilespmem:s7+$0x50] =	vst v0;
	s8 =	sshll.u32 s8, $0x3  }
0x11b: {  	[tilespmem:s7+$0x60] =	vst v1;
	s8 =	sand.u32 $0x1FFFF000, s8  }
0x11c: {  	[tilespmem:s7+$0xFFFFFF80] =	vst v2;
	s8 =	sadd.s32 s2, s8  }
0x11d: {  	[hbm4b:s8+s3] =	stream.linear.scatter [tilespmem:s0], [sflag:$0x9], $0x2000, $0x38;
	[tilespmem:$0x16400] =	vst v63  }
0x11e: {  	_ =	swait.ge [sflag:s23], $0x2000  }
0x11f: {  	[sflag:s23] =	ssyncset.done $0x0  }
0x120: {  	s9 =	sadd.s32 $0x600, s21;
	[sflag:s23] =	ssyncadd.s32 $0xFFFFE000  }
0x121: {  	[tilespmem:s0], [sflag:$0x5] =	stream.indirect.gather [hbm4b:s4+s24], $0x40, s9, s24, $0xb8;
	[tilespmem:$0x16400] =	vst v63  }
0x122: {  	_ =	swait.ge [sflag:s18], $0x2000  }
0x123: {  	[sflag:s18] =	ssyncset.done $0x0  }
0x124: {  	s7 =	simm.s32 $0x10480;
	[sflag:s18] =	ssyncadd.s32 $0xFFFFE000  }
0x125: {  	v0 =	vld [tilespmem:s7+$0x70]  }
0x126: {  	v1 =	vld [tilespmem:s7+$0xFFFFFF90]  }
0x127: {  	v2 =	vld [tilespmem:s7+$0xFFFFFFA0]  }
0x128: {  	v3 =	vld [tilespmem:s7+$0xFFFFFFB0]  }
0x129: {  	v4 =	vld [tilespmem:s7+$0xFFFFFFC0]  }
0x12a: {  	v5 =	vld [tilespmem:s7+$0xFFFFFFD0];
	v0 =	vmul.f32 $8.000000000e+00, v0  }
0x12b: {  	v6 =	vld [tilespmem:s7+$0xFFFFFFE0];
	v1 =	vmul.f32 $8.000000000e+00, v1  }
0x12c: {  	v7 =	vld [tilespmem:s7+$0xFFFFFFF0];
	v2 =	vmul.f32 $8.000000000e+00, v2;
	[tilespmem:s7+$0x70] =	vst v0  }
0x12d: {  	[tilespmem:s7+$0xFFFFFF90] =	vst v1;
	v0 =	vmul.f32 $8.000000000e+00, v3;
	v3 =	vld [tilespmem:s7+$0x0]  }
0x12e: {  	[tilespmem:s7+$0xFFFFFFA0] =	vst v2;
	v1 =	vmul.f32 $8.000000000e+00, v4;
	v4 =	vld [tilespmem:s7+$0x10]  }
0x12f: {  	v8 =	vld [tilespmem:s7+$0x20];
	v2 =	vmul.f32 $8.000000000e+00, v5;
	[tilespmem:s7+$0xFFFFFFB0] =	vst v0  }
0x130: {  	v5 =	vmul.f32 $8.000000000e+00, v6;
	[tilespmem:s7+$0xFFFFFFC0] =	vst v1;
	v0 =	vld [tilespmem:s7+$0x30]  }
0x131: {  	v6 =	vmul.f32 $8.000000000e+00, v7;
	[tilespmem:s7+$0xFFFFFFD0] =	vst v2;
	v1 =	vld [tilespmem:s7+$0x40]  }
0x132: {  	[tilespmem:s7+$0xFFFFFFE0] =	vst v5;
	v2 =	vld [tilespmem:s7+$0x50];
	v7 =	vmul.f32 $8.000000000e+00, v3  }
0x133: {  	[tilespmem:s7+$0xFFFFFFF0] =	vst v6;
	v3 =	vld [tilespmem:s7+$0x60];
	v5 =	vmul.f32 $8.000000000e+00, v4  }
0x134: {  	s8 =	simm.s32 $0x0;
	s9 =	simm.s32 $0x10580;
	v6 =	vmul.f32 $8.000000000e+00, v8;
	v4 =	vld [tilespmem:s7+$0xFFFFFF80];
	[tilespmem:s7+$0x0] =	vst v7  }
.LBB2_13:
0x135: {  	v7 =	vld [tilespmem:s9+$0x70];
	s8 =	sadd.s32 $0x4, s8;
	[tilespmem:s7+$0x10] =	vst v5;
	v0 =	vmul.f32 $8.000000000e+00, v0  }
0x136: {  	v5 =	vld [tilespmem:s9+$0xFFFFFF90];
	p0 =	slt.u32 s8, $0x7C;
	[tilespmem:s7+$0x20] =	vst v6;
	v1 =	vmul.f32 $8.000000000e+00, v1  }
0x137: {  	v6 =	vld [tilespmem:s9+$0xFFFFFFA0];
	[tilespmem:s7+$0x30] =	vst v0;
	v0 =	vmul.f32 $8.000000000e+00, v2  }
0x138: {  	v2 =	vld [tilespmem:s9+$0xFFFFFFB0];
	[tilespmem:s7+$0x40] =	vst v1;
	v1 =	vmul.f32 $8.000000000e+00, v3  }
0x139: {  	v3 =	vld [tilespmem:s9+$0xFFFFFFC0];
	v4 =	vmul.f32 $8.000000000e+00, v4;
	[tilespmem:s7+$0x50] =	vst v0  }
0x13a: {  	v0 =	vld [tilespmem:s9+$0xFFFFFFD0];
	v7 =	vmul.f32 $8.000000000e+00, v7;
	[tilespmem:s7+$0x60] =	vst v1  }
0x13b: {  	v1 =	vmul.f32 $8.000000000e+00, v5;
	v5 =	vld [tilespmem:s9+$0xFFFFFFE0];
	[tilespmem:s7+$0xFFFFFF80] =	vst v4;
	s7 =	smov.u32 s9  }
0x13c: {  	v4 =	vmul.f32 $8.000000000e+00, v6;
	v6 =	vld [tilespmem:s9+$0xFFFFFFF0];
	[tilespmem:s9+$0x70] =	vst v7  }
0x13d: {  	[tilespmem:s9+$0xFFFFFF90] =	vst v1;
	v1 =	vmul.f32 $8.000000000e+00, v2;
	v2 =	vld [tilespmem:s9+$0x0]  }
0x13e: {  	[tilespmem:s9+$0xFFFFFFA0] =	vst v4;
	v3 =	vmul.f32 $8.000000000e+00, v3;
	v4 =	vld [tilespmem:s9+$0x10]  }
0x13f: {  	[tilespmem:s9+$0xFFFFFFB0] =	vst v1;
	v1 =	vmul.f32 $8.000000000e+00, v0;
	v7 =	vld [tilespmem:s9+$0x20]  }
.Ltmp5:
0x140: {  	[tilespmem:s9+$0xFFFFFFC0] =	vst v3;
	v3 =	vmul.f32 $8.000000000e+00, v5;
	v0 =	vld [tilespmem:s9+$0x30];
	(pc) =	sbr.rel @p0 .LBB2_13-.Ltmp5, $4  }
0x141: {  	[tilespmem:s9+$0xFFFFFFD0] =	vst v1;
	v5 =	vmul.f32 $8.000000000e+00, v6;
	v1 =	vld [tilespmem:s9+$0x40]  }
0x142: {  	[tilespmem:s9+$0xFFFFFFE0] =	vst v3;
	v6 =	vmul.f32 $8.000000000e+00, v2;
	v2 =	vld [tilespmem:s9+$0x50]  }
0x143: {  	[tilespmem:s9+$0xFFFFFFF0] =	vst v5;
	v5 =	vmul.f32 $8.000000000e+00, v4;
	v3 =	vld [tilespmem:s9+$0x60]  }
0x144: {  	s9 =	sadd.s32 $0x100, s9;
	v4 =	vld [tilespmem:s7+$0xFFFFFF80];
	[tilespmem:s7+$0x0] =	vst v6;
	v6 =	vmul.f32 $8.000000000e+00, v7  }
0x145: {  	[tilespmem:s7+$0x10] =	vst v5;
	v0 =	vmul.f32 $8.000000000e+00, v0  }
0x146: {  	[tilespmem:s7+$0x20] =	vst v6;
	v1 =	vmul.f32 $8.000000000e+00, v1  }
0x147: {  	[tilespmem:s7+$0x30] =	vst v0;
	v0 =	vmul.f32 $8.000000000e+00, v2  }
0x148: {  	s8 =	sadd.s32 s5, s11;
	[tilespmem:s7+$0x40] =	vst v1;
	v1 =	vmul.f32 $8.000000000e+00, v3  }
0x149: {  	s8 =	sshll.u32 s8, $0x3;
	v2 =	vmul.f32 $8.000000000e+00, v4;
	[tilespmem:s7+$0x50] =	vst v0  }
0x14a: {  	s8 =	sand.u32 $0x1FFFF400, s8;
	[tilespmem:s7+$0x60] =	vst v1  }
0x14b: {  	s8 =	sadd.s32 s2, s8;
	[tilespmem:s7+$0xFFFFFF80] =	vst v2  }
0x14c: {  	[hbm4b:s8+s3] =	stream.linear.scatter [tilespmem:s30], [sflag:$0x9], $0x2000, $0x38;
	[tilespmem:$0x16400] =	vst v63  }
0x14d: {  	_ =	swait.ge [sflag:s23], $0x2000  }
0x14e: {  	[sflag:s23] =	ssyncset.done $0x0  }
0x14f: {  	s9 =	sadd.s32 $0x680, s21;
	[sflag:s23] =	ssyncadd.s32 $0xFFFFE000  }
0x150: {  	[tilespmem:s30], [sflag:$0x6] =	stream.indirect.gather [hbm4b:s4+s24], $0x40, s9, s24, $0xb8;
	[tilespmem:$0x16400] =	vst v63  }
0x151: {  	_ =	swait.ge [sflag:s19], $0x2000  }
0x152: {  	[sflag:s19] =	ssyncset.done $0x0  }
0x153: {  	s7 =	simm.s32 $0x12480;
	[sflag:s19] =	ssyncadd.s32 $0xFFFFE000  }
0x154: {  	v0 =	vld [tilespmem:s7+$0x70]  }
0x155: {  	v1 =	vld [tilespmem:s7+$0xFFFFFF90]  }
0x156: {  	v2 =	vld [tilespmem:s7+$0xFFFFFFA0]  }
0x157: {  	v3 =	vld [tilespmem:s7+$0xFFFFFFB0]  }
0x158: {  	v4 =	vld [tilespmem:s7+$0xFFFFFFC0]  }
0x159: {  	v5 =	vld [tilespmem:s7+$0xFFFFFFD0];
	v0 =	vmul.f32 $8.000000000e+00, v0  }
0x15a: {  	v6 =	vld [tilespmem:s7+$0xFFFFFFE0];
	v1 =	vmul.f32 $8.000000000e+00, v1  }
0x15b: {  	v7 =	vld [tilespmem:s7+$0xFFFFFFF0];
	v2 =	vmul.f32 $8.000000000e+00, v2;
	[tilespmem:s7+$0x70] =	vst v0  }
0x15c: {  	[tilespmem:s7+$0xFFFFFF90] =	vst v1;
	v0 =	vmul.f32 $8.000000000e+00, v3;
	v3 =	vld [tilespmem:s7+$0x0]  }
0x15d: {  	[tilespmem:s7+$0xFFFFFFA0] =	vst v2;
	v1 =	vmul.f32 $8.000000000e+00, v4;
	v4 =	vld [tilespmem:s7+$0x10]  }
0x15e: {  	v8 =	vld [tilespmem:s7+$0x20];
	v2 =	vmul.f32 $8.000000000e+00, v5;
	[tilespmem:s7+$0xFFFFFFB0] =	vst v0  }
0x15f: {  	v5 =	vmul.f32 $8.000000000e+00, v6;
	[tilespmem:s7+$0xFFFFFFC0] =	vst v1;
	v0 =	vld [tilespmem:s7+$0x30]  }
0x160: {  	v6 =	vmul.f32 $8.000000000e+00, v7;
	[tilespmem:s7+$0xFFFFFFD0] =	vst v2;
	v1 =	vld [tilespmem:s7+$0x40]  }
0x161: {  	[tilespmem:s7+$0xFFFFFFE0] =	vst v5;
	v2 =	vld [tilespmem:s7+$0x50];
	v7 =	vmul.f32 $8.000000000e+00, v3  }
0x162: {  	[tilespmem:s7+$0xFFFFFFF0] =	vst v6;
	v3 =	vld [tilespmem:s7+$0x60];
	v5 =	vmul.f32 $8.000000000e+00, v4  }
0x163: {  	s8 =	simm.s32 $0x0;
	s9 =	simm.s32 $0x12580;
	v6 =	vmul.f32 $8.000000000e+00, v8;
	v4 =	vld [tilespmem:s7+$0xFFFFFF80];
	[tilespmem:s7+$0x0] =	vst v7  }
.LBB2_15:
0x164: {  	v7 =	vld [tilespmem:s9+$0x70];
	s8 =	sadd.s32 $0x4, s8;
	[tilespmem:s7+$0x10] =	vst v5;
	v0 =	vmul.f32 $8.000000000e+00, v0  }
0x165: {  	v5 =	vld [tilespmem:s9+$0xFFFFFF90];
	p0 =	slt.u32 s8, $0x7C;
	[tilespmem:s7+$0x20] =	vst v6;
	v1 =	vmul.f32 $8.000000000e+00, v1  }
0x166: {  	v6 =	vld [tilespmem:s9+$0xFFFFFFA0];
	[tilespmem:s7+$0x30] =	vst v0;
	v0 =	vmul.f32 $8.000000000e+00, v2  }
0x167: {  	v2 =	vld [tilespmem:s9+$0xFFFFFFB0];
	[tilespmem:s7+$0x40] =	vst v1;
	v1 =	vmul.f32 $8.000000000e+00, v3  }
0x168: {  	v3 =	vld [tilespmem:s9+$0xFFFFFFC0];
	v4 =	vmul.f32 $8.000000000e+00, v4;
	[tilespmem:s7+$0x50] =	vst v0  }
0x169: {  	v0 =	vld [tilespmem:s9+$0xFFFFFFD0];
	v7 =	vmul.f32 $8.000000000e+00, v7;
	[tilespmem:s7+$0x60] =	vst v1  }
0x16a: {  	v1 =	vmul.f32 $8.000000000e+00, v5;
	v5 =	vld [tilespmem:s9+$0xFFFFFFE0];
	[tilespmem:s7+$0xFFFFFF80] =	vst v4;
	s7 =	smov.u32 s9  }
0x16b: {  	v4 =	vmul.f32 $8.000000000e+00, v6;
	v6 =	vld [tilespmem:s9+$0xFFFFFFF0];
	[tilespmem:s9+$0x70] =	vst v7  }
0x16c: {  	[tilespmem:s9+$0xFFFFFF90] =	vst v1;
	v1 =	vmul.f32 $8.000000000e+00, v2;
	v2 =	vld [tilespmem:s9+$0x0]  }
0x16d: {  	[tilespmem:s9+$0xFFFFFFA0] =	vst v4;
	v3 =	vmul.f32 $8.000000000e+00, v3;
	v4 =	vld [tilespmem:s9+$0x10]  }
0x16e: {  	[tilespmem:s9+$0xFFFFFFB0] =	vst v1;
	v1 =	vmul.f32 $8.000000000e+00, v0;
	v7 =	vld [tilespmem:s9+$0x20]  }
.Ltmp6:
0x16f: {  	[tilespmem:s9+$0xFFFFFFC0] =	vst v3;
	v3 =	vmul.f32 $8.000000000e+00, v5;
	v0 =	vld [tilespmem:s9+$0x30];
	(pc) =	sbr.rel @p0 .LBB2_15-.Ltmp6, $4  }
0x170: {  	[tilespmem:s9+$0xFFFFFFD0] =	vst v1;
	v5 =	vmul.f32 $8.000000000e+00, v6;
	v1 =	vld [tilespmem:s9+$0x40]  }
0x171: {  	[tilespmem:s9+$0xFFFFFFE0] =	vst v3;
	v6 =	vmul.f32 $8.000000000e+00, v2;
	v2 =	vld [tilespmem:s9+$0x50]  }
0x172: {  	[tilespmem:s9+$0xFFFFFFF0] =	vst v5;
	v5 =	vmul.f32 $8.000000000e+00, v4;
	v3 =	vld [tilespmem:s9+$0x60]  }
0x173: {  	s9 =	sadd.s32 $0x100, s9;
	v4 =	vld [tilespmem:s7+$0xFFFFFF80];
	[tilespmem:s7+$0x0] =	vst v6;
	v6 =	vmul.f32 $8.000000000e+00, v7  }
0x174: {  	[tilespmem:s7+$0x10] =	vst v5;
	v0 =	vmul.f32 $8.000000000e+00, v0  }
0x175: {  	[tilespmem:s7+$0x20] =	vst v6;
	v1 =	vmul.f32 $8.000000000e+00, v1  }
0x176: {  	[tilespmem:s7+$0x30] =	vst v0;
	v0 =	vmul.f32 $8.000000000e+00, v2  }
0x177: {  	s8 =	sadd.s32 s5, s12;
	[tilespmem:s7+$0x40] =	vst v1;
	v1 =	vmul.f32 $8.000000000e+00, v3  }
0x178: {  	s8 =	sshll.u32 s8, $0x3;
	v2 =	vmul.f32 $8.000000000e+00, v4;
	[tilespmem:s7+$0x50] =	vst v0  }
0x179: {  	s8 =	sand.u32 $0x1FFFF800, s8;
	[tilespmem:s7+$0x60] =	vst v1  }
0x17a: {  	s8 =	sadd.s32 s2, s8;
	[tilespmem:s7+$0xFFFFFF80] =	vst v2  }
0x17b: {  	[hbm4b:s8+s3] =	stream.linear.scatter [tilespmem:s28], [sflag:$0x9], $0x2000, $0x38;
	[tilespmem:$0x16400] =	vst v63  }
0x17c: {  	_ =	swait.ge [sflag:s23], $0x2000  }
0x17d: {  	[sflag:s23] =	ssyncset.done $0x0  }
0x17e: {  	s9 =	sadd.s32 $0x700, s21;
	[sflag:s23] =	ssyncadd.s32 $0xFFFFE000  }
0x17f: {  	[tilespmem:s28], [sflag:$0x7] =	stream.indirect.gather [hbm4b:s4+s24], $0x40, s9, s24, $0xb8;
	[tilespmem:$0x16400] =	vst v63  }
0x180: {  	_ =	swait.ge [sflag:s20], $0x2000  }
0x181: {  	[sflag:s20] =	ssyncset.done $0x0  }
0x182: {  	s7 =	simm.s32 $0x14480;
	[sflag:s20] =	ssyncadd.s32 $0xFFFFE000  }
0x183: {  	v0 =	vld [tilespmem:s7+$0x70]  }
0x184: {  	v1 =	vld [tilespmem:s7+$0xFFFFFF90]  }
0x185: {  	v2 =	vld [tilespmem:s7+$0xFFFFFFA0]  }
0x186: {  	v3 =	vld [tilespmem:s7+$0xFFFFFFB0]  }
0x187: {  	v4 =	vld [tilespmem:s7+$0xFFFFFFC0]  }
0x188: {  	v5 =	vld [tilespmem:s7+$0xFFFFFFD0];
	v0 =	vmul.f32 $8.000000000e+00, v0  }
0x189: {  	v6 =	vld [tilespmem:s7+$0xFFFFFFE0];
	v1 =	vmul.f32 $8.000000000e+00, v1  }
0x18a: {  	v7 =	vld [tilespmem:s7+$0xFFFFFFF0];
	v2 =	vmul.f32 $8.000000000e+00, v2;
	[tilespmem:s7+$0x70] =	vst v0  }
0x18b: {  	[tilespmem:s7+$0xFFFFFF90] =	vst v1;
	v0 =	vmul.f32 $8.000000000e+00, v3;
	v3 =	vld [tilespmem:s7+$0x0]  }
0x18c: {  	[tilespmem:s7+$0xFFFFFFA0] =	vst v2;
	v1 =	vmul.f32 $8.000000000e+00, v4;
	v4 =	vld [tilespmem:s7+$0x10]  }
0x18d: {  	v8 =	vld [tilespmem:s7+$0x20];
	v2 =	vmul.f32 $8.000000000e+00, v5;
	[tilespmem:s7+$0xFFFFFFB0] =	vst v0  }
0x18e: {  	v5 =	vmul.f32 $8.000000000e+00, v6;
	[tilespmem:s7+$0xFFFFFFC0] =	vst v1;
	v0 =	vld [tilespmem:s7+$0x30]  }
0x18f: {  	v6 =	vmul.f32 $8.000000000e+00, v7;
	[tilespmem:s7+$0xFFFFFFD0] =	vst v2;
	v1 =	vld [tilespmem:s7+$0x40]  }
0x190: {  	[tilespmem:s7+$0xFFFFFFE0] =	vst v5;
	v2 =	vld [tilespmem:s7+$0x50];
	v7 =	vmul.f32 $8.000000000e+00, v3  }
0x191: {  	[tilespmem:s7+$0xFFFFFFF0] =	vst v6;
	v3 =	vld [tilespmem:s7+$0x60];
	v5 =	vmul.f32 $8.000000000e+00, v4  }
0x192: {  	s8 =	simm.s32 $0x0;
	s9 =	simm.s32 $0x14580;
	v6 =	vmul.f32 $8.000000000e+00, v8;
	v4 =	vld [tilespmem:s7+$0xFFFFFF80];
	[tilespmem:s7+$0x0] =	vst v7  }
.LBB2_17:
0x193: {  	v7 =	vld [tilespmem:s9+$0x70];
	s8 =	sadd.s32 $0x4, s8;
	[tilespmem:s7+$0x10] =	vst v5;
	v0 =	vmul.f32 $8.000000000e+00, v0  }
0x194: {  	v5 =	vld [tilespmem:s9+$0xFFFFFF90];
	p0 =	slt.u32 s8, $0x7C;
	[tilespmem:s7+$0x20] =	vst v6;
	v1 =	vmul.f32 $8.000000000e+00, v1  }
0x195: {  	v6 =	vld [tilespmem:s9+$0xFFFFFFA0];
	[tilespmem:s7+$0x30] =	vst v0;
	v0 =	vmul.f32 $8.000000000e+00, v2  }
0x196: {  	v2 =	vld [tilespmem:s9+$0xFFFFFFB0];
	[tilespmem:s7+$0x40] =	vst v1;
	v1 =	vmul.f32 $8.000000000e+00, v3  }
0x197: {  	v3 =	vld [tilespmem:s9+$0xFFFFFFC0];
	v4 =	vmul.f32 $8.000000000e+00, v4;
	[tilespmem:s7+$0x50] =	vst v0  }
0x198: {  	v0 =	vld [tilespmem:s9+$0xFFFFFFD0];
	v7 =	vmul.f32 $8.000000000e+00, v7;
	[tilespmem:s7+$0x60] =	vst v1  }
0x199: {  	v1 =	vmul.f32 $8.000000000e+00, v5;
	v5 =	vld [tilespmem:s9+$0xFFFFFFE0];
	[tilespmem:s7+$0xFFFFFF80] =	vst v4;
	s7 =	smov.u32 s9  }
0x19a: {  	v4 =	vmul.f32 $8.000000000e+00, v6;
	v6 =	vld [tilespmem:s9+$0xFFFFFFF0];
	[tilespmem:s9+$0x70] =	vst v7  }
0x19b: {  	[tilespmem:s9+$0xFFFFFF90] =	vst v1;
	v1 =	vmul.f32 $8.000000000e+00, v2;
	v2 =	vld [tilespmem:s9+$0x0]  }
0x19c: {  	[tilespmem:s9+$0xFFFFFFA0] =	vst v4;
	v3 =	vmul.f32 $8.000000000e+00, v3;
	v4 =	vld [tilespmem:s9+$0x10]  }
0x19d: {  	[tilespmem:s9+$0xFFFFFFB0] =	vst v1;
	v1 =	vmul.f32 $8.000000000e+00, v0;
	v7 =	vld [tilespmem:s9+$0x20]  }
.Ltmp7:
0x19e: {  	[tilespmem:s9+$0xFFFFFFC0] =	vst v3;
	v3 =	vmul.f32 $8.000000000e+00, v5;
	v0 =	vld [tilespmem:s9+$0x30];
	(pc) =	sbr.rel @p0 .LBB2_17-.Ltmp7, $4  }
0x19f: {  	[tilespmem:s9+$0xFFFFFFD0] =	vst v1;
	v5 =	vmul.f32 $8.000000000e+00, v6;
	v1 =	vld [tilespmem:s9+$0x40]  }
0x1a0: {  	[tilespmem:s9+$0xFFFFFFE0] =	vst v3;
	v6 =	vmul.f32 $8.000000000e+00, v2;
	v2 =	vld [tilespmem:s9+$0x50]  }
0x1a1: {  	[tilespmem:s9+$0xFFFFFFF0] =	vst v5;
	v5 =	vmul.f32 $8.000000000e+00, v4;
	v3 =	vld [tilespmem:s9+$0x60]  }
0x1a2: {  	s9 =	sadd.s32 $0x100, s9;
	v4 =	vld [tilespmem:s7+$0xFFFFFF80];
	[tilespmem:s7+$0x0] =	vst v6;
	v6 =	vmul.f32 $8.000000000e+00, v7  }
0x1a3: {  	[tilespmem:s7+$0x10] =	vst v5;
	v0 =	vmul.f32 $8.000000000e+00, v0  }
0x1a4: {  	[tilespmem:s7+$0x20] =	vst v6;
	v1 =	vmul.f32 $8.000000000e+00, v1  }
0x1a5: {  	[tilespmem:s7+$0x30] =	vst v0;
	v61 =	vmul.f32 $8.000000000e+00, v2  }
0x1a6: {  	s5 =	sadd.s32 s5, s13;
	[tilespmem:s7+$0x40] =	vst v1;
	v62 =	vmul.f32 $8.000000000e+00, v3  }
0x1a7: {  	s5 =	sshll.u32 s5, $0x3;
	v63 =	vmul.f32 $8.000000000e+00, v4;
	[tilespmem:s7+$0x50] =	vst v61  }
0x1a8: {  	s22 =	sadd.s32 $0x1, s22;
	s5 =	sand.u32 $0x1FFFFC00, s5;
	[tilespmem:s7+$0x60] =	vst v62  }
0x1a9: {  	p0 =	sne.s32 s22, $0x18;
	s5 =	sadd.s32 s2, s5;
	[tilespmem:s7+$0xFFFFFF80] =	vst v63  }
0x1aa: {  	[hbm4b:s5+s3] =	stream.linear.scatter [tilespmem:s1], [sflag:$0x9], $0x2000, $0x38;
	[tilespmem:$0x16400] =	vst v63  }
.Ltmp8:
0x1ab: {  	_ = 	snop;
	(pc) =	sbr.rel @p0 .LBB2_2-.Ltmp8, $4  }
0x1ac: {  	_ =	swait.ge [sflag:s23], $0x2000  }
0x1ad: {  	[sflag:s23] =	ssyncset.done $0x0  }
0x1ae: {  	s21 =	sadd.s32 $0x780, s21;
	[sflag:s23] =	ssyncadd.s32 $0xFFFFE000  }
0x1af: {  	[tilespmem:s1], [sflag:$0x8] =	stream.indirect.gather [hbm4b:s4+s24], $0x40, s21, s24, $0xb8;
	[tilespmem:$0x16400] =	vst v63  }
0x1b0: {  	_ =	swait.ge [sflag:s6], $0x2000  }
0x1b1: {  	[sflag:s6] =	ssyncset.done $0x0  }
0x1b2: {  	s5 =	simm.s32 $0x6480;
	[sflag:s6] =	ssyncadd.s32 $0xFFFFE000  }
0x1b3: {  	v0 =	vld [tilespmem:s5+$0x70]  }
0x1b4: {  	v1 =	vld [tilespmem:s5+$0xFFFFFF90]  }
0x1b5: {  	v2 =	vld [tilespmem:s5+$0xFFFFFFA0]  }
0x1b6: {  	v3 =	vld [tilespmem:s5+$0xFFFFFFB0]  }
0x1b7: {  	v4 =	vld [tilespmem:s5+$0xFFFFFFC0]  }
0x1b8: {  	v5 =	vld [tilespmem:s5+$0xFFFFFFD0];
	v0 =	vmul.f32 $8.000000000e+00, v0  }
0x1b9: {  	v6 =	vld [tilespmem:s5+$0xFFFFFFE0];
	v1 =	vmul.f32 $8.000000000e+00, v1  }
0x1ba: {  	v7 =	vld [tilespmem:s5+$0xFFFFFFF0];
	v2 =	vmul.f32 $8.000000000e+00, v2;
	[tilespmem:s5+$0x70] =	vst v0  }
0x1bb: {  	[tilespmem:s5+$0xFFFFFF90] =	vst v1;
	v0 =	vmul.f32 $8.000000000e+00, v3;
	v3 =	vld [tilespmem:s5+$0x0]  }
0x1bc: {  	[tilespmem:s5+$0xFFFFFFA0] =	vst v2;
	v1 =	vmul.f32 $8.000000000e+00, v4;
	v4 =	vld [tilespmem:s5+$0x10]  }
0x1bd: {  	v8 =	vld [tilespmem:s5+$0x20];
	v2 =	vmul.f32 $8.000000000e+00, v5;
	[tilespmem:s5+$0xFFFFFFB0] =	vst v0  }
0x1be: {  	v5 =	vmul.f32 $8.000000000e+00, v6;
	[tilespmem:s5+$0xFFFFFFC0] =	vst v1;
	v0 =	vld [tilespmem:s5+$0x30]  }
0x1bf: {  	v6 =	vmul.f32 $8.000000000e+00, v7;
	[tilespmem:s5+$0xFFFFFFD0] =	vst v2;
	v1 =	vld [tilespmem:s5+$0x40]  }
0x1c0: {  	[tilespmem:s5+$0xFFFFFFE0] =	vst v5;
	v2 =	vld [tilespmem:s5+$0x50];
	v7 =	vmul.f32 $8.000000000e+00, v3  }
0x1c1: {  	[tilespmem:s5+$0xFFFFFFF0] =	vst v6;
	v3 =	vld [tilespmem:s5+$0x60];
	v5 =	vmul.f32 $8.000000000e+00, v4  }
0x1c2: {  	s7 =	simm.s32 $0x0;
	s8 =	simm.s32 $0x6580;
	v6 =	vmul.f32 $8.000000000e+00, v8;
	v4 =	vld [tilespmem:s5+$0xFFFFFF80];
	[tilespmem:s5+$0x0] =	vst v7  }
.LBB2_20:
0x1c3: {  	v7 =	vld [tilespmem:s8+$0x70];
	s7 =	sadd.s32 $0x4, s7;
	[tilespmem:s5+$0x10] =	vst v5;
	v0 =	vmul.f32 $8.000000000e+00, v0  }
0x1c4: {  	v5 =	vld [tilespmem:s8+$0xFFFFFF90];
	p0 =	slt.u32 s7, $0x7C;
	[tilespmem:s5+$0x20] =	vst v6;
	v1 =	vmul.f32 $8.000000000e+00, v1  }
0x1c5: {  	v6 =	vld [tilespmem:s8+$0xFFFFFFA0];
	[tilespmem:s5+$0x30] =	vst v0;
	v0 =	vmul.f32 $8.000000000e+00, v2  }
0x1c6: {  	v2 =	vld [tilespmem:s8+$0xFFFFFFB0];
	[tilespmem:s5+$0x40] =	vst v1;
	v1 =	vmul.f32 $8.000000000e+00, v3  }
0x1c7: {  	v3 =	vld [tilespmem:s8+$0xFFFFFFC0];
	v4 =	vmul.f32 $8.000000000e+00, v4;
	[tilespmem:s5+$0x50] =	vst v0  }
0x1c8: {  	v0 =	vld [tilespmem:s8+$0xFFFFFFD0];
	v7 =	vmul.f32 $8.000000000e+00, v7;
	[tilespmem:s5+$0x60] =	vst v1  }
0x1c9: {  	v1 =	vmul.f32 $8.000000000e+00, v5;
	v5 =	vld [tilespmem:s8+$0xFFFFFFE0];
	[tilespmem:s5+$0xFFFFFF80] =	vst v4;
	s5 =	smov.u32 s8  }
0x1ca: {  	v4 =	vmul.f32 $8.000000000e+00, v6;
	v6 =	vld [tilespmem:s8+$0xFFFFFFF0];
	[tilespmem:s8+$0x70] =	vst v7  }
0x1cb: {  	[tilespmem:s8+$0xFFFFFF90] =	vst v1;
	v1 =	vmul.f32 $8.000000000e+00, v2;
	v2 =	vld [tilespmem:s8+$0x0]  }
0x1cc: {  	[tilespmem:s8+$0xFFFFFFA0] =	vst v4;
	v3 =	vmul.f32 $8.000000000e+00, v3;
	v4 =	vld [tilespmem:s8+$0x10]  }
0x1cd: {  	[tilespmem:s8+$0xFFFFFFB0] =	vst v1;
	v1 =	vmul.f32 $8.000000000e+00, v0;
	v7 =	vld [tilespmem:s8+$0x20]  }
.Ltmp9:
0x1ce: {  	[tilespmem:s8+$0xFFFFFFC0] =	vst v3;
	v3 =	vmul.f32 $8.000000000e+00, v5;
	v0 =	vld [tilespmem:s8+$0x30];
	(pc) =	sbr.rel @p0 .LBB2_20-.Ltmp9, $4  }
0x1cf: {  	[tilespmem:s8+$0xFFFFFFD0] =	vst v1;
	v5 =	vmul.f32 $8.000000000e+00, v6;
	v1 =	vld [tilespmem:s8+$0x40]  }
0x1d0: {  	[tilespmem:s8+$0xFFFFFFE0] =	vst v3;
	v6 =	vmul.f32 $8.000000000e+00, v2;
	v2 =	vld [tilespmem:s8+$0x50]  }
0x1d1: {  	[tilespmem:s8+$0xFFFFFFF0] =	vst v5;
	v5 =	vmul.f32 $8.000000000e+00, v4;
	v3 =	vld [tilespmem:s8+$0x60]  }
0x1d2: {  	s8 =	sadd.s32 $0x100, s8;
	v4 =	vld [tilespmem:s5+$0xFFFFFF80];
	[tilespmem:s5+$0x0] =	vst v6;
	v6 =	vmul.f32 $8.000000000e+00, v7  }
0x1d3: {  	[tilespmem:s5+$0x10] =	vst v5;
	v0 =	vmul.f32 $8.000000000e+00, v0  }
0x1d4: {  	[tilespmem:s5+$0x20] =	vst v6;
	v1 =	vmul.f32 $8.000000000e+00, v1  }
0x1d5: {  	[tilespmem:s5+$0x30] =	vst v0;
	v0 =	vmul.f32 $8.000000000e+00, v2  }
0x1d6: {  	[tilespmem:s5+$0x40] =	vst v1;
	v1 =	vmul.f32 $8.000000000e+00, v3  }
0x1d7: {  	v2 =	vmul.f32 $8.000000000e+00, v4;
	[tilespmem:s5+$0x50] =	vst v0  }
0x1d8: {  	[tilespmem:s5+$0x60] =	vst v1  }
0x1d9: {  	[tilespmem:s5+$0xFFFFFF80] =	vst v2  }
0x1da: {  	s5 =	rddreg [dreg:$0x8]  }
0x1db: {  	[hbm4b:s5+s3] =	stream.linear.scatter [tilespmem:s25], [sflag:$0x9], $0x2000, $0x38;
	[tilespmem:$0x16400] =	vst v63  }
0x1dc: {  	_ =	swait.ge [sflag:s23], $0x2000  }
0x1dd: {  	[sflag:s23] =	ssyncset.done $0x0  }
0x1de: {  	[sflag:s23] =	ssyncadd.s32 $0xFFFFE000  }
0x1df: {  	_ =	swait.ge [sflag:s14], $0x2000  }
0x1e0: {  	[sflag:s14] =	ssyncset.done $0x0  }
0x1e1: {  	s5 =	simm.s32 $0x8480;
	[sflag:s14] =	ssyncadd.s32 $0xFFFFE000  }
0x1e2: {  	v0 =	vld [tilespmem:s5+$0x70]  }
0x1e3: {  	v1 =	vld [tilespmem:s5+$0xFFFFFF90]  }
0x1e4: {  	v2 =	vld [tilespmem:s5+$0xFFFFFFA0]  }
0x1e5: {  	v3 =	vld [tilespmem:s5+$0xFFFFFFB0]  }
0x1e6: {  	v4 =	vld [tilespmem:s5+$0xFFFFFFC0]  }
0x1e7: {  	v5 =	vld [tilespmem:s5+$0xFFFFFFD0];
	v0 =	vmul.f32 $8.000000000e+00, v0  }
0x1e8: {  	v6 =	vld [tilespmem:s5+$0xFFFFFFE0];
	v1 =	vmul.f32 $8.000000000e+00, v1  }
0x1e9: {  	v7 =	vld [tilespmem:s5+$0xFFFFFFF0];
	v2 =	vmul.f32 $8.000000000e+00, v2;
	[tilespmem:s5+$0x70] =	vst v0  }
0x1ea: {  	[tilespmem:s5+$0xFFFFFF90] =	vst v1;
	v0 =	vmul.f32 $8.000000000e+00, v3;
	v3 =	vld [tilespmem:s5+$0x0]  }
0x1eb: {  	[tilespmem:s5+$0xFFFFFFA0] =	vst v2;
	v1 =	vmul.f32 $8.000000000e+00, v4;
	v4 =	vld [tilespmem:s5+$0x10]  }
0x1ec: {  	v8 =	vld [tilespmem:s5+$0x20];
	v2 =	vmul.f32 $8.000000000e+00, v5;
	[tilespmem:s5+$0xFFFFFFB0] =	vst v0  }
0x1ed: {  	v5 =	vmul.f32 $8.000000000e+00, v6;
	[tilespmem:s5+$0xFFFFFFC0] =	vst v1;
	v0 =	vld [tilespmem:s5+$0x30]  }
0x1ee: {  	v6 =	vmul.f32 $8.000000000e+00, v7;
	[tilespmem:s5+$0xFFFFFFD0] =	vst v2;
	v1 =	vld [tilespmem:s5+$0x40]  }
0x1ef: {  	[tilespmem:s5+$0xFFFFFFE0] =	vst v5;
	v2 =	vld [tilespmem:s5+$0x50];
	v7 =	vmul.f32 $8.000000000e+00, v3  }
0x1f0: {  	[tilespmem:s5+$0xFFFFFFF0] =	vst v6;
	v3 =	vld [tilespmem:s5+$0x60];
	v5 =	vmul.f32 $8.000000000e+00, v4  }
0x1f1: {  	s7 =	simm.s32 $0x0;
	s8 =	simm.s32 $0x8580;
	v6 =	vmul.f32 $8.000000000e+00, v8;
	v4 =	vld [tilespmem:s5+$0xFFFFFF80];
	[tilespmem:s5+$0x0] =	vst v7  }
.LBB2_22:
0x1f2: {  	v7 =	vld [tilespmem:s8+$0x70];
	s7 =	sadd.s32 $0x4, s7;
	[tilespmem:s5+$0x10] =	vst v5;
	v0 =	vmul.f32 $8.000000000e+00, v0  }
0x1f3: {  	v5 =	vld [tilespmem:s8+$0xFFFFFF90];
	p0 =	slt.u32 s7, $0x7C;
	[tilespmem:s5+$0x20] =	vst v6;
	v1 =	vmul.f32 $8.000000000e+00, v1  }
0x1f4: {  	v6 =	vld [tilespmem:s8+$0xFFFFFFA0];
	[tilespmem:s5+$0x30] =	vst v0;
	v0 =	vmul.f32 $8.000000000e+00, v2  }
0x1f5: {  	v2 =	vld [tilespmem:s8+$0xFFFFFFB0];
	[tilespmem:s5+$0x40] =	vst v1;
	v1 =	vmul.f32 $8.000000000e+00, v3  }
0x1f6: {  	v3 =	vld [tilespmem:s8+$0xFFFFFFC0];
	v4 =	vmul.f32 $8.000000000e+00, v4;
	[tilespmem:s5+$0x50] =	vst v0  }
0x1f7: {  	v0 =	vld [tilespmem:s8+$0xFFFFFFD0];
	v7 =	vmul.f32 $8.000000000e+00, v7;
	[tilespmem:s5+$0x60] =	vst v1  }
0x1f8: {  	v1 =	vmul.f32 $8.000000000e+00, v5;
	v5 =	vld [tilespmem:s8+$0xFFFFFFE0];
	[tilespmem:s5+$0xFFFFFF80] =	vst v4;
	s5 =	smov.u32 s8  }
0x1f9: {  	v4 =	vmul.f32 $8.000000000e+00, v6;
	v6 =	vld [tilespmem:s8+$0xFFFFFFF0];
	[tilespmem:s8+$0x70] =	vst v7  }
0x1fa: {  	[tilespmem:s8+$0xFFFFFF90] =	vst v1;
	v1 =	vmul.f32 $8.000000000e+00, v2;
	v2 =	vld [tilespmem:s8+$0x0]  }
0x1fb: {  	[tilespmem:s8+$0xFFFFFFA0] =	vst v4;
	v3 =	vmul.f32 $8.000000000e+00, v3;
	v4 =	vld [tilespmem:s8+$0x10]  }
0x1fc: {  	[tilespmem:s8+$0xFFFFFFB0] =	vst v1;
	v1 =	vmul.f32 $8.000000000e+00, v0;
	v7 =	vld [tilespmem:s8+$0x20]  }
.Ltmp10:
0x1fd: {  	[tilespmem:s8+$0xFFFFFFC0] =	vst v3;
	v3 =	vmul.f32 $8.000000000e+00, v5;
	v0 =	vld [tilespmem:s8+$0x30];
	(pc) =	sbr.rel @p0 .LBB2_22-.Ltmp10, $4  }
0x1fe: {  	[tilespmem:s8+$0xFFFFFFD0] =	vst v1;
	v5 =	vmul.f32 $8.000000000e+00, v6;
	v1 =	vld [tilespmem:s8+$0x40]  }
0x1ff: {  	[tilespmem:s8+$0xFFFFFFE0] =	vst v3;
	v6 =	vmul.f32 $8.000000000e+00, v2;
	v2 =	vld [tilespmem:s8+$0x50]  }
0x200: {  	[tilespmem:s8+$0xFFFFFFF0] =	vst v5;
	v5 =	vmul.f32 $8.000000000e+00, v4;
	v3 =	vld [tilespmem:s8+$0x60]  }
0x201: {  	s8 =	sadd.s32 $0x100, s8;
	v4 =	vld [tilespmem:s5+$0xFFFFFF80];
	[tilespmem:s5+$0x0] =	vst v6;
	v6 =	vmul.f32 $8.000000000e+00, v7  }
0x202: {  	[tilespmem:s5+$0x10] =	vst v5;
	v0 =	vmul.f32 $8.000000000e+00, v0  }
0x203: {  	[tilespmem:s5+$0x20] =	vst v6;
	v1 =	vmul.f32 $8.000000000e+00, v1  }
0x204: {  	[tilespmem:s5+$0x30] =	vst v0;
	v0 =	vmul.f32 $8.000000000e+00, v2  }
0x205: {  	[tilespmem:s5+$0x40] =	vst v1;
	v1 =	vmul.f32 $8.000000000e+00, v3  }
0x206: {  	v2 =	vmul.f32 $8.000000000e+00, v4;
	[tilespmem:s5+$0x50] =	vst v0  }
0x207: {  	[tilespmem:s5+$0x60] =	vst v1  }
0x208: {  	[tilespmem:s5+$0xFFFFFF80] =	vst v2  }
0x209: {  	s5 =	rddreg [dreg:$0x9]  }
0x20a: {  	[hbm4b:s5+s3] =	stream.linear.scatter [tilespmem:s26], [sflag:$0x9], $0x2000, $0x38;
	[tilespmem:$0x16400] =	vst v63  }
0x20b: {  	_ =	swait.ge [sflag:s23], $0x2000  }
0x20c: {  	[sflag:s23] =	ssyncset.done $0x0  }
0x20d: {  	[sflag:s23] =	ssyncadd.s32 $0xFFFFE000  }
0x20e: {  	_ =	swait.ge [sflag:s15], $0x2000  }
0x20f: {  	[sflag:s15] =	ssyncset.done $0x0  }
0x210: {  	s5 =	simm.s32 $0xA480;
	[sflag:s15] =	ssyncadd.s32 $0xFFFFE000  }
0x211: {  	v0 =	vld [tilespmem:s5+$0x70]  }
0x212: {  	v1 =	vld [tilespmem:s5+$0xFFFFFF90]  }
0x213: {  	v2 =	vld [tilespmem:s5+$0xFFFFFFA0]  }
0x214: {  	v3 =	vld [tilespmem:s5+$0xFFFFFFB0]  }
0x215: {  	v4 =	vld [tilespmem:s5+$0xFFFFFFC0]  }
0x216: {  	v5 =	vld [tilespmem:s5+$0xFFFFFFD0];
	v0 =	vmul.f32 $8.000000000e+00, v0  }
0x217: {  	v6 =	vld [tilespmem:s5+$0xFFFFFFE0];
	v1 =	vmul.f32 $8.000000000e+00, v1  }
0x218: {  	v7 =	vld [tilespmem:s5+$0xFFFFFFF0];
	v2 =	vmul.f32 $8.000000000e+00, v2;
	[tilespmem:s5+$0x70] =	vst v0  }
0x219: {  	[tilespmem:s5+$0xFFFFFF90] =	vst v1;
	v0 =	vmul.f32 $8.000000000e+00, v3;
	v3 =	vld [tilespmem:s5+$0x0]  }
0x21a: {  	[tilespmem:s5+$0xFFFFFFA0] =	vst v2;
	v1 =	vmul.f32 $8.000000000e+00, v4;
	v4 =	vld [tilespmem:s5+$0x10]  }
0x21b: {  	v8 =	vld [tilespmem:s5+$0x20];
	v2 =	vmul.f32 $8.000000000e+00, v5;
	[tilespmem:s5+$0xFFFFFFB0] =	vst v0  }
0x21c: {  	v5 =	vmul.f32 $8.000000000e+00, v6;
	[tilespmem:s5+$0xFFFFFFC0] =	vst v1;
	v0 =	vld [tilespmem:s5+$0x30]  }
0x21d: {  	v6 =	vmul.f32 $8.000000000e+00, v7;
	[tilespmem:s5+$0xFFFFFFD0] =	vst v2;
	v1 =	vld [tilespmem:s5+$0x40]  }
0x21e: {  	[tilespmem:s5+$0xFFFFFFE0] =	vst v5;
	v2 =	vld [tilespmem:s5+$0x50];
	v7 =	vmul.f32 $8.000000000e+00, v3  }
0x21f: {  	[tilespmem:s5+$0xFFFFFFF0] =	vst v6;
	v3 =	vld [tilespmem:s5+$0x60];
	v5 =	vmul.f32 $8.000000000e+00, v4  }
0x220: {  	s7 =	simm.s32 $0x0;
	s8 =	simm.s32 $0xA580;
	v6 =	vmul.f32 $8.000000000e+00, v8;
	v4 =	vld [tilespmem:s5+$0xFFFFFF80];
	[tilespmem:s5+$0x0] =	vst v7  }
.LBB2_24:
0x221: {  	v7 =	vld [tilespmem:s8+$0x70];
	s7 =	sadd.s32 $0x4, s7;
	[tilespmem:s5+$0x10] =	vst v5;
	v0 =	vmul.f32 $8.000000000e+00, v0  }
0x222: {  	v5 =	vld [tilespmem:s8+$0xFFFFFF90];
	p0 =	slt.u32 s7, $0x7C;
	[tilespmem:s5+$0x20] =	vst v6;
	v1 =	vmul.f32 $8.000000000e+00, v1  }
0x223: {  	v6 =	vld [tilespmem:s8+$0xFFFFFFA0];
	[tilespmem:s5+$0x30] =	vst v0;
	v0 =	vmul.f32 $8.000000000e+00, v2  }
0x224: {  	v2 =	vld [tilespmem:s8+$0xFFFFFFB0];
	[tilespmem:s5+$0x40] =	vst v1;
	v1 =	vmul.f32 $8.000000000e+00, v3  }
0x225: {  	v3 =	vld [tilespmem:s8+$0xFFFFFFC0];
	v4 =	vmul.f32 $8.000000000e+00, v4;
	[tilespmem:s5+$0x50] =	vst v0  }
0x226: {  	v0 =	vld [tilespmem:s8+$0xFFFFFFD0];
	v7 =	vmul.f32 $8.000000000e+00, v7;
	[tilespmem:s5+$0x60] =	vst v1  }
0x227: {  	v1 =	vmul.f32 $8.000000000e+00, v5;
	v5 =	vld [tilespmem:s8+$0xFFFFFFE0];
	[tilespmem:s5+$0xFFFFFF80] =	vst v4;
	s5 =	smov.u32 s8  }
0x228: {  	v4 =	vmul.f32 $8.000000000e+00, v6;
	v6 =	vld [tilespmem:s8+$0xFFFFFFF0];
	[tilespmem:s8+$0x70] =	vst v7  }
0x229: {  	[tilespmem:s8+$0xFFFFFF90] =	vst v1;
	v1 =	vmul.f32 $8.000000000e+00, v2;
	v2 =	vld [tilespmem:s8+$0x0]  }
0x22a: {  	[tilespmem:s8+$0xFFFFFFA0] =	vst v4;
	v3 =	vmul.f32 $8.000000000e+00, v3;
	v4 =	vld [tilespmem:s8+$0x10]  }
0x22b: {  	[tilespmem:s8+$0xFFFFFFB0] =	vst v1;
	v1 =	vmul.f32 $8.000000000e+00, v0;
	v7 =	vld [tilespmem:s8+$0x20]  }
.Ltmp11:
0x22c: {  	[tilespmem:s8+$0xFFFFFFC0] =	vst v3;
	v3 =	vmul.f32 $8.000000000e+00, v5;
	v0 =	vld [tilespmem:s8+$0x30];
	(pc) =	sbr.rel @p0 .LBB2_24-.Ltmp11, $4  }
0x22d: {  	[tilespmem:s8+$0xFFFFFFD0] =	vst v1;
	v5 =	vmul.f32 $8.000000000e+00, v6;
	v1 =	vld [tilespmem:s8+$0x40]  }
0x22e: {  	[tilespmem:s8+$0xFFFFFFE0] =	vst v3;
	v6 =	vmul.f32 $8.000000000e+00, v2;
	v2 =	vld [tilespmem:s8+$0x50]  }
0x22f: {  	[tilespmem:s8+$0xFFFFFFF0] =	vst v5;
	v5 =	vmul.f32 $8.000000000e+00, v4;
	v3 =	vld [tilespmem:s8+$0x60]  }
0x230: {  	s8 =	sadd.s32 $0x100, s8;
	v4 =	vld [tilespmem:s5+$0xFFFFFF80];
	[tilespmem:s5+$0x0] =	vst v6;
	v6 =	vmul.f32 $8.000000000e+00, v7  }
0x231: {  	[tilespmem:s5+$0x10] =	vst v5;
	v0 =	vmul.f32 $8.000000000e+00, v0  }
0x232: {  	[tilespmem:s5+$0x20] =	vst v6;
	v1 =	vmul.f32 $8.000000000e+00, v1  }
0x233: {  	[tilespmem:s5+$0x30] =	vst v0;
	v0 =	vmul.f32 $8.000000000e+00, v2  }
0x234: {  	[tilespmem:s5+$0x40] =	vst v1;
	v1 =	vmul.f32 $8.000000000e+00, v3  }
0x235: {  	v2 =	vmul.f32 $8.000000000e+00, v4;
	[tilespmem:s5+$0x50] =	vst v0  }
0x236: {  	[tilespmem:s5+$0x60] =	vst v1  }
0x237: {  	[tilespmem:s5+$0xFFFFFF80] =	vst v2  }
0x238: {  	s5 =	rddreg [dreg:$0xa]  }
0x239: {  	[hbm4b:s5+s3] =	stream.linear.scatter [tilespmem:s29], [sflag:$0x9], $0x2000, $0x38;
	[tilespmem:$0x16400] =	vst v63  }
0x23a: {  	_ =	swait.ge [sflag:s23], $0x2000  }
0x23b: {  	[sflag:s23] =	ssyncset.done $0x0  }
0x23c: {  	[sflag:s23] =	ssyncadd.s32 $0xFFFFE000  }
0x23d: {  	_ =	swait.ge [sflag:s16], $0x2000  }
0x23e: {  	[sflag:s16] =	ssyncset.done $0x0  }
0x23f: {  	s5 =	simm.s32 $0xC480;
	[sflag:s16] =	ssyncadd.s32 $0xFFFFE000  }
0x240: {  	v0 =	vld [tilespmem:s5+$0x70]  }
0x241: {  	v1 =	vld [tilespmem:s5+$0xFFFFFF90]  }
0x242: {  	v2 =	vld [tilespmem:s5+$0xFFFFFFA0]  }
0x243: {  	v3 =	vld [tilespmem:s5+$0xFFFFFFB0]  }
0x244: {  	v4 =	vld [tilespmem:s5+$0xFFFFFFC0]  }
0x245: {  	v5 =	vld [tilespmem:s5+$0xFFFFFFD0];
	v0 =	vmul.f32 $8.000000000e+00, v0  }
0x246: {  	v6 =	vld [tilespmem:s5+$0xFFFFFFE0];
	v1 =	vmul.f32 $8.000000000e+00, v1  }
0x247: {  	v7 =	vld [tilespmem:s5+$0xFFFFFFF0];
	v2 =	vmul.f32 $8.000000000e+00, v2;
	[tilespmem:s5+$0x70] =	vst v0  }
0x248: {  	[tilespmem:s5+$0xFFFFFF90] =	vst v1;
	v0 =	vmul.f32 $8.000000000e+00, v3;
	v3 =	vld [tilespmem:s5+$0x0]  }
0x249: {  	[tilespmem:s5+$0xFFFFFFA0] =	vst v2;
	v1 =	vmul.f32 $8.000000000e+00, v4;
	v4 =	vld [tilespmem:s5+$0x10]  }
0x24a: {  	v8 =	vld [tilespmem:s5+$0x20];
	v2 =	vmul.f32 $8.000000000e+00, v5;
	[tilespmem:s5+$0xFFFFFFB0] =	vst v0  }
0x24b: {  	v5 =	vmul.f32 $8.000000000e+00, v6;
	[tilespmem:s5+$0xFFFFFFC0] =	vst v1;
	v0 =	vld [tilespmem:s5+$0x30]  }
0x24c: {  	v6 =	vmul.f32 $8.000000000e+00, v7;
	[tilespmem:s5+$0xFFFFFFD0] =	vst v2;
	v1 =	vld [tilespmem:s5+$0x40]  }
0x24d: {  	[tilespmem:s5+$0xFFFFFFE0] =	vst v5;
	v2 =	vld [tilespmem:s5+$0x50];
	v7 =	vmul.f32 $8.000000000e+00, v3  }
0x24e: {  	[tilespmem:s5+$0xFFFFFFF0] =	vst v6;
	v3 =	vld [tilespmem:s5+$0x60];
	v5 =	vmul.f32 $8.000000000e+00, v4  }
0x24f: {  	s7 =	simm.s32 $0x0;
	s8 =	simm.s32 $0xC580;
	v6 =	vmul.f32 $8.000000000e+00, v8;
	v4 =	vld [tilespmem:s5+$0xFFFFFF80];
	[tilespmem:s5+$0x0] =	vst v7  }
.LBB2_26:
0x250: {  	v7 =	vld [tilespmem:s8+$0x70];
	s7 =	sadd.s32 $0x4, s7;
	[tilespmem:s5+$0x10] =	vst v5;
	v0 =	vmul.f32 $8.000000000e+00, v0  }
0x251: {  	v5 =	vld [tilespmem:s8+$0xFFFFFF90];
	p0 =	slt.u32 s7, $0x7C;
	[tilespmem:s5+$0x20] =	vst v6;
	v1 =	vmul.f32 $8.000000000e+00, v1  }
0x252: {  	v6 =	vld [tilespmem:s8+$0xFFFFFFA0];
	[tilespmem:s5+$0x30] =	vst v0;
	v0 =	vmul.f32 $8.000000000e+00, v2  }
0x253: {  	v2 =	vld [tilespmem:s8+$0xFFFFFFB0];
	[tilespmem:s5+$0x40] =	vst v1;
	v1 =	vmul.f32 $8.000000000e+00, v3  }
0x254: {  	v3 =	vld [tilespmem:s8+$0xFFFFFFC0];
	v4 =	vmul.f32 $8.000000000e+00, v4;
	[tilespmem:s5+$0x50] =	vst v0  }
0x255: {  	v0 =	vld [tilespmem:s8+$0xFFFFFFD0];
	v7 =	vmul.f32 $8.000000000e+00, v7;
	[tilespmem:s5+$0x60] =	vst v1  }
0x256: {  	v1 =	vmul.f32 $8.000000000e+00, v5;
	v5 =	vld [tilespmem:s8+$0xFFFFFFE0];
	[tilespmem:s5+$0xFFFFFF80] =	vst v4;
	s5 =	smov.u32 s8  }
0x257: {  	v4 =	vmul.f32 $8.000000000e+00, v6;
	v6 =	vld [tilespmem:s8+$0xFFFFFFF0];
	[tilespmem:s8+$0x70] =	vst v7  }
0x258: {  	[tilespmem:s8+$0xFFFFFF90] =	vst v1;
	v1 =	vmul.f32 $8.000000000e+00, v2;
	v2 =	vld [tilespmem:s8+$0x0]  }
0x259: {  	[tilespmem:s8+$0xFFFFFFA0] =	vst v4;
	v3 =	vmul.f32 $8.000000000e+00, v3;
	v4 =	vld [tilespmem:s8+$0x10]  }
0x25a: {  	[tilespmem:s8+$0xFFFFFFB0] =	vst v1;
	v1 =	vmul.f32 $8.000000000e+00, v0;
	v7 =	vld [tilespmem:s8+$0x20]  }
.Ltmp12:
0x25b: {  	[tilespmem:s8+$0xFFFFFFC0] =	vst v3;
	v3 =	vmul.f32 $8.000000000e+00, v5;
	v0 =	vld [tilespmem:s8+$0x30];
	(pc) =	sbr.rel @p0 .LBB2_26-.Ltmp12, $4  }
0x25c: {  	[tilespmem:s8+$0xFFFFFFD0] =	vst v1;
	v5 =	vmul.f32 $8.000000000e+00, v6;
	v1 =	vld [tilespmem:s8+$0x40]  }
0x25d: {  	[tilespmem:s8+$0xFFFFFFE0] =	vst v3;
	v6 =	vmul.f32 $8.000000000e+00, v2;
	v2 =	vld [tilespmem:s8+$0x50]  }
0x25e: {  	[tilespmem:s8+$0xFFFFFFF0] =	vst v5;
	v5 =	vmul.f32 $8.000000000e+00, v4;
	v3 =	vld [tilespmem:s8+$0x60]  }
0x25f: {  	s8 =	sadd.s32 $0x100, s8;
	v4 =	vld [tilespmem:s5+$0xFFFFFF80];
	[tilespmem:s5+$0x0] =	vst v6;
	v6 =	vmul.f32 $8.000000000e+00, v7  }
0x260: {  	[tilespmem:s5+$0x10] =	vst v5;
	v0 =	vmul.f32 $8.000000000e+00, v0  }
0x261: {  	[tilespmem:s5+$0x20] =	vst v6;
	v1 =	vmul.f32 $8.000000000e+00, v1  }
0x262: {  	[tilespmem:s5+$0x30] =	vst v0;
	v0 =	vmul.f32 $8.000000000e+00, v2  }
0x263: {  	[tilespmem:s5+$0x40] =	vst v1;
	v1 =	vmul.f32 $8.000000000e+00, v3  }
0x264: {  	v2 =	vmul.f32 $8.000000000e+00, v4;
	[tilespmem:s5+$0x50] =	vst v0  }
0x265: {  	[tilespmem:s5+$0x60] =	vst v1  }
0x266: {  	[tilespmem:s5+$0xFFFFFF80] =	vst v2  }
0x267: {  	s5 =	rddreg [dreg:$0xb]  }
0x268: {  	[hbm4b:s5+s3] =	stream.linear.scatter [tilespmem:s31], [sflag:$0x9], $0x2000, $0x38;
	[tilespmem:$0x16400] =	vst v63  }
0x269: {  	_ =	swait.ge [sflag:s23], $0x2000  }
0x26a: {  	[sflag:s23] =	ssyncset.done $0x0  }
0x26b: {  	[sflag:s23] =	ssyncadd.s32 $0xFFFFE000  }
0x26c: {  	_ =	swait.ge [sflag:s17], $0x2000  }
0x26d: {  	[sflag:s17] =	ssyncset.done $0x0  }
0x26e: {  	s5 =	simm.s32 $0xE480;
	[sflag:s17] =	ssyncadd.s32 $0xFFFFE000  }
0x26f: {  	v0 =	vld [tilespmem:s5+$0x70]  }
0x270: {  	v1 =	vld [tilespmem:s5+$0xFFFFFF90]  }
0x271: {  	v2 =	vld [tilespmem:s5+$0xFFFFFFA0]  }
0x272: {  	v3 =	vld [tilespmem:s5+$0xFFFFFFB0]  }
0x273: {  	v4 =	vld [tilespmem:s5+$0xFFFFFFC0]  }
0x274: {  	v5 =	vld [tilespmem:s5+$0xFFFFFFD0];
	v0 =	vmul.f32 $8.000000000e+00, v0  }
0x275: {  	v6 =	vld [tilespmem:s5+$0xFFFFFFE0];
	v1 =	vmul.f32 $8.000000000e+00, v1  }
0x276: {  	v7 =	vld [tilespmem:s5+$0xFFFFFFF0];
	v2 =	vmul.f32 $8.000000000e+00, v2;
	[tilespmem:s5+$0x70] =	vst v0  }
0x277: {  	[tilespmem:s5+$0xFFFFFF90] =	vst v1;
	v0 =	vmul.f32 $8.000000000e+00, v3;
	v3 =	vld [tilespmem:s5+$0x0]  }
0x278: {  	[tilespmem:s5+$0xFFFFFFA0] =	vst v2;
	v1 =	vmul.f32 $8.000000000e+00, v4;
	v4 =	vld [tilespmem:s5+$0x10]  }
0x279: {  	v8 =	vld [tilespmem:s5+$0x20];
	v2 =	vmul.f32 $8.000000000e+00, v5;
	[tilespmem:s5+$0xFFFFFFB0] =	vst v0  }
0x27a: {  	v5 =	vmul.f32 $8.000000000e+00, v6;
	[tilespmem:s5+$0xFFFFFFC0] =	vst v1;
	v0 =	vld [tilespmem:s5+$0x30]  }
0x27b: {  	v6 =	vmul.f32 $8.000000000e+00, v7;
	[tilespmem:s5+$0xFFFFFFD0] =	vst v2;
	v1 =	vld [tilespmem:s5+$0x40]  }
0x27c: {  	[tilespmem:s5+$0xFFFFFFE0] =	vst v5;
	v2 =	vld [tilespmem:s5+$0x50];
	v7 =	vmul.f32 $8.000000000e+00, v3  }
0x27d: {  	[tilespmem:s5+$0xFFFFFFF0] =	vst v6;
	v3 =	vld [tilespmem:s5+$0x60];
	v5 =	vmul.f32 $8.000000000e+00, v4  }
0x27e: {  	s7 =	simm.s32 $0x0;
	s8 =	simm.s32 $0xE580;
	v6 =	vmul.f32 $8.000000000e+00, v8;
	v4 =	vld [tilespmem:s5+$0xFFFFFF80];
	[tilespmem:s5+$0x0] =	vst v7  }
.LBB2_28:
0x27f: {  	v7 =	vld [tilespmem:s8+$0x70];
	s7 =	sadd.s32 $0x4, s7;
	[tilespmem:s5+$0x10] =	vst v5;
	v0 =	vmul.f32 $8.000000000e+00, v0  }
0x280: {  	v5 =	vld [tilespmem:s8+$0xFFFFFF90];
	p0 =	slt.u32 s7, $0x7C;
	[tilespmem:s5+$0x20] =	vst v6;
	v1 =	vmul.f32 $8.000000000e+00, v1  }
0x281: {  	v6 =	vld [tilespmem:s8+$0xFFFFFFA0];
	[tilespmem:s5+$0x30] =	vst v0;
	v0 =	vmul.f32 $8.000000000e+00, v2  }
0x282: {  	v2 =	vld [tilespmem:s8+$0xFFFFFFB0];
	[tilespmem:s5+$0x40] =	vst v1;
	v1 =	vmul.f32 $8.000000000e+00, v3  }
0x283: {  	v3 =	vld [tilespmem:s8+$0xFFFFFFC0];
	v4 =	vmul.f32 $8.000000000e+00, v4;
	[tilespmem:s5+$0x50] =	vst v0  }
0x284: {  	v0 =	vld [tilespmem:s8+$0xFFFFFFD0];
	v7 =	vmul.f32 $8.000000000e+00, v7;
	[tilespmem:s5+$0x60] =	vst v1  }
0x285: {  	v1 =	vmul.f32 $8.000000000e+00, v5;
	v5 =	vld [tilespmem:s8+$0xFFFFFFE0];
	[tilespmem:s5+$0xFFFFFF80] =	vst v4;
	s5 =	smov.u32 s8  }
0x286: {  	v4 =	vmul.f32 $8.000000000e+00, v6;
	v6 =	vld [tilespmem:s8+$0xFFFFFFF0];
	[tilespmem:s8+$0x70] =	vst v7  }
0x287: {  	[tilespmem:s8+$0xFFFFFF90] =	vst v1;
	v1 =	vmul.f32 $8.000000000e+00, v2;
	v2 =	vld [tilespmem:s8+$0x0]  }
0x288: {  	[tilespmem:s8+$0xFFFFFFA0] =	vst v4;
	v3 =	vmul.f32 $8.000000000e+00, v3;
	v4 =	vld [tilespmem:s8+$0x10]  }
0x289: {  	[tilespmem:s8+$0xFFFFFFB0] =	vst v1;
	v1 =	vmul.f32 $8.000000000e+00, v0;
	v7 =	vld [tilespmem:s8+$0x20]  }
.Ltmp13:
0x28a: {  	[tilespmem:s8+$0xFFFFFFC0] =	vst v3;
	v3 =	vmul.f32 $8.000000000e+00, v5;
	v0 =	vld [tilespmem:s8+$0x30];
	(pc) =	sbr.rel @p0 .LBB2_28-.Ltmp13, $4  }
0x28b: {  	[tilespmem:s8+$0xFFFFFFD0] =	vst v1;
	v5 =	vmul.f32 $8.000000000e+00, v6;
	v1 =	vld [tilespmem:s8+$0x40]  }
0x28c: {  	[tilespmem:s8+$0xFFFFFFE0] =	vst v3;
	v6 =	vmul.f32 $8.000000000e+00, v2;
	v2 =	vld [tilespmem:s8+$0x50]  }
0x28d: {  	[tilespmem:s8+$0xFFFFFFF0] =	vst v5;
	v5 =	vmul.f32 $8.000000000e+00, v4;
	v3 =	vld [tilespmem:s8+$0x60]  }
0x28e: {  	s8 =	sadd.s32 $0x100, s8;
	v4 =	vld [tilespmem:s5+$0xFFFFFF80];
	[tilespmem:s5+$0x0] =	vst v6;
	v6 =	vmul.f32 $8.000000000e+00, v7  }
0x28f: {  	[tilespmem:s5+$0x10] =	vst v5;
	v0 =	vmul.f32 $8.000000000e+00, v0  }
0x290: {  	[tilespmem:s5+$0x20] =	vst v6;
	v1 =	vmul.f32 $8.000000000e+00, v1  }
0x291: {  	[tilespmem:s5+$0x30] =	vst v0;
	v0 =	vmul.f32 $8.000000000e+00, v2  }
0x292: {  	[tilespmem:s5+$0x40] =	vst v1;
	v1 =	vmul.f32 $8.000000000e+00, v3  }
0x293: {  	v2 =	vmul.f32 $8.000000000e+00, v4;
	[tilespmem:s5+$0x50] =	vst v0  }
0x294: {  	[tilespmem:s5+$0x60] =	vst v1  }
0x295: {  	[tilespmem:s5+$0xFFFFFF80] =	vst v2  }
0x296: {  	s5 =	rddreg [dreg:$0xc]  }
0x297: {  	[hbm4b:s5+s3] =	stream.linear.scatter [tilespmem:s0], [sflag:$0x9], $0x2000, $0x38;
	[tilespmem:$0x16400] =	vst v63  }
0x298: {  	_ =	swait.ge [sflag:s23], $0x2000  }
0x299: {  	[sflag:s23] =	ssyncset.done $0x0  }
0x29a: {  	[sflag:s23] =	ssyncadd.s32 $0xFFFFE000  }
0x29b: {  	_ =	swait.ge [sflag:s18], $0x2000  }
0x29c: {  	[sflag:s18] =	ssyncset.done $0x0  }
0x29d: {  	s5 =	simm.s32 $0x10480;
	[sflag:s18] =	ssyncadd.s32 $0xFFFFE000  }
0x29e: {  	v0 =	vld [tilespmem:s5+$0x70]  }
0x29f: {  	v1 =	vld [tilespmem:s5+$0xFFFFFF90]  }
0x2a0: {  	v2 =	vld [tilespmem:s5+$0xFFFFFFA0]  }
0x2a1: {  	v3 =	vld [tilespmem:s5+$0xFFFFFFB0]  }
0x2a2: {  	v4 =	vld [tilespmem:s5+$0xFFFFFFC0]  }
0x2a3: {  	v5 =	vld [tilespmem:s5+$0xFFFFFFD0];
	v0 =	vmul.f32 $8.000000000e+00, v0  }
0x2a4: {  	v6 =	vld [tilespmem:s5+$0xFFFFFFE0];
	v1 =	vmul.f32 $8.000000000e+00, v1  }
0x2a5: {  	v7 =	vld [tilespmem:s5+$0xFFFFFFF0];
	v2 =	vmul.f32 $8.000000000e+00, v2;
	[tilespmem:s5+$0x70] =	vst v0  }
0x2a6: {  	[tilespmem:s5+$0xFFFFFF90] =	vst v1;
	v0 =	vmul.f32 $8.000000000e+00, v3;
	v3 =	vld [tilespmem:s5+$0x0]  }
0x2a7: {  	[tilespmem:s5+$0xFFFFFFA0] =	vst v2;
	v1 =	vmul.f32 $8.000000000e+00, v4;
	v4 =	vld [tilespmem:s5+$0x10]  }
0x2a8: {  	v8 =	vld [tilespmem:s5+$0x20];
	v2 =	vmul.f32 $8.000000000e+00, v5;
	[tilespmem:s5+$0xFFFFFFB0] =	vst v0  }
0x2a9: {  	v5 =	vmul.f32 $8.000000000e+00, v6;
	[tilespmem:s5+$0xFFFFFFC0] =	vst v1;
	v0 =	vld [tilespmem:s5+$0x30]  }
0x2aa: {  	v6 =	vmul.f32 $8.000000000e+00, v7;
	[tilespmem:s5+$0xFFFFFFD0] =	vst v2;
	v1 =	vld [tilespmem:s5+$0x40]  }
0x2ab: {  	[tilespmem:s5+$0xFFFFFFE0] =	vst v5;
	v2 =	vld [tilespmem:s5+$0x50];
	v7 =	vmul.f32 $8.000000000e+00, v3  }
0x2ac: {  	[tilespmem:s5+$0xFFFFFFF0] =	vst v6;
	v3 =	vld [tilespmem:s5+$0x60];
	v5 =	vmul.f32 $8.000000000e+00, v4  }
0x2ad: {  	s7 =	simm.s32 $0x0;
	s8 =	simm.s32 $0x10580;
	v6 =	vmul.f32 $8.000000000e+00, v8;
	v4 =	vld [tilespmem:s5+$0xFFFFFF80];
	[tilespmem:s5+$0x0] =	vst v7  }
.LBB2_30:
0x2ae: {  	v7 =	vld [tilespmem:s8+$0x70];
	s7 =	sadd.s32 $0x4, s7;
	[tilespmem:s5+$0x10] =	vst v5;
	v0 =	vmul.f32 $8.000000000e+00, v0  }
0x2af: {  	v5 =	vld [tilespmem:s8+$0xFFFFFF90];
	p0 =	slt.u32 s7, $0x7C;
	[tilespmem:s5+$0x20] =	vst v6;
	v1 =	vmul.f32 $8.000000000e+00, v1  }
0x2b0: {  	v6 =	vld [tilespmem:s8+$0xFFFFFFA0];
	[tilespmem:s5+$0x30] =	vst v0;
	v0 =	vmul.f32 $8.000000000e+00, v2  }
0x2b1: {  	v2 =	vld [tilespmem:s8+$0xFFFFFFB0];
	[tilespmem:s5+$0x40] =	vst v1;
	v1 =	vmul.f32 $8.000000000e+00, v3  }
0x2b2: {  	v3 =	vld [tilespmem:s8+$0xFFFFFFC0];
	v4 =	vmul.f32 $8.000000000e+00, v4;
	[tilespmem:s5+$0x50] =	vst v0  }
0x2b3: {  	v0 =	vld [tilespmem:s8+$0xFFFFFFD0];
	v7 =	vmul.f32 $8.000000000e+00, v7;
	[tilespmem:s5+$0x60] =	vst v1  }
0x2b4: {  	v1 =	vmul.f32 $8.000000000e+00, v5;
	v5 =	vld [tilespmem:s8+$0xFFFFFFE0];
	[tilespmem:s5+$0xFFFFFF80] =	vst v4;
	s5 =	smov.u32 s8  }
0x2b5: {  	v4 =	vmul.f32 $8.000000000e+00, v6;
	v6 =	vld [tilespmem:s8+$0xFFFFFFF0];
	[tilespmem:s8+$0x70] =	vst v7  }
0x2b6: {  	[tilespmem:s8+$0xFFFFFF90] =	vst v1;
	v1 =	vmul.f32 $8.000000000e+00, v2;
	v2 =	vld [tilespmem:s8+$0x0]  }
0x2b7: {  	[tilespmem:s8+$0xFFFFFFA0] =	vst v4;
	v3 =	vmul.f32 $8.000000000e+00, v3;
	v4 =	vld [tilespmem:s8+$0x10]  }
0x2b8: {  	[tilespmem:s8+$0xFFFFFFB0] =	vst v1;
	v1 =	vmul.f32 $8.000000000e+00, v0;
	v7 =	vld [tilespmem:s8+$0x20]  }
.Ltmp14:
0x2b9: {  	[tilespmem:s8+$0xFFFFFFC0] =	vst v3;
	v3 =	vmul.f32 $8.000000000e+00, v5;
	v0 =	vld [tilespmem:s8+$0x30];
	(pc) =	sbr.rel @p0 .LBB2_30-.Ltmp14, $4  }
0x2ba: {  	[tilespmem:s8+$0xFFFFFFD0] =	vst v1;
	v5 =	vmul.f32 $8.000000000e+00, v6;
	v1 =	vld [tilespmem:s8+$0x40]  }
0x2bb: {  	[tilespmem:s8+$0xFFFFFFE0] =	vst v3;
	v6 =	vmul.f32 $8.000000000e+00, v2;
	v2 =	vld [tilespmem:s8+$0x50]  }
0x2bc: {  	[tilespmem:s8+$0xFFFFFFF0] =	vst v5;
	v5 =	vmul.f32 $8.000000000e+00, v4;
	v3 =	vld [tilespmem:s8+$0x60]  }
0x2bd: {  	s8 =	sadd.s32 $0x100, s8;
	v4 =	vld [tilespmem:s5+$0xFFFFFF80];
	[tilespmem:s5+$0x0] =	vst v6;
	v6 =	vmul.f32 $8.000000000e+00, v7  }
0x2be: {  	[tilespmem:s5+$0x10] =	vst v5;
	v0 =	vmul.f32 $8.000000000e+00, v0  }
0x2bf: {  	[tilespmem:s5+$0x20] =	vst v6;
	v1 =	vmul.f32 $8.000000000e+00, v1  }
0x2c0: {  	[tilespmem:s5+$0x30] =	vst v0;
	v0 =	vmul.f32 $8.000000000e+00, v2  }
0x2c1: {  	[tilespmem:s5+$0x40] =	vst v1;
	v1 =	vmul.f32 $8.000000000e+00, v3  }
0x2c2: {  	v2 =	vmul.f32 $8.000000000e+00, v4;
	[tilespmem:s5+$0x50] =	vst v0  }
0x2c3: {  	[tilespmem:s5+$0x60] =	vst v1  }
0x2c4: {  	[tilespmem:s5+$0xFFFFFF80] =	vst v2  }
0x2c5: {  	s5 =	rddreg [dreg:$0xd]  }
0x2c6: {  	[hbm4b:s5+s3] =	stream.linear.scatter [tilespmem:s30], [sflag:$0x9], $0x2000, $0x38;
	[tilespmem:$0x16400] =	vst v63  }
0x2c7: {  	_ =	swait.ge [sflag:s23], $0x2000  }
0x2c8: {  	[sflag:s23] =	ssyncset.done $0x0  }
0x2c9: {  	[sflag:s23] =	ssyncadd.s32 $0xFFFFE000  }
0x2ca: {  	_ =	swait.ge [sflag:s19], $0x2000  }
0x2cb: {  	[sflag:s19] =	ssyncset.done $0x0  }
0x2cc: {  	s5 =	simm.s32 $0x12480;
	[sflag:s19] =	ssyncadd.s32 $0xFFFFE000  }
0x2cd: {  	v0 =	vld [tilespmem:s5+$0x70]  }
0x2ce: {  	v1 =	vld [tilespmem:s5+$0xFFFFFF90]  }
0x2cf: {  	v2 =	vld [tilespmem:s5+$0xFFFFFFA0]  }
0x2d0: {  	v3 =	vld [tilespmem:s5+$0xFFFFFFB0]  }
0x2d1: {  	v4 =	vld [tilespmem:s5+$0xFFFFFFC0]  }
0x2d2: {  	v5 =	vld [tilespmem:s5+$0xFFFFFFD0];
	v0 =	vmul.f32 $8.000000000e+00, v0  }
0x2d3: {  	v6 =	vld [tilespmem:s5+$0xFFFFFFE0];
	v1 =	vmul.f32 $8.000000000e+00, v1  }
0x2d4: {  	v7 =	vld [tilespmem:s5+$0xFFFFFFF0];
	v2 =	vmul.f32 $8.000000000e+00, v2;
	[tilespmem:s5+$0x70] =	vst v0  }
0x2d5: {  	[tilespmem:s5+$0xFFFFFF90] =	vst v1;
	v0 =	vmul.f32 $8.000000000e+00, v3;
	v3 =	vld [tilespmem:s5+$0x0]  }
0x2d6: {  	[tilespmem:s5+$0xFFFFFFA0] =	vst v2;
	v1 =	vmul.f32 $8.000000000e+00, v4;
	v4 =	vld [tilespmem:s5+$0x10]  }
0x2d7: {  	v8 =	vld [tilespmem:s5+$0x20];
	v2 =	vmul.f32 $8.000000000e+00, v5;
	[tilespmem:s5+$0xFFFFFFB0] =	vst v0  }
0x2d8: {  	v5 =	vmul.f32 $8.000000000e+00, v6;
	[tilespmem:s5+$0xFFFFFFC0] =	vst v1;
	v0 =	vld [tilespmem:s5+$0x30]  }
0x2d9: {  	v6 =	vmul.f32 $8.000000000e+00, v7;
	[tilespmem:s5+$0xFFFFFFD0] =	vst v2;
	v1 =	vld [tilespmem:s5+$0x40]  }
0x2da: {  	[tilespmem:s5+$0xFFFFFFE0] =	vst v5;
	v2 =	vld [tilespmem:s5+$0x50];
	v7 =	vmul.f32 $8.000000000e+00, v3  }
0x2db: {  	[tilespmem:s5+$0xFFFFFFF0] =	vst v6;
	v3 =	vld [tilespmem:s5+$0x60];
	v5 =	vmul.f32 $8.000000000e+00, v4  }
0x2dc: {  	s7 =	simm.s32 $0x0;
	s8 =	simm.s32 $0x12580;
	v6 =	vmul.f32 $8.000000000e+00, v8;
	v4 =	vld [tilespmem:s5+$0xFFFFFF80];
	[tilespmem:s5+$0x0] =	vst v7  }
.LBB2_32:
0x2dd: {  	v7 =	vld [tilespmem:s8+$0x70];
	s7 =	sadd.s32 $0x4, s7;
	[tilespmem:s5+$0x10] =	vst v5;
	v0 =	vmul.f32 $8.000000000e+00, v0  }
0x2de: {  	v5 =	vld [tilespmem:s8+$0xFFFFFF90];
	p0 =	slt.u32 s7, $0x7C;
	[tilespmem:s5+$0x20] =	vst v6;
	v1 =	vmul.f32 $8.000000000e+00, v1  }
0x2df: {  	v6 =	vld [tilespmem:s8+$0xFFFFFFA0];
	[tilespmem:s5+$0x30] =	vst v0;
	v0 =	vmul.f32 $8.000000000e+00, v2  }
0x2e0: {  	v2 =	vld [tilespmem:s8+$0xFFFFFFB0];
	[tilespmem:s5+$0x40] =	vst v1;
	v1 =	vmul.f32 $8.000000000e+00, v3  }
0x2e1: {  	v3 =	vld [tilespmem:s8+$0xFFFFFFC0];
	v4 =	vmul.f32 $8.000000000e+00, v4;
	[tilespmem:s5+$0x50] =	vst v0  }
0x2e2: {  	v0 =	vld [tilespmem:s8+$0xFFFFFFD0];
	v7 =	vmul.f32 $8.000000000e+00, v7;
	[tilespmem:s5+$0x60] =	vst v1  }
0x2e3: {  	v1 =	vmul.f32 $8.000000000e+00, v5;
	v5 =	vld [tilespmem:s8+$0xFFFFFFE0];
	[tilespmem:s5+$0xFFFFFF80] =	vst v4;
	s5 =	smov.u32 s8  }
0x2e4: {  	v4 =	vmul.f32 $8.000000000e+00, v6;
	v6 =	vld [tilespmem:s8+$0xFFFFFFF0];
	[tilespmem:s8+$0x70] =	vst v7  }
0x2e5: {  	[tilespmem:s8+$0xFFFFFF90] =	vst v1;
	v1 =	vmul.f32 $8.000000000e+00, v2;
	v2 =	vld [tilespmem:s8+$0x0]  }
0x2e6: {  	[tilespmem:s8+$0xFFFFFFA0] =	vst v4;
	v3 =	vmul.f32 $8.000000000e+00, v3;
	v4 =	vld [tilespmem:s8+$0x10]  }
0x2e7: {  	[tilespmem:s8+$0xFFFFFFB0] =	vst v1;
	v1 =	vmul.f32 $8.000000000e+00, v0;
	v7 =	vld [tilespmem:s8+$0x20]  }
.Ltmp15:
0x2e8: {  	[tilespmem:s8+$0xFFFFFFC0] =	vst v3;
	v3 =	vmul.f32 $8.000000000e+00, v5;
	v0 =	vld [tilespmem:s8+$0x30];
	(pc) =	sbr.rel @p0 .LBB2_32-.Ltmp15, $4  }
0x2e9: {  	[tilespmem:s8+$0xFFFFFFD0] =	vst v1;
	v5 =	vmul.f32 $8.000000000e+00, v6;
	v1 =	vld [tilespmem:s8+$0x40]  }
0x2ea: {  	[tilespmem:s8+$0xFFFFFFE0] =	vst v3;
	v6 =	vmul.f32 $8.000000000e+00, v2;
	v2 =	vld [tilespmem:s8+$0x50]  }
0x2eb: {  	[tilespmem:s8+$0xFFFFFFF0] =	vst v5;
	v5 =	vmul.f32 $8.000000000e+00, v4;
	v3 =	vld [tilespmem:s8+$0x60]  }
0x2ec: {  	s8 =	sadd.s32 $0x100, s8;
	v4 =	vld [tilespmem:s5+$0xFFFFFF80];
	[tilespmem:s5+$0x0] =	vst v6;
	v6 =	vmul.f32 $8.000000000e+00, v7  }
0x2ed: {  	[tilespmem:s5+$0x10] =	vst v5;
	v0 =	vmul.f32 $8.000000000e+00, v0  }
0x2ee: {  	[tilespmem:s5+$0x20] =	vst v6;
	v1 =	vmul.f32 $8.000000000e+00, v1  }
0x2ef: {  	[tilespmem:s5+$0x30] =	vst v0;
	v0 =	vmul.f32 $8.000000000e+00, v2  }
0x2f0: {  	[tilespmem:s5+$0x40] =	vst v1;
	v1 =	vmul.f32 $8.000000000e+00, v3  }
0x2f1: {  	v2 =	vmul.f32 $8.000000000e+00, v4;
	[tilespmem:s5+$0x50] =	vst v0  }
0x2f2: {  	[tilespmem:s5+$0x60] =	vst v1  }
0x2f3: {  	[tilespmem:s5+$0xFFFFFF80] =	vst v2  }
0x2f4: {  	s5 =	rddreg [dreg:$0xe]  }
0x2f5: {  	[hbm4b:s5+s3] =	stream.linear.scatter [tilespmem:s28], [sflag:$0x9], $0x2000, $0x38;
	[tilespmem:$0x16400] =	vst v63  }
0x2f6: {  	_ =	swait.ge [sflag:s23], $0x2000  }
0x2f7: {  	[sflag:s23] =	ssyncset.done $0x0  }
0x2f8: {  	[sflag:s23] =	ssyncadd.s32 $0xFFFFE000  }
0x2f9: {  	_ =	swait.ge [sflag:s20], $0x2000  }
0x2fa: {  	[sflag:s20] =	ssyncset.done $0x0  }
0x2fb: {  	s5 =	simm.s32 $0x14480;
	[sflag:s20] =	ssyncadd.s32 $0xFFFFE000  }
0x2fc: {  	v0 =	vld [tilespmem:s5+$0x70]  }
0x2fd: {  	v1 =	vld [tilespmem:s5+$0xFFFFFF90]  }
0x2fe: {  	v2 =	vld [tilespmem:s5+$0xFFFFFFA0]  }
0x2ff: {  	v3 =	vld [tilespmem:s5+$0xFFFFFFB0]  }
0x300: {  	v4 =	vld [tilespmem:s5+$0xFFFFFFC0]  }
0x301: {  	v5 =	vld [tilespmem:s5+$0xFFFFFFD0];
	v0 =	vmul.f32 $8.000000000e+00, v0  }
0x302: {  	v6 =	vld [tilespmem:s5+$0xFFFFFFE0];
	v1 =	vmul.f32 $8.000000000e+00, v1  }
0x303: {  	v7 =	vld [tilespmem:s5+$0xFFFFFFF0];
	v2 =	vmul.f32 $8.000000000e+00, v2;
	[tilespmem:s5+$0x70] =	vst v0  }
0x304: {  	[tilespmem:s5+$0xFFFFFF90] =	vst v1;
	v0 =	vmul.f32 $8.000000000e+00, v3;
	v3 =	vld [tilespmem:s5+$0x0]  }
0x305: {  	[tilespmem:s5+$0xFFFFFFA0] =	vst v2;
	v1 =	vmul.f32 $8.000000000e+00, v4;
	v4 =	vld [tilespmem:s5+$0x10]  }
0x306: {  	v8 =	vld [tilespmem:s5+$0x20];
	v2 =	vmul.f32 $8.000000000e+00, v5;
	[tilespmem:s5+$0xFFFFFFB0] =	vst v0  }
0x307: {  	v5 =	vmul.f32 $8.000000000e+00, v6;
	[tilespmem:s5+$0xFFFFFFC0] =	vst v1;
	v0 =	vld [tilespmem:s5+$0x30]  }
0x308: {  	v6 =	vmul.f32 $8.000000000e+00, v7;
	[tilespmem:s5+$0xFFFFFFD0] =	vst v2;
	v1 =	vld [tilespmem:s5+$0x40]  }
0x309: {  	[tilespmem:s5+$0xFFFFFFE0] =	vst v5;
	v2 =	vld [tilespmem:s5+$0x50];
	v7 =	vmul.f32 $8.000000000e+00, v3  }
0x30a: {  	[tilespmem:s5+$0xFFFFFFF0] =	vst v6;
	v3 =	vld [tilespmem:s5+$0x60];
	v5 =	vmul.f32 $8.000000000e+00, v4  }
0x30b: {  	s7 =	simm.s32 $0x0;
	s8 =	simm.s32 $0x14580;
	v6 =	vmul.f32 $8.000000000e+00, v8;
	v4 =	vld [tilespmem:s5+$0xFFFFFF80];
	[tilespmem:s5+$0x0] =	vst v7  }
.LBB2_34:
0x30c: {  	v7 =	vld [tilespmem:s8+$0x70];
	s7 =	sadd.s32 $0x4, s7;
	[tilespmem:s5+$0x10] =	vst v5;
	v0 =	vmul.f32 $8.000000000e+00, v0  }
0x30d: {  	v5 =	vld [tilespmem:s8+$0xFFFFFF90];
	p0 =	slt.u32 s7, $0x7C;
	[tilespmem:s5+$0x20] =	vst v6;
	v1 =	vmul.f32 $8.000000000e+00, v1  }
0x30e: {  	v6 =	vld [tilespmem:s8+$0xFFFFFFA0];
	[tilespmem:s5+$0x30] =	vst v0;
	v0 =	vmul.f32 $8.000000000e+00, v2  }
0x30f: {  	v2 =	vld [tilespmem:s8+$0xFFFFFFB0];
	[tilespmem:s5+$0x40] =	vst v1;
	v1 =	vmul.f32 $8.000000000e+00, v3  }
0x310: {  	v3 =	vld [tilespmem:s8+$0xFFFFFFC0];
	v4 =	vmul.f32 $8.000000000e+00, v4;
	[tilespmem:s5+$0x50] =	vst v0  }
0x311: {  	v0 =	vld [tilespmem:s8+$0xFFFFFFD0];
	v7 =	vmul.f32 $8.000000000e+00, v7;
	[tilespmem:s5+$0x60] =	vst v1  }
0x312: {  	v1 =	vmul.f32 $8.000000000e+00, v5;
	v5 =	vld [tilespmem:s8+$0xFFFFFFE0];
	[tilespmem:s5+$0xFFFFFF80] =	vst v4;
	s5 =	smov.u32 s8  }
0x313: {  	v4 =	vmul.f32 $8.000000000e+00, v6;
	v6 =	vld [tilespmem:s8+$0xFFFFFFF0];
	[tilespmem:s8+$0x70] =	vst v7  }
0x314: {  	[tilespmem:s8+$0xFFFFFF90] =	vst v1;
	v1 =	vmul.f32 $8.000000000e+00, v2;
	v2 =	vld [tilespmem:s8+$0x0]  }
0x315: {  	[tilespmem:s8+$0xFFFFFFA0] =	vst v4;
	v3 =	vmul.f32 $8.000000000e+00, v3;
	v4 =	vld [tilespmem:s8+$0x10]  }
0x316: {  	[tilespmem:s8+$0xFFFFFFB0] =	vst v1;
	v1 =	vmul.f32 $8.000000000e+00, v0;
	v7 =	vld [tilespmem:s8+$0x20]  }
.Ltmp16:
0x317: {  	[tilespmem:s8+$0xFFFFFFC0] =	vst v3;
	v3 =	vmul.f32 $8.000000000e+00, v5;
	v0 =	vld [tilespmem:s8+$0x30];
	(pc) =	sbr.rel @p0 .LBB2_34-.Ltmp16, $4  }
0x318: {  	[tilespmem:s8+$0xFFFFFFD0] =	vst v1;
	v5 =	vmul.f32 $8.000000000e+00, v6;
	v1 =	vld [tilespmem:s8+$0x40]  }
0x319: {  	[tilespmem:s8+$0xFFFFFFE0] =	vst v3;
	v6 =	vmul.f32 $8.000000000e+00, v2;
	v2 =	vld [tilespmem:s8+$0x50]  }
0x31a: {  	[tilespmem:s8+$0xFFFFFFF0] =	vst v5;
	v5 =	vmul.f32 $8.000000000e+00, v4;
	v3 =	vld [tilespmem:s8+$0x60]  }
0x31b: {  	s8 =	sadd.s32 $0x100, s8;
	v4 =	vld [tilespmem:s5+$0xFFFFFF80];
	[tilespmem:s5+$0x0] =	vst v6;
	v6 =	vmul.f32 $8.000000000e+00, v7  }
0x31c: {  	[tilespmem:s5+$0x10] =	vst v5;
	v0 =	vmul.f32 $8.000000000e+00, v0  }
0x31d: {  	[tilespmem:s5+$0x20] =	vst v6;
	v1 =	vmul.f32 $8.000000000e+00, v1  }
0x31e: {  	[tilespmem:s5+$0x30] =	vst v0;
	v61 =	vmul.f32 $8.000000000e+00, v2  }
0x31f: {  	[tilespmem:s5+$0x40] =	vst v1;
	v62 =	vmul.f32 $8.000000000e+00, v3  }
0x320: {  	v63 =	vmul.f32 $8.000000000e+00, v4;
	[tilespmem:s5+$0x50] =	vst v61  }
0x321: {  	[tilespmem:s5+$0x60] =	vst v62  }
0x322: {  	[tilespmem:s5+$0xFFFFFF80] =	vst v63  }
0x323: {  	s5 =	rddreg [dreg:$0xf]  }
0x324: {  	[hbm4b:s5+s3] =	stream.linear.scatter [tilespmem:s1], [sflag:$0x9], $0x2000, $0x38;
	[tilespmem:$0x16400] =	vst v63  }
0x325: {  	_ =	swait.ge [sflag:s23], $0x2000  }
0x326: {  	s7 =	rddreg [dreg:$0x11]  }
0x327: {  	s22 =	rddreg [dreg:$0x10];
	s7 =	sadd.s32 $0x1, s7  }
0x328: {  	p0 =	sne.s32 s7, s22  }
.Ltmp17:
0x329: {  	_ = 	snop;
	(pc) =	sbr.rel @p0 .LBB2_1-.Ltmp17, $3  }
0x32a: {  	_ =	sdelay $0x1  }
0x32b: {  	[sflag:s23] =	ssyncset.done $0x0  }
0x32c: {  	[sflag:s23] =	ssyncadd.s32 $0xFFFFE000  }
0x32d: {  	_ =	sfence.sel $0x180000  }
0x32e: {  	[bflag:$0x0] =	sbarrier.arrive $0xFFFF  }
0x32f: {  	_ =	strace $0x90000047  }
0x330: {  	s0 =	stileid.u32;
	[bflag:$0x2] =	sbarrier.arrive $0xFFFF  }
0x331: {  	p0 =	sne.s32 s0, $0x0;
	s0 =	rddreg [dreg:$0x2]  }
0x332: {  	s0 =	sadd.s32 @!p0 $0x100000, s0  }
0x333: {  	[sflag:s0] =	ssyncadd.tile.s32 @!p0 $0x1;
	_ =	shalt  }
.Lfunc_end2:
_tile_overlayer_lowered:
.L_overlay_start_2:
0x334: {  	(tag) =	ssettag $0x2  }
0x335: {  	s0 =	rddreg [dreg:$0x0];
	s2 =	stileid.u32  }
0x336: {  	s1 =	rddreg [dreg:$0x1];
	p0 =	sne.s32 s2, $0x0  }
0x337: {  	s3 =	rddreg [dreg:$0x2];
	[bflag:$0x3] =	sbarrier.arrive $0xFFFF;
	s2 =	simm.s32 @!p0 $0x1C09  }
0x338: {  	[timem:s3], [sflag:s2] =	dma.local @!p0 [hbm:s0], s1  }
0x339: {  	s0 =	simm.s32 @!p0 $0x9  }
0x33a: {  	_ =	swait.ge @!p0 [sflag:s0], s1  }
0x33b: {  	s1 =	ssub.s32 @!p0 $0x0, s1;
	[sflag:s0] =	ssyncset.done @!p0 $0x0  }
0x33c: {  	[sflag:s0] =	ssyncadd.s32 @!p0 s1  }
0x33d: {  	[bflag:$0x3] =	sbarrier.arrive $0xFFFF  }
0x33e: {  	_ =	shalt  }

// kernel: sparse-core-data-format-call.cloned.1.call-start
scs
called_computation_lowered:
.L_overlay_start_0:
0x0: {  	s2 =	sld [smem:$0x3FD9]  }
0x1: {  	s3 =	sld [smem:$0x3FFE];
	_ =	sdelay $0x1  }
0x2: {  	s1 =	srdreg.scid  }
0x3: {  	s0 =	sand.u32 $0x1, s1  }
0x4: {  	s18 =	sshll.u32 s0, $0xA;
	s2 =	sadd.s32 s3, s2  }
0x5: {  	s2 =	sadd.s32 s2, s18  }
0x6: {  	[smem:$0x3FC6] =	sst s2  }
0x7: {  	_ = 	snop  }
0x8: {  	s2 =	sld [smem:$0x3FD0];
	(tm) =	ssettm $0x1  }
0x9: {  	s19 =	sld [smem:$0x3FFB];
	_ =	sdelay $0x3  }
0xa: {  	_ =	strace s19  }
0xb: {  	s3 =	sld [smem:$0x3FFC];
	_ =	sdelay $0x3  }
0xc: {  	_ =	strace s3  }
0xd: {  	s3 =	sld [smem:$0x3FFD];
	_ =	sdelay $0x3  }
0xe: {  	_ =	strace s3  }
0xf: {  	_ =	strace $0x8FFFFFFF  }
0x10: {  	s20 =	sld [smem:$0x3FDB];
	_ =	sdelay $0x1  }
0x11: {  	s4 =	simm.s32 $_scs_section_size  }
0x12: {  	s5 =	simm.s32 $_size__tile_overlayer_lowered;
	s6 =	simm.s32 $_tile_overlayer_lowered  }
0x13: {  	s23 =	simm.s32 $0x1BFF;
	s22 =	sshll.u32 s6, $0x1;
	s3 =	sadd.s32 s4, s20  }
0x14: {  	s7 =	simm.s32 $0x0;
	s21 =	sshll.u32 s5, $0x1;
	s5 =	sadd.s32 s22, s3  }
0x15: {  	[timem:s7], [sflag:s23] =	dma.local [hbm:s5], s21  }
0x16: {  	_ =	swait.ge [sflag:s23], s21  }
0x17: {  	s4 =	ssub.s32 $0x0, s21;
	[sflag:s23] =	ssyncset.done $0x0  }
0x18: {  	[sflag:s23] =	ssyncadd.s32 s4;
	_ =	sdelay $0x1  }
0x19: {  	s24 =	simm.s32 $0x1B8B  }
0x1a: {  	_ =	swait.ge [sflag:s24], $0x1  }
0x1b: {  	[sflag:s24] =	ssyncset.done $0x0  }
0x1c: {  	s26 =	simm.s32 $0x1B8E;
	s25 =	sld [smem:$0x3FFE];
	[sflag:s24] =	ssyncadd.s32 $0xFFFFFFFF  }
0x1d: {  	s27 =	simm.s32 $execute0_lowered;
	[smem:$0x3FD2] =	sst s26  }
0x1e: {  	s5 =	sshll.u32 s27, $0x1;
	_ =	strace $0x80000049;
	[dreg:$0x1] =	wrdreg $0xFFFFFFFF  }
0x1f: {  	s28 =	simm.s32 $_size_execute0_lowered;
	s3 =	sadd.s32 s3, s5;
	[dreg:$0x0] =	wrdreg $0x0  }
0x20: {  	s5 =	sshll.u32 s28, $0x1;
	[dreg:$0x2] =	wrdreg s3  }
0x21: {  	[dreg:$0x3] =	wrdreg s5  }
0x22: {  	[dreg:$0x4] =	wrdreg $0xC0  }
0x23: {  	_ =	task [dreg:s7], $0x5FFFF  }
0x24: {  	[dreg:$0x1] =	wrdreg $0xFFFFFFFF  }
0x25: {  	[dreg:$0x0] =	wrdreg $0x60  }
0x26: {  	[dreg:$0x2] =	wrdreg s25  }
0x27: {  	[dreg:$0x3] =	wrdreg s2  }
0x28: {  	[dreg:$0x4] =	wrdreg $0x9  }
0x29: {  	_ =	task.clear_ibuf [dreg:s7], $0x5FFFF;
	_ =	strace $0x90000049  }
0x2a: {  	s29 =	simm.s32 $0x9;
	_ =	strace $0x8000004B  }
0x2b: {  	_ =	swait.ge [sflag:s29], $0x1  }
0x2c: {  	[sflag:s29] =	ssyncadd.s32 $0xFFFFFFFF  }
0x2d: {  	_ =	strace $0x9000004B  }
0x2e: {  	_ =	sfence  }
0x2f: {  	s30 =	sld [smem:$0x0];
	_ =	sdelay $0x2  }
0x30: {  	s31 =	sshll.u32 s1, $0xD;
	s1 =	sshrl.u32 s1, $0x2  }
0x31: {  	s3 =	sand.u32 $0x4000, s31;
	s1 =	sadd.s32 s1, s30  }
0x32: {  	s0 =	sor.u32 s3, s0;
	s1 =	sshll.u32 s1, $0x11  }
0x33: {  	s0 =	sor.u32 s1, s0  }
0x34: {  	s0 =	sadd.s32 $0x8F2B, s0  }
0x35: {  	[sflag:s0] =	ssyncadd.remote.s32 $0x1  }
0x36: {  	_ =	sfence.sel $0xFFFF  }
0x37: {  	[dreg:$0x0] =	wrdreg $0xFFFFFFFF;
	(pc) =	sbr.abs _section_cstart, $3  }
0x38: {  	[dreg:$0x1] =	wrdreg $0xFFFFFFFF  }
0x39: {  	_ =	task.clear_ibuf [dreg:s7], $0x2FFFF;
	_ =	strace $0x9FFFFFFF  }
0x3a: {  	(tm) =	ssettm $0x7FFFFFFF  }
0x3b: {  	_ =	shalt  }
tec
execute0_lowered:
.L_overlay_start_1:
0x0: {  	(tag) =	ssettag $0x1  }
0x1: {  	s0 =	srdreg.scid  }
0x2: {  	s1 =	sshll.u32 s0, $0x4  }
0x3: {  	s0 =	stileid.u32;
	s1 =	sand.u32 $0x10, s1  }
0x4: {  	s1 =	sor.u32 s0, s1  }
0x5: {  	s6 =	rddreg [dreg:$0x0];
	s4 =	simm.s32 $0x1;
	s2 =	sshll.u32 s1, $0x7  }
0x6: {  	s7 =	simm.s32 $0x2;
	s12 =	simm.s32 $0x0;
	s1 =	ssub.s32 $0x1000, s2  }
0x7: {  	s8 =	simm.s32 $0x8000;
	s13 =	simm.s32 $0x0;
	s3 =	sand.u32 $0xF80, s1  }
0x8: {  	s9 =	simm.s32 $0x0;
	s5 =	sshrl.u32 s1, $0xC;
	p0 =	sne.s32 s3, $0x0  }
.Ltmp0:
0x9: {  	s1 =	rddreg [dreg:$0x2];
	s4 =	simm.s32 @!p0 $0x0;
	(pc) =	sbr.rel .LBB1_1-.Ltmp0, $4  }
0xa: {  	s11 =	simm.s32 $0x0;
	s3 =	rddreg [dreg:$0x1];
	s5 =	sadd.s32 s4, s5  }
0xb: {  	_ =	strace $0x8000004A;
	s4 =	simm.s32 $0x1;
	s5 =	smul.u32 $0xC8, s5  }
0xc: {  	s6 =	sadd.s32 $0xA00, s6;
	s10 =	smov.u32 s2;
	[sflag:s4] =	ssyncpa.u1 $0x0  }
0xd: {  	p0 =	por $0x0, $0x0;
	[sflag:s7] =	ssyncpa.u1 $0x0;
	s7 =	sor.u32 $0x1, s5  }
.LBB1_4:
0xe: {  	s16 =	sshll.u32 s13, $0x3;
	s17 =	sand.u32 $0x78, s13  }
0xf: {  	s30 =	sand.u32 $0x7E00, s13;
	s12 =	sshll.u32 s12, $0xF;
	s16 =	sand.u32 $0xC00, s16  }
0x10: {  	[tilespmem:s15+$0x810 ss:$0x81] =	vst.msk $0xffff, v2;
	s31 =	sand.u32 $0x7, s13;
	s16 =	sor.u32 s17, s16;
	s17 =	sadd.s32 s3, s30  }
0x11: {  	[tilespmem:s15+$0x1020 ss:$0x81] =	vst.msk $0xffff, v0;
	s13 =	sshll.u32 s31, $0x12;
	s12 =	sadd.s32 s12, s17;
	s16 =	sshrl.u32 s16, $0x3  }
0x12: {  	[tilespmem:s15+$0x0 ss:$0x81] =	vst.msk $0xffff, v1;
	s13 =	sor.u32 $0x400, s13;
	s12 =	sadd.s32 s16, s12  }
0x13: {  	[hbm4b:s12+s13] =	stream.strided.scatter [tilespmem:s14], [sflag:$0x2], $0x2000, s8, s13, $0x20;
	[tilespmem:$0x8080] =	vst v63  }
.LBB1_5:
0x14: {  	s14 =	sadd.s32 $0x1, s9  }
0x15: {  	s12 =	sadd.s32 $0x1000, s10;
	s16 =	smov.u32 s10;
	p2 =	sgt.s32 s14, $0xC7  }
0x16: {  	s16 =	smov.u32 @p2 s12  }
0x17: {  	s14 =	simm.s32 @p2 $0x0;
	p2 =	sgt.s32 s16, $0xFFF  }
0x18: {  	s16 =	smov.u32 @p2 s2;
	p2 =	sne.s32 s11, s7  }
.Ltmp1:
0x19: {  	p1 =	slt.u32 s11, $0x2;
	(pc) =	sbr.rel @!p2 .LBB1_6-.Ltmp1, $4  }
0x1a: {  	s15 =	simm.s32 @!p1 $0x2  }
0x1b: {  	s13 =	smov.u32 s10;
	p0 =	por !p0, !p0;
	_ =	swait.ge @!p1 [sflag:s15], $0x2000  }
0x1c: {  	s12 =	smov.u32 s9;
	[sflag:s15] =	ssyncset.done @!p1 $0x0;
	s9 =	smov.u32 s14  }
0x1d: {  	s11 =	sadd.s32 $0x1, s11;
	[sflag:s15] =	ssyncadd.s32 @!p1 $0xFFFFE000;
	s10 =	smov.u32 s16  }
.LBB1_1:
0x1e: {  	p1 =	sge.u32 s11, s5  }
0x1f: {  	s14 =	sand.u32 @!p1 $0x1FFFFFF, s9  }
0x20: {  	s15 =	smulhi.u32 @!p1 $0x147AE15, s14;
	_ =	sdelay $0x1  }
0x21: {  	s15 =	smul.u32 @!p1 $0xC8, s15  }
0x22: {  	s16 =	sxor.u32 @!p1 $0xFFFFFFFF, s11;
	s17 =	smul.u32 @!p1 $0xC80, s10  }
0x23: {  	s31 =	sadd.s32 $0xFFFFFFFF, s11;
	s16 =	sshll.u32 @!p1 s16, $0xD;
	s14 =	ssub.s32 @!p1 s14, s15  }
0x24: {  	s15 =	sand.u32 @!p1 $0x2000, s16;
	s16 =	sadd.s32 @!p1 s6, s17;
	s14 =	sshll.u32 @!p1 s14, $0x4  }
0x25: {  	s17 =	simm.s32 @!p1 $0x6400;
	s14 =	sadd.s32 @!p1 s14, s16;
	s16 =	simm.s32 @!p1 $0x40  }
0x26: {  	[tilespmem:s15], [sflag:$0x1] =	stream.strided.gather @!p1 [hbm4b:s14+s16], $0x2000, s17, s16, $0x38;
	[tilespmem:$0x8080] =	vst v63  }
0x27: {  	p1 =	sge.u32 s31, s5  }
.Ltmp2:
0x28: {  	_ = 	snop;
	(pc) =	sbr.rel @p1 .LBB1_5-.Ltmp2, $1  }
0x29: {  	_ =	sdelay $0x3  }
0x2a: {  	s14 =	simm.s32 $0x1  }
0x2b: {  	_ =	swait.ge [sflag:s4], $0x2000;
	s14 =	simm.s32 @!p0 $0x0  }
0x2c: {  	[sflag:s4] =	ssyncset.done $0x0;
	s15 =	sshll.u32 s14, $0xD  }
0x2d: {  	[sflag:s4] =	ssyncadd.s32 $0xFFFFE000;
	s18 =	sor.u32 $0x20, s15  }
0x2e: {  	s14 =	smul.u32 $0x8100, s14;
	v3 =	vld [tilespmem:s18+$0x10]  }
0x2f: {  	s30 =	sand.u32 $0x1, s11;
	v2 =	vld [tilespmem:s18+$0xFFFFFFF0]  }
0x30: {  	s15 =	smul.u32 $0x8100, s30;
	s14 =	sshrl.u32 s14, $0x2;
	v0 =	vld [tilespmem:s18+$0x0]  }
0x31: {  	v1 =	vld [tilespmem:s18+$0xFFFFFFE0];
	s16 =	sor.u32 $0x4000, s14  }
0x32: {  	s31 =	sshrl.u32 s15, $0x2;
	s15 =	sadd.s32 $0x0, s16  }
0x33: {  	s17 =	simm.s32 $0x4;
	s18 =	sadd.s32 $0x40, s18;
	s14 =	sor.u32 $0x4000, s31;
	[tilespmem:s15+$0x1830 ss:$0x81] =	vst.msk $0xffff, v3  }
.LBB1_3:
0x34: {  	v3 =	vld [tilespmem:s18+$0x10];
	p1 =	sne.s32 s17, $0x1FC;
	[tilespmem:s15+$0x810 ss:$0x81] =	vst.msk $0xffff, v2;
	s19 =	smov.u32 s17;
	s17 =	sadd.s32 $0x4, s17  }
.Ltmp3:
0x35: {  	v2 =	vld [tilespmem:s18+$0xFFFFFFF0];
	[tilespmem:s15+$0x1020 ss:$0x81] =	vst.msk $0xffff, v0;
	(pc) =	sbr.rel @p1 .LBB1_3-.Ltmp3, $4  }
0x36: {  	v0 =	vld [tilespmem:s18+$0x0];
	[tilespmem:s15+$0x0 ss:$0x81] =	vst.msk $0xffff, v1  }
0x37: {  	s15 =	sshra.s32 s19, $0x2;
	v1 =	vld [tilespmem:s18+$0xFFFFFFE0]  }
0x38: {  	s15 =	sadd.s32 s15, s16  }
0x39: {  	s18 =	sadd.s32 $0x40, s18;
	[tilespmem:s15+$0x1830 ss:$0x81] =	vst.msk $0xffff, v3  }
.Ltmp4:
0x3a: {  	_ = 	snop;
	(pc) =	sbr.rel .LBB1_4-.Ltmp4, $1  }
0x3b: {  	_ =	sdelay $0x3  }
.LBB1_6:
0x3c: {  	_ =	sfence.sel $0x180000  }
0x3d: {  	s2 =	simm.s32 $0x1;
	[bflag:$0x0] =	sbarrier.arrive $0xFFFF  }
0x3e: {  	s31 =	simm.s32 $0x2;
	[sflag:s2] =	ssyncpa.u1 $0x1  }
0x3f: {  	[sflag:s31] =	ssyncpa.u1 $0x1  }
0x40: {  	p0 =	sne.s32 s0, $0x0;
	_ =	strace $0x9000004A  }
0x41: {  	s0 =	sadd.s32 @!p0 $0x100000, s1;
	[bflag:$0x2] =	sbarrier.arrive $0xFFFF  }
0x42: {  	[sflag:s0] =	ssyncadd.tile.s32 @!p0 $0x1;
	_ =	shalt  }
.Lfunc_end1:
_tile_overlayer_lowered:
.L_overlay_start_2:
0x43: {  	(tag) =	ssettag $0x2  }
0x44: {  	s0 =	rddreg [dreg:$0x0];
	s2 =	stileid.u32  }
0x45: {  	s1 =	rddreg [dreg:$0x1];
	p0 =	sne.s32 s2, $0x0  }
0x46: {  	s3 =	rddreg [dreg:$0x2];
	[bflag:$0x3] =	sbarrier.arrive $0xFFFF;
	s2 =	simm.s32 @!p0 $0x1C01  }
0x47: {  	[timem:s3], [sflag:s2] =	dma.local @!p0 [hbm:s0], s1  }
0x48: {  	s0 =	simm.s32 @!p0 $0x1  }
0x49: {  	_ =	swait.ge @!p0 [sflag:s0], s1  }
0x4a: {  	s1 =	ssub.s32 @!p0 $0x0, s1;
	[sflag:s0] =	ssyncset.done @!p0 $0x0  }
0x4b: {  	[sflag:s0] =	ssyncadd.s32 @!p0 s1  }
0x4c: {  	[bflag:$0x3] =	sbarrier.arrive $0xFFFF  }
0x4d: {  	_ =	shalt  }

</sc_bundles>
